<compile_context>
chip_gen: v7x
topology: tpu7x:2x2x1
jax: 0.10.2.dev20260603
libtpu: 0.0.44.dev20260713+nightly
codegen_flags: <defaults>
</compile_context>

<pallas_src>
import jax
import jax.numpy as jnp
from jax import lax
from jax.experimental import pallas as pl
from jax.experimental.pallas import tpu as pltpu
from jax.experimental.pallas import tpu_sc as plsc

N = 10000
E = 320000
D = 128
DH = D // 2
NRELS = 8
NTYPES = 4

NC = 2
NS = 16

EP = 327680
ET = EP // NS
C1 = 1024
C2 = 64
NTRASH = 8
NPK = N * NRELS


def _k1_body(f_ref, w_ref, y_ref):
    y_ref[...] = jnp.dot(f_ref[...], w_ref[0], preferred_element_type=jnp.float32)


def _edge_transform(feats, W_edge):
    BN = 2000
    NB = N // BN
    return pl.pallas_call(
        _k1_body,
        grid=(NRELS, NB),
        in_specs=[
            pl.BlockSpec((BN, D), lambda r, i: (i, 0)),
            pl.BlockSpec((1, D, D), lambda r, i: (r, 0, 0)),
        ],
        out_specs=pl.BlockSpec((BN, D), lambda r, i: (r * NB + i, 0)),
        out_shape=jax.ShapeDtypeStruct((NRELS * N, D), jnp.float32),
    )(feats, W_edge)


def _k2_body(epk_hbm, y_hbm,
             agg_hbm, cnt_hbm,
             eb1, onesb, pkb1,
             eb20, k2b0, pkb0, dsb0, sclb0, rows0, rowsh0, gs0, cs0,
             eb21, k2b1, pkb1b, dsb1, sclb1, rows1, rowsh1, gs1, cs1,
             zb1,
             counts_sp, agg_sp):
    c = lax.axis_index("c")
    s = lax.axis_index("s")

    def fill_z1(i, _):
        zb1[pl.ds(i * 16, 16)] = jnp.zeros((16,), jnp.float32)
        return 0

    lax.fori_loop(0, 5008 // 16, fill_z1, 0)

    def fill_z2(i, _):
        for j in range(DH // 16):
            rowsh0[i, pl.ds(j * 16, 16)] = jnp.zeros((16,), jnp.float32)
        return 0

    lax.fori_loop(0, C2, fill_z2, 0)

    def fill_ones(i, _):
        onesb[pl.ds(i * 16, 16)] = jnp.ones((16,), jnp.float32)
        return 0

    lax.fori_loop(0, C1 // 16, fill_ones, 0)

    @pl.when(s < NS - 1)
    def _():
        pltpu.sync_copy(zb1, counts_sp.at[pl.ds(s * 5008, 5008)])
        for j in range(9):
            pltpu.sync_copy(rowsh0, agg_sp.at[pl.ds(s * 624 + j * 64, 64)])
        pltpu.sync_copy(rowsh0.at[pl.ds(0, 48)],
                        agg_sp.at[pl.ds(s * 624 + 576, 48)])

    @pl.when(s == NS - 1)
    def _():
        pltpu.sync_copy(zb1.at[pl.ds(0, 4896)],
                        counts_sp.at[pl.ds(15 * 5008, 4896)])
        for j in range(10):
            pltpu.sync_copy(rowsh0, agg_sp.at[pl.ds(15 * 624 + j * 64, 64)])
        pltpu.sync_copy(rowsh0.at[pl.ds(0, NTRASH)],
                        agg_sp.at[pl.ds(N, NTRASH)])

    plsc.subcore_barrier()

    def count_chunk(k, _):
        base = (s * ET + k * C1) * 3
        pltpu.sync_copy(epk_hbm.at[pl.ds(base, C1 * 3)], eb1)

        def mk_pk(i, _):
            blk = (i // 4) * 192
            off = pl.ds(blk + 64 + (i % 4) * 16, 16)
            off2 = pl.ds(blk + 128 + (i % 4) * 16, 16)
            pkb1[pl.ds(i * 16, 16)] = eb1[off] * NRELS + eb1[off2]
            return 0

        lax.fori_loop(0, C1 // 16, mk_pk, 0)
        pltpu.sync_copy(onesb, counts_sp.at[pkb1], add=True)
        return 0

    lax.fori_loop(0, ET // C1, count_chunk, 0)
    plsc.subcore_barrier()

    @pl.when(s < NS - 1)
    def _():
        cs = pl.ds(s * 5008, 5008)
        pltpu.sync_copy(counts_sp.at[cs], zb1)

        def recip(i, _):
            off = pl.ds(i * 16, 16)
            zb1[off] = 1.0 / zb1[off]
            return 0

        lax.fori_loop(0, 5008 // 16, recip, 0)
        pltpu.sync_copy(zb1, counts_sp.at[cs])

    @pl.when(s == NS - 1)
    def _():
        cs = pl.ds(15 * 5008, 4896)
        zs = pl.ds(0, 4896)
        pltpu.sync_copy(counts_sp.at[cs], zb1.at[zs])

        def recip(i, _):
            off = pl.ds(i * 16, 16)
            zb1[off] = 1.0 / zb1[off]
            return 0

        lax.fori_loop(0, 4896 // 16, recip, 0)
        pltpu.sync_copy(zb1.at[zs], counts_sp.at[cs])
    plsc.subcore_barrier()

    sets = ((eb20, k2b0, pkb0, dsb0, sclb0, rows0, rowsh0, gs0, cs0),
            (eb21, k2b1, pkb1b, dsb1, sclb1, rows1, rowsh1, gs1, cs1))

    def ek_load(kidx, eb, k2, pk, ds_):
        base = (s * ET + kidx * C2) * 3
        pltpu.sync_copy(epk_hbm.at[pl.ds(base, C2 * 3)], eb)

        def mk_keys(i, _):
            off = pl.ds(i * 16, 16)
            off2 = pl.ds(64 + i * 16, 16)
            off3 = pl.ds(128 + i * 16, 16)
            et = eb[off3]
            k2[off] = et * N + eb[off]
            pk[off] = eb[off2] * NRELS + et
            ds_[off] = eb[off2]
            return 0

        lax.fori_loop(0, C2 // 16, mk_keys, 0)

    def g_start(k2, pk, rows, scl, gs, cs):
        dy = pltpu.async_copy(y_hbm.at[k2], rows, gs)
        dc = pltpu.async_copy(counts_sp.at[pk], scl, cs)
        return dy, dc

    def scale_scatter(rows, rowsh, scl, ds_):
        def scale_row(i, _):
            sv = plsc.load_gather(scl, [jnp.full((16,), i, jnp.int32)])
            for j in range(DH // 16):
                rowsh[i, pl.ds(j * 16, 16)] = (
                    rows[i, pl.ds(c * DH + j * 16, 16)] * sv)
            return 0

        lax.fori_loop(0, C2, scale_row, 0, unroll=4)
        pltpu.sync_copy(rowsh, agg_sp.at[ds_], add=True)

    def t_ek(kidx, t):
        ek_load(kidx, t[0], t[1], t[2], t[3])

    def t_gstart(t):
        return g_start(t[1], t[2], t[5], t[4], t[7], t[8])

    def t_ss(t):
        scale_scatter(t[5], t[6], t[4], t[3])

    def one_chunk(k, _):
        t_ek(k, sets[0])
        dca = pltpu.async_copy(counts_sp.at[sets[0][2]], sets[0][4], sets[0][8])
        dya = pltpu.async_copy(y_hbm.at[sets[0][1]], sets[0][5], sets[0][7])
        dya.wait()
        dca.wait()
        t_ss(sets[0])
        return 0

    lax.fori_loop(0, ET // C2, one_chunk, 0)
    plsc.subcore_barrier()

    @pl.when(s < NS - 1)
    def _():
        for off in range(0, 576, 64):
            sp = pl.ds(s * 624 + off, 64)
            pltpu.sync_copy(agg_sp.at[sp], rowsh0)
            pltpu.sync_copy(rowsh0, agg_hbm.at[c, sp])
        sp = pl.ds(s * 624 + 576, 48)
        pltpu.sync_copy(agg_sp.at[sp], rowsh0.at[pl.ds(0, 48)])
        pltpu.sync_copy(rowsh0.at[pl.ds(0, 48)], agg_hbm.at[c, sp])

    @pl.when(s == NS - 1)
    def _():
        for off in range(0, 640, 64):
            sp = pl.ds(15 * 624 + off, 64)
            pltpu.sync_copy(agg_sp.at[sp], rowsh0)
            pltpu.sync_copy(rowsh0, agg_hbm.at[c, sp])

    @pl.when(jnp.logical_and(c == 0, s < NS - 1))
    def _():
        cs = pl.ds(s * 5008, 5008)
        pltpu.sync_copy(counts_sp.at[cs], zb1)
        pltpu.sync_copy(zb1, cnt_hbm.at[cs])

    @pl.when(jnp.logical_and(c == 0, s == NS - 1))
    def _():
        cs = pl.ds(15 * 5008, 4880)
        pltpu.sync_copy(counts_sp.at[cs], zb1.at[pl.ds(0, 4880)])
        pltpu.sync_copy(zb1.at[pl.ds(0, 4880)], cnt_hbm.at[cs])


def _sc_aggregate(epacked, y):
    mesh = plsc.VectorSubcoreMesh(core_axis_name="c", subcore_axis_name="s",
                                  num_cores=NC, num_subcores=NS)
    fn = pl.kernel(
        _k2_body,
        out_type=[
            jax.ShapeDtypeStruct((NC, N, DH), jnp.float32),
            jax.ShapeDtypeStruct((NPK,), jnp.float32),
        ],
        mesh=mesh,
        compiler_params=pltpu.CompilerParams(needs_layout_passes=False),
        scratch_types=[
            pltpu.VMEM((C1 * 3,), jnp.int32),
            pltpu.VMEM((C1,), jnp.float32),
            pltpu.VMEM((C1,), jnp.int32),
            pltpu.VMEM((C2 * 3,), jnp.int32),
            pltpu.VMEM((C2,), jnp.int32),
            pltpu.VMEM((C2,), jnp.int32),
            pltpu.VMEM((C2,), jnp.int32),
            pltpu.VMEM((C2,), jnp.float32),
            pltpu.VMEM((C2, D), jnp.float32),
            pltpu.VMEM((C2, DH), jnp.float32),
            pltpu.SemaphoreType.DMA,
            pltpu.SemaphoreType.DMA,
            pltpu.VMEM((C2 * 3,), jnp.int32),
            pltpu.VMEM((C2,), jnp.int32),
            pltpu.VMEM((C2,), jnp.int32),
            pltpu.VMEM((C2,), jnp.int32),
            pltpu.VMEM((C2,), jnp.float32),
            pltpu.VMEM((C2, D), jnp.float32),
            pltpu.VMEM((C2, DH), jnp.float32),
            pltpu.SemaphoreType.DMA,
            pltpu.SemaphoreType.DMA,
            pltpu.VMEM((5008,), jnp.float32),
            pltpu.VMEM_SHARED((NPK + 16, ), jnp.float32),
            pltpu.VMEM_SHARED((N + NTRASH, DH), jnp.float32),
        ],
    )
    return fn(epacked, y)


def _k3_body(f_ref, oh_ref, wn_ref, bn_ref, agg_ref, cnt_ref, be_ref, o_ref):
    f = f_ref[...]
    oh = oh_ref[...]
    acc = jnp.concatenate([agg_ref[0], agg_ref[1]], axis=-1)
    acc += oh @ bn_ref[...]
    nz = (cnt_ref[...] > 0.0).astype(jnp.float32)
    acc += nz @ be_ref[...]
    for t in range(NTYPES):
        acc += oh[:, t:t + 1] * jnp.dot(f, wn_ref[t], preferred_element_type=jnp.float32)
    o_ref[...] = jnp.maximum(acc, 0.0)


def _combine(feats, onehot, W_node, b_node, aggp, cnt, b_edge):
    BN = 2000
    NB = N // BN
    return pl.pallas_call(
        _k3_body,
        grid=(NB,),
        in_specs=[
            pl.BlockSpec((BN, D), lambda i: (i, 0)),
            pl.BlockSpec((BN, NTYPES), lambda i: (i, 0)),
            pl.BlockSpec((NTYPES, D, D), lambda i: (0, 0, 0)),
            pl.BlockSpec((NTYPES, D), lambda i: (0, 0)),
            pl.BlockSpec((2, BN, DH), lambda i: (0, i, 0)),
            pl.BlockSpec((BN, NRELS), lambda i: (i, 0)),
            pl.BlockSpec((NRELS, D), lambda i: (0, 0)),
        ],
        out_specs=pl.BlockSpec((BN, D), lambda i: (i, 0)),
        out_shape=jax.ShapeDtypeStruct((N, D), jnp.float32),
    )(feats, onehot, W_node, b_node, aggp, cnt, b_edge)


@jax.jit
def kernel(feats, edge_index, ntypes, etypes, W_node, b_node, W_edge, b_edge):
    npad = EP - E
    src = jnp.concatenate([edge_index[0], jnp.zeros((npad,), jnp.int32)])
    dst = jnp.concatenate([edge_index[1], jnp.full((npad,), N, jnp.int32)])
    etp = jnp.concatenate([etypes, jnp.zeros((npad,), jnp.int32)])
    epacked = jnp.stack([src.reshape(-1, 64), dst.reshape(-1, 64),
                         etp.reshape(-1, 64)], axis=1).reshape(-1)
    epacked = jnp.concatenate([epacked, jnp.zeros((C2 * 3,), jnp.int32)])
    y = _edge_transform(feats, W_edge)
    aggp, counts = _sc_aggregate(epacked, y)
    onehot = jax.nn.one_hot(ntypes, NTYPES, dtype=jnp.float32)
    cnt2d = counts.reshape(N, NRELS)
    return _combine(feats, onehot, W_node, b_node, aggp, cnt2d, b_edge)

# --- scband reference (transcript-rebuilt; emitter-appended) ---
"""Pipeline reference for scband-ergcnconv-83056077570511 (READ-ONLY COPY).

The authoritative reference and input builder live on the scoring server;
editing this copy changes nothing except your own understanding.
"""

import jax, jax.numpy as jnp
import numpy as np

N = 10000
E = 320000
D = 128
N_NODE_TYPES = 4
N_RELS = 8

def setup_inputs(seed: int = 0):
    key = jax.random.key(seed)
    k = jax.random.split(key, 6)
    feats = jax.random.normal(k[0], (N, D), dtype=jnp.float32)
    edge_index = jax.random.randint(k[1], (2, E), 0, N, dtype=jnp.int32)
    ntypes = jax.random.randint(k[2], (N,), 0, N_NODE_TYPES, dtype=jnp.int32)
    etypes = jax.random.randint(k[3], (E,), 0, N_RELS, dtype=jnp.int32)
    W_node = jax.random.normal(k[4], (N_NODE_TYPES, D, D), dtype=jnp.float32) / np.sqrt(D)
    b_node = jnp.zeros((N_NODE_TYPES, D), dtype=jnp.float32)
    W_edge = jax.random.normal(k[5], (N_RELS, D, D), dtype=jnp.float32) / np.sqrt(D)
    b_edge = jnp.zeros((N_RELS, D), dtype=jnp.float32)
    return {"feats": feats, "edge_index": edge_index, "ntypes": ntypes, "etypes": etypes,
            "W_node": W_node, "b_node": b_node, "W_edge": W_edge, "b_edge": b_edge}

def reference(feats, edge_index, ntypes, etypes, W_node, b_node, W_edge, b_edge):
    src = edge_index[0]
    dst = edge_index[1]
    # fc_edge applied to source features, conditioned on edge type.
    # Equivalent to gathering W_edge[etypes] per edge, but computed as
    # per-relation transforms followed by a (etype, src) gather to avoid
    # materializing E x D x D weights.
    edge_trans = jnp.einsum('nd,rdo->rno', feats, W_edge) + b_edge[:, None, :]  # [R, N, D]
    msg = edge_trans[etypes, src]  # [E, D]
    # Per-destination, per-relation counts (mean over each relation's messages,
    # then sum over relations) -- matches update_func's one_hot count division.
    pair_keys = dst * N_RELS + etypes
    counts = jax.ops.segment_sum(jnp.ones((E,), jnp.float32), pair_keys, num_segments=N * N_RELS)
    cnt_e = jnp.take(counts, pair_keys, axis=0)
    msg = msg / cnt_e[:, None]
    agg = jax.ops.segment_sum(msg, dst, num_segments=N)  # [N, D]
    # fc_node conditioned on node type
    node_trans = jnp.einsum('nd,tdo->tno', feats, W_node) + b_node[:, None, :]  # [T, N, D]
    node_out = node_trans[ntypes, jnp.arange(N)]  # [N, D]
    out = jax.nn.relu(node_out + agg)
    # F.dropout result is discarded in the original forward, so it is a no-op.
    return out

if __name__ == "__main__":
    import jax
    _d = setup_inputs()
    print(jax.jit(kernel)(*tuple(_d.values())))

</pallas_src>

<mosaic_0001>
#map = affine_map<(d0, d1) -> (0)>
#map1 = affine_map<(d0, d1) -> (0, 0)>
#map2 = affine_map<(d0, d1) -> (0, 0, 0)>
module attributes {stable_mosaic.version = 14 : i64} {
  func.func @_k2_body(%arg0: i32, %arg1: i32, %arg2: memref<983232xi32, #tpu.memory_space<hbm>>, %arg3: memref<80000x128xf32, #tpu.memory_space<hbm>>, %arg4: memref<2x10000x64xf32, #tpu.memory_space<hbm>>, %arg5: memref<80000xf32, #tpu.memory_space<hbm>>, %arg6: memref<3072xi32, #tpu.memory_space<vmem>>, %arg7: memref<1024xf32, #tpu.memory_space<vmem>>, %arg8: memref<1024xi32, #tpu.memory_space<vmem>>, %arg9: memref<192xi32, #tpu.memory_space<vmem>>, %arg10: memref<64xi32, #tpu.memory_space<vmem>>, %arg11: memref<64xi32, #tpu.memory_space<vmem>>, %arg12: memref<64xi32, #tpu.memory_space<vmem>>, %arg13: memref<64xf32, #tpu.memory_space<vmem>>, %arg14: memref<64x128xf32, #tpu.memory_space<vmem>>, %arg15: memref<64x64xf32, #tpu.memory_space<vmem>>, %arg16: memref<!tpu.dma_semaphore, #tpu.memory_space<semaphore_mem>>, %arg17: memref<!tpu.dma_semaphore, #tpu.memory_space<semaphore_mem>>, %arg18: memref<192xi32, #tpu.memory_space<vmem>>, %arg19: memref<64xi32, #tpu.memory_space<vmem>>, %arg20: memref<64xi32, #tpu.memory_space<vmem>>, %arg21: memref<64xi32, #tpu.memory_space<vmem>>, %arg22: memref<64xf32, #tpu.memory_space<vmem>>, %arg23: memref<64x128xf32, #tpu.memory_space<vmem>>, %arg24: memref<64x64xf32, #tpu.memory_space<vmem>>, %arg25: memref<!tpu.dma_semaphore, #tpu.memory_space<semaphore_mem>>, %arg26: memref<!tpu.dma_semaphore, #tpu.memory_space<semaphore_mem>>, %arg27: memref<5008xf32, #tpu.memory_space<vmem>>, %arg28: memref<80016xf32, #tpu.memory_space<vmem_shared>>, %arg29: memref<10008x64xf32, #tpu.memory_space<vmem_shared>>) attributes {dimension_semantics = [#tpu.dimension_semantics<core_parallel>, #tpu.dimension_semantics<subcore_parallel>], iteration_bounds = array<i64: 2, 16>, scalar_prefetch = 0 : i64, scratch_operands = 24 : i64, tpu.core_type = #tpu.core_type<sc_vector_subcore>, window_params = [{transform_indices = #map}, {transform_indices = #map1}, {transform_indices = #map2}, {transform_indices = #map}]} {
    %scan3A = arith.constant 0 : i32
    %scan3A_0 = arith.constant 0 : i32
    %scan3A_1 = arith.constant 313 : i32
    %scan3A_2 = arith.addi %scan3A_0, %scan3A_1 : i32
    %scan3A_3 = arith.constant 1 : i32
    %scan3A_4 = scf.for %scan3A_78 = %scan3A_0 to %scan3A_2 step %scan3A_3 iter_args(%scan3A_79 = %scan3A) -> (i32)  : i32 {
      %broadcast_in_dim3A = arith.constant 0.000000e+00 : f32
      %broadcast_in_dim3A_80 = vector.broadcast %broadcast_in_dim3A : f32 to vector<16xf32>
      %mul3A = arith.constant 16 : i32
      %mul3A_81 = arith.muli %scan3A_78, %mul3A : i32
      %swap3A = arith.index_cast %mul3A_81 : i32 to index
      %swap3A_82 = tpu.vector_load %arg27[%swap3A] {strides = array<i32>} : memref<5008xf32, #tpu.memory_space<vmem>>, vector<16xf32>,
      tpu.vector_store %arg27[%swap3A], %broadcast_in_dim3A_80 {strides = array<i32>} : memref<5008xf32, #tpu.memory_space<vmem>>, vector<16xf32>,
      %scan3A_83 = arith.constant 0 : i32
      scf.yield %scan3A_83 : i32
    }
    %scan3A_5 = arith.constant 313 : i32
    %scan3A_6 = arith.constant 0 : i32
    %scan3A_7 = arith.constant 0 : i32
    %scan3A_8 = arith.constant 64 : i32
    %scan3A_9 = arith.addi %scan3A_7, %scan3A_8 : i32
    %scan3A_10 = arith.constant 1 : i32
    %scan3A_11 = scf.for %scan3A_78 = %scan3A_7 to %scan3A_9 step %scan3A_10 iter_args(%scan3A_79 = %scan3A_6) -> (i32)  : i32 {
      %broadcast_in_dim3A = arith.constant 0.000000e+00 : f32
      %broadcast_in_dim3A_80 = vector.broadcast %broadcast_in_dim3A : f32 to vector<16xf32>
      %swap3A = arith.index_cast %scan3A_78 : i32 to index
      %swap3A_81 = arith.constant 0 : index
      %swap3A_82 = tpu.vector_load %arg15[%swap3A, %swap3A_81] {strides = array<i32>} : memref<64x64xf32, #tpu.memory_space<vmem>>, vector<16xf32>,
      tpu.vector_store %arg15[%swap3A, %swap3A_81], %broadcast_in_dim3A_80 {strides = array<i32>} : memref<64x64xf32, #tpu.memory_space<vmem>>, vector<16xf32>,
      %broadcast_in_dim3A_83 = arith.constant 0.000000e+00 : f32
      %broadcast_in_dim3A_84 = vector.broadcast %broadcast_in_dim3A_83 : f32 to vector<16xf32>
      %swap3A_85 = arith.index_cast %scan3A_78 : i32 to index
      %swap3A_86 = arith.constant 16 : index
      %swap3A_87 = tpu.vector_load %arg15[%swap3A_85, %swap3A_86] {strides = array<i32>} : memref<64x64xf32, #tpu.memory_space<vmem>>, vector<16xf32>,
      tpu.vector_store %arg15[%swap3A_85, %swap3A_86], %broadcast_in_dim3A_84 {strides = array<i32>} : memref<64x64xf32, #tpu.memory_space<vmem>>, vector<16xf32>,
      %broadcast_in_dim3A_88 = arith.constant 0.000000e+00 : f32
      %broadcast_in_dim3A_89 = vector.broadcast %broadcast_in_dim3A_88 : f32 to vector<16xf32>
      %swap3A_90 = arith.index_cast %scan3A_78 : i32 to index
      %swap3A_91 = arith.constant 32 : index
      %swap3A_92 = tpu.vector_load %arg15[%swap3A_90, %swap3A_91] {strides = array<i32>} : memref<64x64xf32, #tpu.memory_space<vmem>>, vector<16xf32>,
      tpu.vector_store %arg15[%swap3A_90, %swap3A_91], %broadcast_in_dim3A_89 {strides = array<i32>} : memref<64x64xf32, #tpu.memory_space<vmem>>, vector<16xf32>,
      %broadcast_in_dim3A_93 = arith.constant 0.000000e+00 : f32
      %broadcast_in_dim3A_94 = vector.broadcast %broadcast_in_dim3A_93 : f32 to vector<16xf32>
      %swap3A_95 = arith.index_cast %scan3A_78 : i32 to index
      %swap3A_96 = arith.constant 48 : index
      %swap3A_97 = tpu.vector_load %arg15[%swap3A_95, %swap3A_96] {strides = array<i32>} : memref<64x64xf32, #tpu.memory_space<vmem>>, vector<16xf32>,
      tpu.vector_store %arg15[%swap3A_95, %swap3A_96], %broadcast_in_dim3A_94 {strides = array<i32>} : memref<64x64xf32, #tpu.memory_space<vmem>>, vector<16xf32>,
      %scan3A_98 = arith.constant 0 : i32
      scf.yield %scan3A_98 : i32
    }
    %scan3A_12 = arith.constant 64 : i32
    %scan3A_13 = arith.constant 0 : i32
    %scan3A_14 = arith.constant 0 : i32
    %scan3A_15 = arith.constant 64 : i32
    %scan3A_16 = arith.addi %scan3A_14, %scan3A_15 : i32
    %scan3A_17 = arith.constant 1 : i32
    %scan3A_18 = scf.for %scan3A_78 = %scan3A_14 to %scan3A_16 step %scan3A_17 iter_args(%scan3A_79 = %scan3A_13) -> (i32)  : i32 {
      %broadcast_in_dim3A = arith.constant 1.000000e+00 : f32
      %broadcast_in_dim3A_80 = vector.broadcast %broadcast_in_dim3A : f32 to vector<16xf32>
      %mul3A = arith.constant 16 : i32
      %mul3A_81 = arith.muli %scan3A_78, %mul3A : i32
      %swap3A = arith.index_cast %mul3A_81 : i32 to index
      %swap3A_82 = tpu.vector_load %arg7[%swap3A] {strides = array<i32>} : memref<1024xf32, #tpu.memory_space<vmem>>, vector<16xf32>,
      tpu.vector_store %arg7[%swap3A], %broadcast_in_dim3A_80 {strides = array<i32>} : memref<1024xf32, #tpu.memory_space<vmem>>, vector<16xf32>,
      %scan3A_83 = arith.constant 0 : i32
      scf.yield %scan3A_83 : i32
    }
    %scan3A_19 = arith.constant 64 : i32
    %lt3A = arith.constant 15 : i32
    %lt3A_20 = arith.cmpi slt, %arg1, %lt3A : i32
    %convert_element_type3A = arith.extui %lt3A_20 : i1 to i32
    %cond3A = arith.constant 0 : i32
    %cond3A_21 = arith.cmpi ne, %convert_element_type3A, %cond3A : i32
    scf.if %cond3A_21 {
      %mul3A = arith.constant 5008 : i32
      %mul3A_78 = arith.muli %arg1, %mul3A : i32
      "tpu.region"() ({
        %run_scoped3A = tpu.sem_alloc : memref<!tpu.dma_semaphore, #tpu.memory_space<semaphore_mem>>
        %dma_start3A = tpu.memref_slice %arg28[%mul3A_78] : memref<80016xf32, #tpu.memory_space<vmem_shared>> -> memref<5008xf32, #tpu.memory_space<vmem_shared>>
        %dma_start3A_118 = tpu.memref_slice %arg28[%mul3A_78] : memref<80016xf32, #tpu.memory_space<vmem_shared>> -> memref<5008xf32, #tpu.memory_space<vmem_shared>>
        tpu.enqueue_dma source(%arg27 : memref<5008xf32, #tpu.memory_space<vmem>>) target(%dma_start3A_118 : memref<5008xf32, #tpu.memory_space<vmem_shared>>) target_semaphore(%run_scoped3A : memref<!tpu.dma_semaphore, #tpu.memory_space<semaphore_mem>>)
        %dma_wait3A = tpu.memref_slice %arg28[%mul3A_78] : memref<80016xf32, #tpu.memory_space<vmem_shared>> -> memref<5008xf32, #tpu.memory_space<vmem_shared>>
        %dma_wait3A_119 = tpu.memref_slice %arg28[%mul3A_78] : memref<80016xf32, #tpu.memory_space<vmem_shared>> -> memref<5008xf32, #tpu.memory_space<vmem_shared>>
        tpu.wait_dma2 semaphore(%run_scoped3A : memref<!tpu.dma_semaphore, #tpu.memory_space<semaphore_mem>>) src(%arg27 : memref<5008xf32, #tpu.memory_space<vmem>>) dst(%dma_wait3A_119 : memref<5008xf32, #tpu.memory_space<vmem_shared>>)
        tpu.yield
      }) : () -> ()
      %mul3A_79 = arith.constant 624 : i32
      %mul3A_80 = arith.muli %arg1, %mul3A_79 : i32
      %add3A = arith.constant 0 : i32
      %add3A_81 = arith.addi %mul3A_80, %add3A : i32
      "tpu.region"() ({
        %run_scoped3A = tpu.sem_alloc : memref<!tpu.dma_semaphore, #tpu.memory_space<semaphore_mem>>
        %dma_start3A = arith.constant 0 : i32
        %dma_start3A_118 = tpu.memref_slice %arg29[%add3A_81, %dma_start3A] : memref<10008x64xf32, #tpu.memory_space<vmem_shared>> -> memref<64x64xf32, #tpu.memory_space<vmem_shared>>
        %dma_start3A_119 = arith.constant 0 : i32
        %dma_start3A_120 = tpu.memref_slice %arg29[%add3A_81, %dma_start3A_119] : memref<10008x64xf32, #tpu.memory_space<vmem_shared>> -> memref<64x64xf32, #tpu.memory_space<vmem_shared>>
        tpu.enqueue_dma source(%arg15 : memref<64x64xf32, #tpu.memory_space<vmem>>) target(%dma_start3A_120 : memref<64x64xf32, #tpu.memory_space<vmem_shared>>) target_semaphore(%run_scoped3A : memref<!tpu.dma_semaphore, #tpu.memory_space<semaphore_mem>>)
        %dma_wait3A = arith.constant 0 : i32
        %dma_wait3A_121 = tpu.memref_slice %arg29[%add3A_81, %dma_wait3A] : memref<10008x64xf32, #tpu.memory_space<vmem_shared>> -> memref<64x64xf32, #tpu.memory_space<vmem_shared>>
        %dma_wait3A_122 = arith.constant 0 : i32
        %dma_wait3A_123 = tpu.memref_slice %arg29[%add3A_81, %dma_wait3A_122] : memref<10008x64xf32, #tpu.memory_space<vmem_shared>> -> memref<64x64xf32, #tpu.memory_space<vmem_shared>>
        tpu.wait_dma2 semaphore(%run_scoped3A : memref<!tpu.dma_semaphore, #tpu.memory_space<semaphore_mem>>) src(%arg15 : memref<64x64xf32, #tpu.memory_space<vmem>>) dst(%dma_wait3A_123 : memref<64x64xf32, #tpu.memory_space<vmem_shared>>)
        tpu.yield
      }) : () -> ()
      %mul3A_82 = arith.constant 624 : i32
      %mul3A_83 = arith.muli %arg1, %mul3A_82 : i32
      %add3A_84 = arith.constant 64 : i32
      %add3A_85 = arith.addi %mul3A_83, %add3A_84 : i32
      "tpu.region"() ({
        %run_scoped3A = tpu.sem_alloc : memref<!tpu.dma_semaphore, #tpu.memory_space<semaphore_mem>>
        %dma_start3A = arith.constant 0 : i32
        %dma_start3A_118 = tpu.memref_slice %arg29[%add3A_85, %dma_start3A] : memref<10008x64xf32, #tpu.memory_space<vmem_shared>> -> memref<64x64xf32, #tpu.memory_space<vmem_shared>>
        %dma_start3A_119 = arith.constant 0 : i32
        %dma_start3A_120 = tpu.memref_slice %arg29[%add3A_85, %dma_start3A_119] : memref<10008x64xf32, #tpu.memory_space<vmem_shared>> -> memref<64x64xf32, #tpu.memory_space<vmem_shared>>
        tpu.enqueue_dma source(%arg15 : memref<64x64xf32, #tpu.memory_space<vmem>>) target(%dma_start3A_120 : memref<64x64xf32, #tpu.memory_space<vmem_shared>>) target_semaphore(%run_scoped3A : memref<!tpu.dma_semaphore, #tpu.memory_space<semaphore_mem>>)
        %dma_wait3A = arith.constant 0 : i32
        %dma_wait3A_121 = tpu.memref_slice %arg29[%add3A_85, %dma_wait3A] : memref<10008x64xf32, #tpu.memory_space<vmem_shared>> -> memref<64x64xf32, #tpu.memory_space<vmem_shared>>
        %dma_wait3A_122 = arith.constant 0 : i32
        %dma_wait3A_123 = tpu.memref_slice %arg29[%add3A_85, %dma_wait3A_122] : memref<10008x64xf32, #tpu.memory_space<vmem_shared>> -> memref<64x64xf32, #tpu.memory_space<vmem_shared>>
        tpu.wait_dma2 semaphore(%run_scoped3A : memref<!tpu.dma_semaphore, #tpu.memory_space<semaphore_mem>>) src(%arg15 : memref<64x64xf32, #tpu.memory_space<vmem>>) dst(%dma_wait3A_123 : memref<64x64xf32, #tpu.memory_space<vmem_shared>>)
        tpu.yield
      }) : () -> ()
      %mul3A_86 = arith.constant 624 : i32
      %mul3A_87 = arith.muli %arg1, %mul3A_86 : i32
      %add3A_88 = arith.constant 128 : i32
      %add3A_89 = arith.addi %mul3A_87, %add3A_88 : i32
      "tpu.region"() ({
        %run_scoped3A = tpu.sem_alloc : memref<!tpu.dma_semaphore, #tpu.memory_space<semaphore_mem>>
        %dma_start3A = arith.constant 0 : i32
        %dma_start3A_118 = tpu.memref_slice %arg29[%add3A_89, %dma_start3A] : memref<10008x64xf32, #tpu.memory_space<vmem_shared>> -> memref<64x64xf32, #tpu.memory_space<vmem_shared>>
        %dma_start3A_119 = arith.constant 0 : i32
        %dma_start3A_120 = tpu.memref_slice %arg29[%add3A_89, %dma_start3A_119] : memref<10008x64xf32, #tpu.memory_space<vmem_shared>> -> memref<64x64xf32, #tpu.memory_space<vmem_shared>>
        tpu.enqueue_dma source(%arg15 : memref<64x64xf32, #tpu.memory_space<vmem>>) target(%dma_start3A_120 : memref<64x64xf32, #tpu.memory_space<vmem_shared>>) target_semaphore(%run_scoped3A : memref<!tpu.dma_semaphore, #tpu.memory_space<semaphore_mem>>)
        %dma_wait3A = arith.constant 0 : i32
        %dma_wait3A_121 = tpu.memref_slice %arg29[%add3A_89, %dma_wait3A] : memref<10008x64xf32, #tpu.memory_space<vmem_shared>> -> memref<64x64xf32, #tpu.memory_space<vmem_shared>>
        %dma_wait3A_122 = arith.constant 0 : i32
        %dma_wait3A_123 = tpu.memref_slice %arg29[%add3A_89, %dma_wait3A_122] : memref<10008x64xf32, #tpu.memory_space<vmem_shared>> -> memref<64x64xf32, #tpu.memory_space<vmem_shared>>
        tpu.wait_dma2 semaphore(%run_scoped3A : memref<!tpu.dma_semaphore, #tpu.memory_space<semaphore_mem>>) src(%arg15 : memref<64x64xf32, #tpu.memory_space<vmem>>) dst(%dma_wait3A_123 : memref<64x64xf32, #tpu.memory_space<vmem_shared>>)
        tpu.yield
      }) : () -> ()
      %mul3A_90 = arith.constant 624 : i32
      %mul3A_91 = arith.muli %arg1, %mul3A_90 : i32
      %add3A_92 = arith.constant 192 : i32
      %add3A_93 = arith.addi %mul3A_91, %add3A_92 : i32
      "tpu.region"() ({
        %run_scoped3A = tpu.sem_alloc : memref<!tpu.dma_semaphore, #tpu.memory_space<semaphore_mem>>
        %dma_start3A = arith.constant 0 : i32
        %dma_start3A_118 = tpu.memref_slice %arg29[%add3A_93, %dma_start3A] : memref<10008x64xf32, #tpu.memory_space<vmem_shared>> -> memref<64x64xf32, #tpu.memory_space<vmem_shared>>
        %dma_start3A_119 = arith.constant 0 : i32
        %dma_start3A_120 = tpu.memref_slice %arg29[%add3A_93, %dma_start3A_119] : memref<10008x64xf32, #tpu.memory_space<vmem_shared>> -> memref<64x64xf32, #tpu.memory_space<vmem_shared>>
        tpu.enqueue_dma source(%arg15 : memref<64x64xf32, #tpu.memory_space<vmem>>) target(%dma_start3A_120 : memref<64x64xf32, #tpu.memory_space<vmem_shared>>) target_semaphore(%run_scoped3A : memref<!tpu.dma_semaphore, #tpu.memory_space<semaphore_mem>>)
        %dma_wait3A = arith.constant 0 : i32
        %dma_wait3A_121 = tpu.memref_slice %arg29[%add3A_93, %dma_wait3A] : memref<10008x64xf32, #tpu.memory_space<vmem_shared>> -> memref<64x64xf32, #tpu.memory_space<vmem_shared>>
        %dma_wait3A_122 = arith.constant 0 : i32
        %dma_wait3A_123 = tpu.memref_slice %arg29[%add3A_93, %dma_wait3A_122] : memref<10008x64xf32, #tpu.memory_space<vmem_shared>> -> memref<64x64xf32, #tpu.memory_space<vmem_shared>>
        tpu.wait_dma2 semaphore(%run_scoped3A : memref<!tpu.dma_semaphore, #tpu.memory_space<semaphore_mem>>) src(%arg15 : memref<64x64xf32, #tpu.memory_space<vmem>>) dst(%dma_wait3A_123 : memref<64x64xf32, #tpu.memory_space<vmem_shared>>)
        tpu.yield
      }) : () -> ()
      %mul3A_94 = arith.constant 624 : i32
      %mul3A_95 = arith.muli %arg1, %mul3A_94 : i32
      %add3A_96 = arith.constant 256 : i32
      %add3A_97 = arith.addi %mul3A_95, %add3A_96 : i32
      "tpu.region"() ({
        %run_scoped3A = tpu.sem_alloc : memref<!tpu.dma_semaphore, #tpu.memory_space<semaphore_mem>>
        %dma_start3A = arith.constant 0 : i32
        %dma_start3A_118 = tpu.memref_slice %arg29[%add3A_97, %dma_start3A] : memref<10008x64xf32, #tpu.memory_space<vmem_shared>> -> memref<64x64xf32, #tpu.memory_space<vmem_shared>>
        %dma_start3A_119 = arith.constant 0 : i32
        %dma_start3A_120 = tpu.memref_slice %arg29[%add3A_97, %dma_start3A_119] : memref<10008x64xf32, #tpu.memory_space<vmem_shared>> -> memref<64x64xf32, #tpu.memory_space<vmem_shared>>
        tpu.enqueue_dma source(%arg15 : memref<64x64xf32, #tpu.memory_space<vmem>>) target(%dma_start3A_120 : memref<64x64xf32, #tpu.memory_space<vmem_shared>>) target_semaphore(%run_scoped3A : memref<!tpu.dma_semaphore, #tpu.memory_space<semaphore_mem>>)
        %dma_wait3A = arith.constant 0 : i32
        %dma_wait3A_121 = tpu.memref_slice %arg29[%add3A_97, %dma_wait3A] : memref<10008x64xf32, #tpu.memory_space<vmem_shared>> -> memref<64x64xf32, #tpu.memory_space<vmem_shared>>
        %dma_wait3A_122 = arith.constant 0 : i32
        %dma_wait3A_123 = tpu.memref_slice %arg29[%add3A_97, %dma_wait3A_122] : memref<10008x64xf32, #tpu.memory_space<vmem_shared>> -> memref<64x64xf32, #tpu.memory_space<vmem_shared>>
        tpu.wait_dma2 semaphore(%run_scoped3A : memref<!tpu.dma_semaphore, #tpu.memory_space<semaphore_mem>>) src(%arg15 : memref<64x64xf32, #tpu.memory_space<vmem>>) dst(%dma_wait3A_123 : memref<64x64xf32, #tpu.memory_space<vmem_shared>>)
        tpu.yield
      }) : () -> ()
      %mul3A_98 = arith.constant 624 : i32
      %mul3A_99 = arith.muli %arg1, %mul3A_98 : i32
      %add3A_100 = arith.constant 320 : i32
      %add3A_101 = arith.addi %mul3A_99, %add3A_100 : i32
      "tpu.region"() ({
        %run_scoped3A = tpu.sem_alloc : memref<!tpu.dma_semaphore, #tpu.memory_space<semaphore_mem>>
        %dma_start3A = arith.constant 0 : i32
        %dma_start3A_118 = tpu.memref_slice %arg29[%add3A_101, %dma_start3A] : memref<10008x64xf32, #tpu.memory_space<vmem_shared>> -> memref<64x64xf32, #tpu.memory_space<vmem_shared>>
        %dma_start3A_119 = arith.constant 0 : i32
        %dma_start3A_120 = tpu.memref_slice %arg29[%add3A_101, %dma_start3A_119] : memref<10008x64xf32, #tpu.memory_space<vmem_shared>> -> memref<64x64xf32, #tpu.memory_space<vmem_shared>>
        tpu.enqueue_dma source(%arg15 : memref<64x64xf32, #tpu.memory_space<vmem>>) target(%dma_start3A_120 : memref<64x64xf32, #tpu.memory_space<vmem_shared>>) target_semaphore(%run_scoped3A : memref<!tpu.dma_semaphore, #tpu.memory_space<semaphore_mem>>)
        %dma_wait3A = arith.constant 0 : i32
        %dma_wait3A_121 = tpu.memref_slice %arg29[%add3A_101, %dma_wait3A] : memref<10008x64xf32, #tpu.memory_space<vmem_shared>> -> memref<64x64xf32, #tpu.memory_space<vmem_shared>>
        %dma_wait3A_122 = arith.constant 0 : i32
        %dma_wait3A_123 = tpu.memref_slice %arg29[%add3A_101, %dma_wait3A_122] : memref<10008x64xf32, #tpu.memory_space<vmem_shared>> -> memref<64x64xf32, #tpu.memory_space<vmem_shared>>
        tpu.wait_dma2 semaphore(%run_scoped3A : memref<!tpu.dma_semaphore, #tpu.memory_space<semaphore_mem>>) src(%arg15 : memref<64x64xf32, #tpu.memory_space<vmem>>) dst(%dma_wait3A_123 : memref<64x64xf32, #tpu.memory_space<vmem_shared>>)
        tpu.yield
      }) : () -> ()
      %mul3A_102 = arith.constant 624 : i32
      %mul3A_103 = arith.muli %arg1, %mul3A_102 : i32
      %add3A_104 = arith.constant 384 : i32
      %add3A_105 = arith.addi %mul3A_103, %add3A_104 : i32
      "tpu.region"() ({
        %run_scoped3A = tpu.sem_alloc : memref<!tpu.dma_semaphore, #tpu.memory_space<semaphore_mem>>
        %dma_start3A = arith.constant 0 : i32
        %dma_start3A_118 = tpu.memref_slice %arg29[%add3A_105, %dma_start3A] : memref<10008x64xf32, #tpu.memory_space<vmem_shared>> -> memref<64x64xf32, #tpu.memory_space<vmem_shared>>
        %dma_start3A_119 = arith.constant 0 : i32
        %dma_start3A_120 = tpu.memref_slice %arg29[%add3A_105, %dma_start3A_119] : memref<10008x64xf32, #tpu.memory_space<vmem_shared>> -> memref<64x64xf32, #tpu.memory_space<vmem_shared>>
        tpu.enqueue_dma source(%arg15 : memref<64x64xf32, #tpu.memory_space<vmem>>) target(%dma_start3A_120 : memref<64x64xf32, #tpu.memory_space<vmem_shared>>) target_semaphore(%run_scoped3A : memref<!tpu.dma_semaphore, #tpu.memory_space<semaphore_mem>>)
        %dma_wait3A = arith.constant 0 : i32
        %dma_wait3A_121 = tpu.memref_slice %arg29[%add3A_105, %dma_wait3A] : memref<10008x64xf32, #tpu.memory_space<vmem_shared>> -> memref<64x64xf32, #tpu.memory_space<vmem_shared>>
        %dma_wait3A_122 = arith.constant 0 : i32
        %dma_wait3A_123 = tpu.memref_slice %arg29[%add3A_105, %dma_wait3A_122] : memref<10008x64xf32, #tpu.memory_space<vmem_shared>> -> memref<64x64xf32, #tpu.memory_space<vmem_shared>>
        tpu.wait_dma2 semaphore(%run_scoped3A : memref<!tpu.dma_semaphore, #tpu.memory_space<semaphore_mem>>) src(%arg15 : memref<64x64xf32, #tpu.memory_space<vmem>>) dst(%dma_wait3A_123 : memref<64x64xf32, #tpu.memory_space<vmem_shared>>)
        tpu.yield
      }) : () -> ()
      %mul3A_106 = arith.constant 624 : i32
      %mul3A_107 = arith.muli %arg1, %mul3A_106 : i32
      %add3A_108 = arith.constant 448 : i32
      %add3A_109 = arith.addi %mul3A_107, %add3A_108 : i32
      "tpu.region"() ({
        %run_scoped3A = tpu.sem_alloc : memref<!tpu.dma_semaphore, #tpu.memory_space<semaphore_mem>>
        %dma_start3A = arith.constant 0 : i32
        %dma_start3A_118 = tpu.memref_slice %arg29[%add3A_109, %dma_start3A] : memref<10008x64xf32, #tpu.memory_space<vmem_shared>> -> memref<64x64xf32, #tpu.memory_space<vmem_shared>>
        %dma_start3A_119 = arith.constant 0 : i32
        %dma_start3A_120 = tpu.memref_slice %arg29[%add3A_109, %dma_start3A_119] : memref<10008x64xf32, #tpu.memory_space<vmem_shared>> -> memref<64x64xf32, #tpu.memory_space<vmem_shared>>
        tpu.enqueue_dma source(%arg15 : memref<64x64xf32, #tpu.memory_space<vmem>>) target(%dma_start3A_120 : memref<64x64xf32, #tpu.memory_space<vmem_shared>>) target_semaphore(%run_scoped3A : memref<!tpu.dma_semaphore, #tpu.memory_space<semaphore_mem>>)
        %dma_wait3A = arith.constant 0 : i32
        %dma_wait3A_121 = tpu.memref_slice %arg29[%add3A_109, %dma_wait3A] : memref<10008x64xf32, #tpu.memory_space<vmem_shared>> -> memref<64x64xf32, #tpu.memory_space<vmem_shared>>
        %dma_wait3A_122 = arith.constant 0 : i32
        %dma_wait3A_123 = tpu.memref_slice %arg29[%add3A_109, %dma_wait3A_122] : memref<10008x64xf32, #tpu.memory_space<vmem_shared>> -> memref<64x64xf32, #tpu.memory_space<vmem_shared>>
        tpu.wait_dma2 semaphore(%run_scoped3A : memref<!tpu.dma_semaphore, #tpu.memory_space<semaphore_mem>>) src(%arg15 : memref<64x64xf32, #tpu.memory_space<vmem>>) dst(%dma_wait3A_123 : memref<64x64xf32, #tpu.memory_space<vmem_shared>>)
        tpu.yield
      }) : () -> ()
      %mul3A_110 = arith.constant 624 : i32
      %mul3A_111 = arith.muli %arg1, %mul3A_110 : i32
      %add3A_112 = arith.constant 512 : i32
      %add3A_113 = arith.addi %mul3A_111, %add3A_112 : i32
      "tpu.region"() ({
        %run_scoped3A = tpu.sem_alloc : memref<!tpu.dma_semaphore, #tpu.memory_space<semaphore_mem>>
        %dma_start3A = arith.constant 0 : i32
        %dma_start3A_118 = tpu.memref_slice %arg29[%add3A_113, %dma_start3A] : memref<10008x64xf32, #tpu.memory_space<vmem_shared>> -> memref<64x64xf32, #tpu.memory_space<vmem_shared>>
        %dma_start3A_119 = arith.constant 0 : i32
        %dma_start3A_120 = tpu.memref_slice %arg29[%add3A_113, %dma_start3A_119] : memref<10008x64xf32, #tpu.memory_space<vmem_shared>> -> memref<64x64xf32, #tpu.memory_space<vmem_shared>>
        tpu.enqueue_dma source(%arg15 : memref<64x64xf32, #tpu.memory_space<vmem>>) target(%dma_start3A_120 : memref<64x64xf32, #tpu.memory_space<vmem_shared>>) target_semaphore(%run_scoped3A : memref<!tpu.dma_semaphore, #tpu.memory_space<semaphore_mem>>)
        %dma_wait3A = arith.constant 0 : i32
        %dma_wait3A_121 = tpu.memref_slice %arg29[%add3A_113, %dma_wait3A] : memref<10008x64xf32, #tpu.memory_space<vmem_shared>> -> memref<64x64xf32, #tpu.memory_space<vmem_shared>>
        %dma_wait3A_122 = arith.constant 0 : i32
        %dma_wait3A_123 = tpu.memref_slice %arg29[%add3A_113, %dma_wait3A_122] : memref<10008x64xf32, #tpu.memory_space<vmem_shared>> -> memref<64x64xf32, #tpu.memory_space<vmem_shared>>
        tpu.wait_dma2 semaphore(%run_scoped3A : memref<!tpu.dma_semaphore, #tpu.memory_space<semaphore_mem>>) src(%arg15 : memref<64x64xf32, #tpu.memory_space<vmem>>) dst(%dma_wait3A_123 : memref<64x64xf32, #tpu.memory_space<vmem_shared>>)
        tpu.yield
      }) : () -> ()
      %mul3A_114 = arith.constant 624 : i32
      %mul3A_115 = arith.muli %arg1, %mul3A_114 : i32
      %add3A_116 = arith.constant 576 : i32
      %add3A_117 = arith.addi %mul3A_115, %add3A_116 : i32
      "tpu.region"() ({
        %run_scoped3A = tpu.sem_alloc : memref<!tpu.dma_semaphore, #tpu.memory_space<semaphore_mem>>
        %dma_start3A = arith.constant 0 : i32
        %dma_start3A_118 = arith.constant 0 : i32
        %dma_start3A_119 = tpu.memref_slice %arg15[%dma_start3A, %dma_start3A_118] : memref<64x64xf32, #tpu.memory_space<vmem>> -> memref<48x64xf32, #tpu.memory_space<vmem>>
        %dma_start3A_120 = arith.constant 0 : i32
        %dma_start3A_121 = tpu.memref_slice %arg29[%add3A_117, %dma_start3A_120] : memref<10008x64xf32, #tpu.memory_space<vmem_shared>> -> memref<48x64xf32, #tpu.memory_space<vmem_shared>>
        %dma_start3A_122 = arith.constant 0 : i32
        %dma_start3A_123 = tpu.memref_slice %arg29[%add3A_117, %dma_start3A_122] : memref<10008x64xf32, #tpu.memory_space<vmem_shared>> -> memref<48x64xf32, #tpu.memory_space<vmem_shared>>
        %dma_start3A_124 = arith.constant 0 : i32
        %dma_start3A_125 = arith.constant 0 : i32
        %dma_start3A_126 = tpu.memref_slice %arg15[%dma_start3A_124, %dma_start3A_125] : memref<64x64xf32, #tpu.memory_space<vmem>> -> memref<48x64xf32, #tpu.memory_space<vmem>>
        tpu.enqueue_dma source(%dma_start3A_126 : memref<48x64xf32, #tpu.memory_space<vmem>>) target(%dma_start3A_123 : memref<48x64xf32, #tpu.memory_space<vmem_shared>>) target_semaphore(%run_scoped3A : memref<!tpu.dma_semaphore, #tpu.memory_space<semaphore_mem>>)
        %dma_wait3A = arith.constant 0 : i32
        %dma_wait3A_127 = arith.constant 0 : i32
        %dma_wait3A_128 = tpu.memref_slice %arg15[%dma_wait3A, %dma_wait3A_127] : memref<64x64xf32, #tpu.memory_space<vmem>> -> memref<48x64xf32, #tpu.memory_space<vmem>>
        %dma_wait3A_129 = arith.constant 0 : i32
        %dma_wait3A_130 = tpu.memref_slice %arg29[%add3A_117, %dma_wait3A_129] : memref<10008x64xf32, #tpu.memory_space<vmem_shared>> -> memref<48x64xf32, #tpu.memory_space<vmem_shared>>
        %dma_wait3A_131 = arith.constant 0 : i32
        %dma_wait3A_132 = tpu.memref_slice %arg29[%add3A_117, %dma_wait3A_131] : memref<10008x64xf32, #tpu.memory_space<vmem_shared>> -> memref<48x64xf32, #tpu.memory_space<vmem_shared>>
        %dma_wait3A_133 = arith.constant 0 : i32
        %dma_wait3A_134 = arith.constant 0 : i32
        %dma_wait3A_135 = tpu.memref_slice %arg15[%dma_wait3A_133, %dma_wait3A_134] : memref<64x64xf32, #tpu.memory_space<vmem>> -> memref<48x64xf32, #tpu.memory_space<vmem>>
        tpu.wait_dma2 semaphore(%run_scoped3A : memref<!tpu.dma_semaphore, #tpu.memory_space<semaphore_mem>>) src(%dma_wait3A_135 : memref<48x64xf32, #tpu.memory_space<vmem>>) dst(%dma_wait3A_132 : memref<48x64xf32, #tpu.memory_space<vmem_shared>>)
        tpu.yield
      }) : () -> ()
    } else {
    }
    %eq3A = arith.constant 15 : i32
    %eq3A_22 = arith.cmpi eq, %arg1, %eq3A : i32
    %convert_element_type3A_23 = arith.extui %eq3A_22 : i1 to i32
    %cond3A_24 = arith.constant 0 : i32
    %cond3A_25 = arith.cmpi ne, %convert_element_type3A_23, %cond3A_24 : i32
    scf.if %cond3A_25 {
      "tpu.region"() ({
        %run_scoped3A = tpu.sem_alloc : memref<!tpu.dma_semaphore, #tpu.memory_space<semaphore_mem>>
        %dma_start3A = arith.constant 0 : i32
        %dma_start3A_78 = tpu.memref_slice %arg27[%dma_start3A] : memref<5008xf32, #tpu.memory_space<vmem>> -> memref<4896xf32, #tpu.memory_space<vmem>>
        %dma_start3A_79 = arith.constant 75120 : i32
        %dma_start3A_80 = tpu.memref_slice %arg28[%dma_start3A_79] : memref<80016xf32, #tpu.memory_space<vmem_shared>> -> memref<4896xf32, #tpu.memory_space<vmem_shared>>
        %dma_start3A_81 = arith.constant 75120 : i32
        %dma_start3A_82 = tpu.memref_slice %arg28[%dma_start3A_81] : memref<80016xf32, #tpu.memory_space<vmem_shared>> -> memref<4896xf32, #tpu.memory_space<vmem_shared>>
        %dma_start3A_83 = arith.constant 0 : i32
        %dma_start3A_84 = tpu.memref_slice %arg27[%dma_start3A_83] : memref<5008xf32, #tpu.memory_space<vmem>> -> memref<4896xf32, #tpu.memory_space<vmem>>
        tpu.enqueue_dma source(%dma_start3A_84 : memref<4896xf32, #tpu.memory_space<vmem>>) target(%dma_start3A_82 : memref<4896xf32, #tpu.memory_space<vmem_shared>>) target_semaphore(%run_scoped3A : memref<!tpu.dma_semaphore, #tpu.memory_space<semaphore_mem>>)
        %dma_wait3A = arith.constant 0 : i32
        %dma_wait3A_85 = tpu.memref_slice %arg27[%dma_wait3A] : memref<5008xf32, #tpu.memory_space<vmem>> -> memref<4896xf32, #tpu.memory_space<vmem>>
        %dma_wait3A_86 = arith.constant 75120 : i32
        %dma_wait3A_87 = tpu.memref_slice %arg28[%dma_wait3A_86] : memref<80016xf32, #tpu.memory_space<vmem_shared>> -> memref<4896xf32, #tpu.memory_space<vmem_shared>>
        %dma_wait3A_88 = arith.constant 75120 : i32
        %dma_wait3A_89 = tpu.memref_slice %arg28[%dma_wait3A_88] : memref<80016xf32, #tpu.memory_space<vmem_shared>> -> memref<4896xf32, #tpu.memory_space<vmem_shared>>
        %dma_wait3A_90 = arith.constant 0 : i32
        %dma_wait3A_91 = tpu.memref_slice %arg27[%dma_wait3A_90] : memref<5008xf32, #tpu.memory_space<vmem>> -> memref<4896xf32, #tpu.memory_space<vmem>>
        tpu.wait_dma2 semaphore(%run_scoped3A : memref<!tpu.dma_semaphore, #tpu.memory_space<semaphore_mem>>) src(%dma_wait3A_91 : memref<4896xf32, #tpu.memory_space<vmem>>) dst(%dma_wait3A_89 : memref<4896xf32, #tpu.memory_space<vmem_shared>>)
        tpu.yield
      }) : () -> ()
      "tpu.region"() ({
        %run_scoped3A = tpu.sem_alloc : memref<!tpu.dma_semaphore, #tpu.memory_space<semaphore_mem>>
        %dma_start3A = arith.constant 9360 : i32
        %dma_start3A_78 = arith.constant 0 : i32
        %dma_start3A_79 = tpu.memref_slice %arg29[%dma_start3A, %dma_start3A_78] : memref<10008x64xf32, #tpu.memory_space<vmem_shared>> -> memref<64x64xf32, #tpu.memory_space<vmem_shared>>
        %dma_start3A_80 = arith.constant 9360 : i32
        %dma_start3A_81 = arith.constant 0 : i32
        %dma_start3A_82 = tpu.memref_slice %arg29[%dma_start3A_80, %dma_start3A_81] : memref<10008x64xf32, #tpu.memory_space<vmem_shared>> -> memref<64x64xf32, #tpu.memory_space<vmem_shared>>
        tpu.enqueue_dma source(%arg15 : memref<64x64xf32, #tpu.memory_space<vmem>>) target(%dma_start3A_82 : memref<64x64xf32, #tpu.memory_space<vmem_shared>>) target_semaphore(%run_scoped3A : memref<!tpu.dma_semaphore, #tpu.memory_space<semaphore_mem>>)
        %dma_wait3A = arith.constant 9360 : i32
        %dma_wait3A_83 = arith.constant 0 : i32
        %dma_wait3A_84 = tpu.memref_slice %arg29[%dma_wait3A, %dma_wait3A_83] : memref<10008x64xf32, #tpu.memory_space<vmem_shared>> -> memref<64x64xf32, #tpu.memory_space<vmem_shared>>
        %dma_wait3A_85 = arith.constant 9360 : i32
        %dma_wait3A_86 = arith.constant 0 : i32
        %dma_wait3A_87 = tpu.memref_slice %arg29[%dma_wait3A_85, %dma_wait3A_86] : memref<10008x64xf32, #tpu.memory_space<vmem_shared>> -> memref<64x64xf32, #tpu.memory_space<vmem_shared>>
        tpu.wait_dma2 semaphore(%run_scoped3A : memref<!tpu.dma_semaphore, #tpu.memory_space<semaphore_mem>>) src(%arg15 : memref<64x64xf32, #tpu.memory_space<vmem>>) dst(%dma_wait3A_87 : memref<64x64xf32, #tpu.memory_space<vmem_shared>>)
        tpu.yield
      }) : () -> ()
      "tpu.region"() ({
        %run_scoped3A = tpu.sem_alloc : memref<!tpu.dma_semaphore, #tpu.memory_space<semaphore_mem>>
        %dma_start3A = arith.constant 9424 : i32
        %dma_start3A_78 = arith.constant 0 : i32
        %dma_start3A_79 = tpu.memref_slice %arg29[%dma_start3A, %dma_start3A_78] : memref<10008x64xf32, #tpu.memory_space<vmem_shared>> -> memref<64x64xf32, #tpu.memory_space<vmem_shared>>
        %dma_start3A_80 = arith.constant 9424 : i32
        %dma_start3A_81 = arith.constant 0 : i32
        %dma_start3A_82 = tpu.memref_slice %arg29[%dma_start3A_80, %dma_start3A_81] : memref<10008x64xf32, #tpu.memory_space<vmem_shared>> -> memref<64x64xf32, #tpu.memory_space<vmem_shared>>
        tpu.enqueue_dma source(%arg15 : memref<64x64xf32, #tpu.memory_space<vmem>>) target(%dma_start3A_82 : memref<64x64xf32, #tpu.memory_space<vmem_shared>>) target_semaphore(%run_scoped3A : memref<!tpu.dma_semaphore, #tpu.memory_space<semaphore_mem>>)
        %dma_wait3A = arith.constant 9424 : i32
        %dma_wait3A_83 = arith.constant 0 : i32
        %dma_wait3A_84 = tpu.memref_slice %arg29[%dma_wait3A, %dma_wait3A_83] : memref<10008x64xf32, #tpu.memory_space<vmem_shared>> -> memref<64x64xf32, #tpu.memory_space<vmem_shared>>
        %dma_wait3A_85 = arith.constant 9424 : i32
        %dma_wait3A_86 = arith.constant 0 : i32
        %dma_wait3A_87 = tpu.memref_slice %arg29[%dma_wait3A_85, %dma_wait3A_86] : memref<10008x64xf32, #tpu.memory_space<vmem_shared>> -> memref<64x64xf32, #tpu.memory_space<vmem_shared>>
        tpu.wait_dma2 semaphore(%run_scoped3A : memref<!tpu.dma_semaphore, #tpu.memory_space<semaphore_mem>>) src(%arg15 : memref<64x64xf32, #tpu.memory_space<vmem>>) dst(%dma_wait3A_87 : memref<64x64xf32, #tpu.memory_space<vmem_shared>>)
        tpu.yield
      }) : () -> ()
      "tpu.region"() ({
        %run_scoped3A = tpu.sem_alloc : memref<!tpu.dma_semaphore, #tpu.memory_space<semaphore_mem>>
        %dma_start3A = arith.constant 9488 : i32
        %dma_start3A_78 = arith.constant 0 : i32
        %dma_start3A_79 = tpu.memref_slice %arg29[%dma_start3A, %dma_start3A_78] : memref<10008x64xf32, #tpu.memory_space<vmem_shared>> -> memref<64x64xf32, #tpu.memory_space<vmem_shared>>
        %dma_start3A_80 = arith.constant 9488 : i32
        %dma_start3A_81 = arith.constant 0 : i32
        %dma_start3A_82 = tpu.memref_slice %arg29[%dma_start3A_80, %dma_start3A_81] : memref<10008x64xf32, #tpu.memory_space<vmem_shared>> -> memref<64x64xf32, #tpu.memory_space<vmem_shared>>
        tpu.enqueue_dma source(%arg15 : memref<64x64xf32, #tpu.memory_space<vmem>>) target(%dma_start3A_82 : memref<64x64xf32, #tpu.memory_space<vmem_shared>>) target_semaphore(%run_scoped3A : memref<!tpu.dma_semaphore, #tpu.memory_space<semaphore_mem>>)
        %dma_wait3A = arith.constant 9488 : i32
        %dma_wait3A_83 = arith.constant 0 : i32
        %dma_wait3A_84 = tpu.memref_slice %arg29[%dma_wait3A, %dma_wait3A_83] : memref<10008x64xf32, #tpu.memory_space<vmem_shared>> -> memref<64x64xf32, #tpu.memory_space<vmem_shared>>
        %dma_wait3A_85 = arith.constant 9488 : i32
        %dma_wait3A_86 = arith.constant 0 : i32
        %dma_wait3A_87 = tpu.memref_slice %arg29[%dma_wait3A_85, %dma_wait3A_86] : memref<10008x64xf32, #tpu.memory_space<vmem_shared>> -> memref<64x64xf32, #tpu.memory_space<vmem_shared>>
        tpu.wait_dma2 semaphore(%run_scoped3A : memref<!tpu.dma_semaphore, #tpu.memory_space<semaphore_mem>>) src(%arg15 : memref<64x64xf32, #tpu.memory_space<vmem>>) dst(%dma_wait3A_87 : memref<64x64xf32, #tpu.memory_space<vmem_shared>>)
        tpu.yield
      }) : () -> ()
      "tpu.region"() ({
        %run_scoped3A = tpu.sem_alloc : memref<!tpu.dma_semaphore, #tpu.memory_space<semaphore_mem>>
        %dma_start3A = arith.constant 9552 : i32
        %dma_start3A_78 = arith.constant 0 : i32
        %dma_start3A_79 = tpu.memref_slice %arg29[%dma_start3A, %dma_start3A_78] : memref<10008x64xf32, #tpu.memory_space<vmem_shared>> -> memref<64x64xf32, #tpu.memory_space<vmem_shared>>
        %dma_start3A_80 = arith.constant 9552 : i32
        %dma_start3A_81 = arith.constant 0 : i32
        %dma_start3A_82 = tpu.memref_slice %arg29[%dma_start3A_80, %dma_start3A_81] : memref<10008x64xf32, #tpu.memory_space<vmem_shared>> -> memref<64x64xf32, #tpu.memory_space<vmem_shared>>
        tpu.enqueue_dma source(%arg15 : memref<64x64xf32, #tpu.memory_space<vmem>>) target(%dma_start3A_82 : memref<64x64xf32, #tpu.memory_space<vmem_shared>>) target_semaphore(%run_scoped3A : memref<!tpu.dma_semaphore, #tpu.memory_space<semaphore_mem>>)
        %dma_wait3A = arith.constant 9552 : i32
        %dma_wait3A_83 = arith.constant 0 : i32
        %dma_wait3A_84 = tpu.memref_slice %arg29[%dma_wait3A, %dma_wait3A_83] : memref<10008x64xf32, #tpu.memory_space<vmem_shared>> -> memref<64x64xf32, #tpu.memory_space<vmem_shared>>
        %dma_wait3A_85 = arith.constant 9552 : i32
        %dma_wait3A_86 = arith.constant 0 : i32
        %dma_wait3A_87 = tpu.memref_slice %arg29[%dma_wait3A_85, %dma_wait3A_86] : memref<10008x64xf32, #tpu.memory_space<vmem_shared>> -> memref<64x64xf32, #tpu.memory_space<vmem_shared>>
        tpu.wait_dma2 semaphore(%run_scoped3A : memref<!tpu.dma_semaphore, #tpu.memory_space<semaphore_mem>>) src(%arg15 : memref<64x64xf32, #tpu.memory_space<vmem>>) dst(%dma_wait3A_87 : memref<64x64xf32, #tpu.memory_space<vmem_shared>>)
        tpu.yield
      }) : () -> ()
      "tpu.region"() ({
        %run_scoped3A = tpu.sem_alloc : memref<!tpu.dma_semaphore, #tpu.memory_space<semaphore_mem>>
        %dma_start3A = arith.constant 9616 : i32
        %dma_start3A_78 = arith.constant 0 : i32
        %dma_start3A_79 = tpu.memref_slice %arg29[%dma_start3A, %dma_start3A_78] : memref<10008x64xf32, #tpu.memory_space<vmem_shared>> -> memref<64x64xf32, #tpu.memory_space<vmem_shared>>
        %dma_start3A_80 = arith.constant 9616 : i32
        %dma_start3A_81 = arith.constant 0 : i32
        %dma_start3A_82 = tpu.memref_slice %arg29[%dma_start3A_80, %dma_start3A_81] : memref<10008x64xf32, #tpu.memory_space<vmem_shared>> -> memref<64x64xf32, #tpu.memory_space<vmem_shared>>
        tpu.enqueue_dma source(%arg15 : memref<64x64xf32, #tpu.memory_space<vmem>>) target(%dma_start3A_82 : memref<64x64xf32, #tpu.memory_space<vmem_shared>>) target_semaphore(%run_scoped3A : memref<!tpu.dma_semaphore, #tpu.memory_space<semaphore_mem>>)
        %dma_wait3A = arith.constant 9616 : i32
        %dma_wait3A_83 = arith.constant 0 : i32
        %dma_wait3A_84 = tpu.memref_slice %arg29[%dma_wait3A, %dma_wait3A_83] : memref<10008x64xf32, #tpu.memory_space<vmem_shared>> -> memref<64x64xf32, #tpu.memory_space<vmem_shared>>
        %dma_wait3A_85 = arith.constant 9616 : i32
        %dma_wait3A_86 = arith.constant 0 : i32
        %dma_wait3A_87 = tpu.memref_slice %arg29[%dma_wait3A_85, %dma_wait3A_86] : memref<10008x64xf32, #tpu.memory_space<vmem_shared>> -> memref<64x64xf32, #tpu.memory_space<vmem_shared>>
        tpu.wait_dma2 semaphore(%run_scoped3A : memref<!tpu.dma_semaphore, #tpu.memory_space<semaphore_mem>>) src(%arg15 : memref<64x64xf32, #tpu.memory_space<vmem>>) dst(%dma_wait3A_87 : memref<64x64xf32, #tpu.memory_space<vmem_shared>>)
        tpu.yield
      }) : () -> ()
      "tpu.region"() ({
        %run_scoped3A = tpu.sem_alloc : memref<!tpu.dma_semaphore, #tpu.memory_space<semaphore_mem>>
        %dma_start3A = arith.constant 9680 : i32
        %dma_start3A_78 = arith.constant 0 : i32
        %dma_start3A_79 = tpu.memref_slice %arg29[%dma_start3A, %dma_start3A_78] : memref<10008x64xf32, #tpu.memory_space<vmem_shared>> -> memref<64x64xf32, #tpu.memory_space<vmem_shared>>
        %dma_start3A_80 = arith.constant 9680 : i32
        %dma_start3A_81 = arith.constant 0 : i32
        %dma_start3A_82 = tpu.memref_slice %arg29[%dma_start3A_80, %dma_start3A_81] : memref<10008x64xf32, #tpu.memory_space<vmem_shared>> -> memref<64x64xf32, #tpu.memory_space<vmem_shared>>
        tpu.enqueue_dma source(%arg15 : memref<64x64xf32, #tpu.memory_space<vmem>>) target(%dma_start3A_82 : memref<64x64xf32, #tpu.memory_space<vmem_shared>>) target_semaphore(%run_scoped3A : memref<!tpu.dma_semaphore, #tpu.memory_space<semaphore_mem>>)
        %dma_wait3A = arith.constant 9680 : i32
        %dma_wait3A_83 = arith.constant 0 : i32
        %dma_wait3A_84 = tpu.memref_slice %arg29[%dma_wait3A, %dma_wait3A_83] : memref<10008x64xf32, #tpu.memory_space<vmem_shared>> -> memref<64x64xf32, #tpu.memory_space<vmem_shared>>
        %dma_wait3A_85 = arith.constant 9680 : i32
        %dma_wait3A_86 = arith.constant 0 : i32
        %dma_wait3A_87 = tpu.memref_slice %arg29[%dma_wait3A_85, %dma_wait3A_86] : memref<10008x64xf32, #tpu.memory_space<vmem_shared>> -> memref<64x64xf32, #tpu.memory_space<vmem_shared>>
        tpu.wait_dma2 semaphore(%run_scoped3A : memref<!tpu.dma_semaphore, #tpu.memory_space<semaphore_mem>>) src(%arg15 : memref<64x64xf32, #tpu.memory_space<vmem>>) dst(%dma_wait3A_87 : memref<64x64xf32, #tpu.memory_space<vmem_shared>>)
        tpu.yield
      }) : () -> ()
      "tpu.region"() ({
        %run_scoped3A = tpu.sem_alloc : memref<!tpu.dma_semaphore, #tpu.memory_space<semaphore_mem>>
        %dma_start3A = arith.constant 9744 : i32
        %dma_start3A_78 = arith.constant 0 : i32
        %dma_start3A_79 = tpu.memref_slice %arg29[%dma_start3A, %dma_start3A_78] : memref<10008x64xf32, #tpu.memory_space<vmem_shared>> -> memref<64x64xf32, #tpu.memory_space<vmem_shared>>
        %dma_start3A_80 = arith.constant 9744 : i32
        %dma_start3A_81 = arith.constant 0 : i32
        %dma_start3A_82 = tpu.memref_slice %arg29[%dma_start3A_80, %dma_start3A_81] : memref<10008x64xf32, #tpu.memory_space<vmem_shared>> -> memref<64x64xf32, #tpu.memory_space<vmem_shared>>
        tpu.enqueue_dma source(%arg15 : memref<64x64xf32, #tpu.memory_space<vmem>>) target(%dma_start3A_82 : memref<64x64xf32, #tpu.memory_space<vmem_shared>>) target_semaphore(%run_scoped3A : memref<!tpu.dma_semaphore, #tpu.memory_space<semaphore_mem>>)
        %dma_wait3A = arith.constant 9744 : i32
        %dma_wait3A_83 = arith.constant 0 : i32
        %dma_wait3A_84 = tpu.memref_slice %arg29[%dma_wait3A, %dma_wait3A_83] : memref<10008x64xf32, #tpu.memory_space<vmem_shared>> -> memref<64x64xf32, #tpu.memory_space<vmem_shared>>
        %dma_wait3A_85 = arith.constant 9744 : i32
        %dma_wait3A_86 = arith.constant 0 : i32
        %dma_wait3A_87 = tpu.memref_slice %arg29[%dma_wait3A_85, %dma_wait3A_86] : memref<10008x64xf32, #tpu.memory_space<vmem_shared>> -> memref<64x64xf32, #tpu.memory_space<vmem_shared>>
        tpu.wait_dma2 semaphore(%run_scoped3A : memref<!tpu.dma_semaphore, #tpu.memory_space<semaphore_mem>>) src(%arg15 : memref<64x64xf32, #tpu.memory_space<vmem>>) dst(%dma_wait3A_87 : memref<64x64xf32, #tpu.memory_space<vmem_shared>>)
        tpu.yield
      }) : () -> ()
      "tpu.region"() ({
        %run_scoped3A = tpu.sem_alloc : memref<!tpu.dma_semaphore, #tpu.memory_space<semaphore_mem>>
        %dma_start3A = arith.constant 9808 : i32
        %dma_start3A_78 = arith.constant 0 : i32
        %dma_start3A_79 = tpu.memref_slice %arg29[%dma_start3A, %dma_start3A_78] : memref<10008x64xf32, #tpu.memory_space<vmem_shared>> -> memref<64x64xf32, #tpu.memory_space<vmem_shared>>
        %dma_start3A_80 = arith.constant 9808 : i32
        %dma_start3A_81 = arith.constant 0 : i32
        %dma_start3A_82 = tpu.memref_slice %arg29[%dma_start3A_80, %dma_start3A_81] : memref<10008x64xf32, #tpu.memory_space<vmem_shared>> -> memref<64x64xf32, #tpu.memory_space<vmem_shared>>
        tpu.enqueue_dma source(%arg15 : memref<64x64xf32, #tpu.memory_space<vmem>>) target(%dma_start3A_82 : memref<64x64xf32, #tpu.memory_space<vmem_shared>>) target_semaphore(%run_scoped3A : memref<!tpu.dma_semaphore, #tpu.memory_space<semaphore_mem>>)
        %dma_wait3A = arith.constant 9808 : i32
        %dma_wait3A_83 = arith.constant 0 : i32
        %dma_wait3A_84 = tpu.memref_slice %arg29[%dma_wait3A, %dma_wait3A_83] : memref<10008x64xf32, #tpu.memory_space<vmem_shared>> -> memref<64x64xf32, #tpu.memory_space<vmem_shared>>
        %dma_wait3A_85 = arith.constant 9808 : i32
        %dma_wait3A_86 = arith.constant 0 : i32
        %dma_wait3A_87 = tpu.memref_slice %arg29[%dma_wait3A_85, %dma_wait3A_86] : memref<10008x64xf32, #tpu.memory_space<vmem_shared>> -> memref<64x64xf32, #tpu.memory_space<vmem_shared>>
        tpu.wait_dma2 semaphore(%run_scoped3A : memref<!tpu.dma_semaphore, #tpu.memory_space<semaphore_mem>>) src(%arg15 : memref<64x64xf32, #tpu.memory_space<vmem>>) dst(%dma_wait3A_87 : memref<64x64xf32, #tpu.memory_space<vmem_shared>>)
        tpu.yield
      }) : () -> ()
      "tpu.region"() ({
        %run_scoped3A = tpu.sem_alloc : memref<!tpu.dma_semaphore, #tpu.memory_space<semaphore_mem>>
        %dma_start3A = arith.constant 9872 : i32
        %dma_start3A_78 = arith.constant 0 : i32
        %dma_start3A_79 = tpu.memref_slice %arg29[%dma_start3A, %dma_start3A_78] : memref<10008x64xf32, #tpu.memory_space<vmem_shared>> -> memref<64x64xf32, #tpu.memory_space<vmem_shared>>
        %dma_start3A_80 = arith.constant 9872 : i32
        %dma_start3A_81 = arith.constant 0 : i32
        %dma_start3A_82 = tpu.memref_slice %arg29[%dma_start3A_80, %dma_start3A_81] : memref<10008x64xf32, #tpu.memory_space<vmem_shared>> -> memref<64x64xf32, #tpu.memory_space<vmem_shared>>
        tpu.enqueue_dma source(%arg15 : memref<64x64xf32, #tpu.memory_space<vmem>>) target(%dma_start3A_82 : memref<64x64xf32, #tpu.memory_space<vmem_shared>>) target_semaphore(%run_scoped3A : memref<!tpu.dma_semaphore, #tpu.memory_space<semaphore_mem>>)
        %dma_wait3A = arith.constant 9872 : i32
        %dma_wait3A_83 = arith.constant 0 : i32
        %dma_wait3A_84 = tpu.memref_slice %arg29[%dma_wait3A, %dma_wait3A_83] : memref<10008x64xf32, #tpu.memory_space<vmem_shared>> -> memref<64x64xf32, #tpu.memory_space<vmem_shared>>
        %dma_wait3A_85 = arith.constant 9872 : i32
        %dma_wait3A_86 = arith.constant 0 : i32
        %dma_wait3A_87 = tpu.memref_slice %arg29[%dma_wait3A_85, %dma_wait3A_86] : memref<10008x64xf32, #tpu.memory_space<vmem_shared>> -> memref<64x64xf32, #tpu.memory_space<vmem_shared>>
        tpu.wait_dma2 semaphore(%run_scoped3A : memref<!tpu.dma_semaphore, #tpu.memory_space<semaphore_mem>>) src(%arg15 : memref<64x64xf32, #tpu.memory_space<vmem>>) dst(%dma_wait3A_87 : memref<64x64xf32, #tpu.memory_space<vmem_shared>>)
        tpu.yield
      }) : () -> ()
      "tpu.region"() ({
        %run_scoped3A = tpu.sem_alloc : memref<!tpu.dma_semaphore, #tpu.memory_space<semaphore_mem>>
        %dma_start3A = arith.constant 9936 : i32
        %dma_start3A_78 = arith.constant 0 : i32
        %dma_start3A_79 = tpu.memref_slice %arg29[%dma_start3A, %dma_start3A_78] : memref<10008x64xf32, #tpu.memory_space<vmem_shared>> -> memref<64x64xf32, #tpu.memory_space<vmem_shared>>
        %dma_start3A_80 = arith.constant 9936 : i32
        %dma_start3A_81 = arith.constant 0 : i32
        %dma_start3A_82 = tpu.memref_slice %arg29[%dma_start3A_80, %dma_start3A_81] : memref<10008x64xf32, #tpu.memory_space<vmem_shared>> -> memref<64x64xf32, #tpu.memory_space<vmem_shared>>
        tpu.enqueue_dma source(%arg15 : memref<64x64xf32, #tpu.memory_space<vmem>>) target(%dma_start3A_82 : memref<64x64xf32, #tpu.memory_space<vmem_shared>>) target_semaphore(%run_scoped3A : memref<!tpu.dma_semaphore, #tpu.memory_space<semaphore_mem>>)
        %dma_wait3A = arith.constant 9936 : i32
        %dma_wait3A_83 = arith.constant 0 : i32
        %dma_wait3A_84 = tpu.memref_slice %arg29[%dma_wait3A, %dma_wait3A_83] : memref<10008x64xf32, #tpu.memory_space<vmem_shared>> -> memref<64x64xf32, #tpu.memory_space<vmem_shared>>
        %dma_wait3A_85 = arith.constant 9936 : i32
        %dma_wait3A_86 = arith.constant 0 : i32
        %dma_wait3A_87 = tpu.memref_slice %arg29[%dma_wait3A_85, %dma_wait3A_86] : memref<10008x64xf32, #tpu.memory_space<vmem_shared>> -> memref<64x64xf32, #tpu.memory_space<vmem_shared>>
        tpu.wait_dma2 semaphore(%run_scoped3A : memref<!tpu.dma_semaphore, #tpu.memory_space<semaphore_mem>>) src(%arg15 : memref<64x64xf32, #tpu.memory_space<vmem>>) dst(%dma_wait3A_87 : memref<64x64xf32, #tpu.memory_space<vmem_shared>>)
        tpu.yield
      }) : () -> ()
      "tpu.region"() ({
        %run_scoped3A = tpu.sem_alloc : memref<!tpu.dma_semaphore, #tpu.memory_space<semaphore_mem>>
        %dma_start3A = arith.constant 0 : i32
        %dma_start3A_78 = arith.constant 0 : i32
        %dma_start3A_79 = tpu.memref_slice %arg15[%dma_start3A, %dma_start3A_78] : memref<64x64xf32, #tpu.memory_space<vmem>> -> memref<8x64xf32, #tpu.memory_space<vmem>>
        %dma_start3A_80 = arith.constant 10000 : i32
        %dma_start3A_81 = arith.constant 0 : i32
        %dma_start3A_82 = tpu.memref_slice %arg29[%dma_start3A_80, %dma_start3A_81] : memref<10008x64xf32, #tpu.memory_space<vmem_shared>> -> memref<8x64xf32, #tpu.memory_space<vmem_shared>>
        %dma_start3A_83 = arith.constant 10000 : i32
        %dma_start3A_84 = arith.constant 0 : i32
        %dma_start3A_85 = tpu.memref_slice %arg29[%dma_start3A_83, %dma_start3A_84] : memref<10008x64xf32, #tpu.memory_space<vmem_shared>> -> memref<8x64xf32, #tpu.memory_space<vmem_shared>>
        %dma_start3A_86 = arith.constant 0 : i32
        %dma_start3A_87 = arith.constant 0 : i32
        %dma_start3A_88 = tpu.memref_slice %arg15[%dma_start3A_86, %dma_start3A_87] : memref<64x64xf32, #tpu.memory_space<vmem>> -> memref<8x64xf32, #tpu.memory_space<vmem>>
        tpu.enqueue_dma source(%dma_start3A_88 : memref<8x64xf32, #tpu.memory_space<vmem>>) target(%dma_start3A_85 : memref<8x64xf32, #tpu.memory_space<vmem_shared>>) target_semaphore(%run_scoped3A : memref<!tpu.dma_semaphore, #tpu.memory_space<semaphore_mem>>)
        %dma_wait3A = arith.constant 0 : i32
        %dma_wait3A_89 = arith.constant 0 : i32
        %dma_wait3A_90 = tpu.memref_slice %arg15[%dma_wait3A, %dma_wait3A_89] : memref<64x64xf32, #tpu.memory_space<vmem>> -> memref<8x64xf32, #tpu.memory_space<vmem>>
        %dma_wait3A_91 = arith.constant 10000 : i32
        %dma_wait3A_92 = arith.constant 0 : i32
        %dma_wait3A_93 = tpu.memref_slice %arg29[%dma_wait3A_91, %dma_wait3A_92] : memref<10008x64xf32, #tpu.memory_space<vmem_shared>> -> memref<8x64xf32, #tpu.memory_space<vmem_shared>>
        %dma_wait3A_94 = arith.constant 10000 : i32
        %dma_wait3A_95 = arith.constant 0 : i32
        %dma_wait3A_96 = tpu.memref_slice %arg29[%dma_wait3A_94, %dma_wait3A_95] : memref<10008x64xf32, #tpu.memory_space<vmem_shared>> -> memref<8x64xf32, #tpu.memory_space<vmem_shared>>
        %dma_wait3A_97 = arith.constant 0 : i32
        %dma_wait3A_98 = arith.constant 0 : i32
        %dma_wait3A_99 = tpu.memref_slice %arg15[%dma_wait3A_97, %dma_wait3A_98] : memref<64x64xf32, #tpu.memory_space<vmem>> -> memref<8x64xf32, #tpu.memory_space<vmem>>
        tpu.wait_dma2 semaphore(%run_scoped3A : memref<!tpu.dma_semaphore, #tpu.memory_space<semaphore_mem>>) src(%dma_wait3A_99 : memref<8x64xf32, #tpu.memory_space<vmem>>) dst(%dma_wait3A_96 : memref<8x64xf32, #tpu.memory_space<vmem_shared>>)
        tpu.yield
      }) : () -> ()
    } else {
    }
    %barrier3A = arith.constant 0 : index
    tpu.barrier barrier_id(%barrier3A)
    %scan3A_26 = arith.constant 0 : i32
    %scan3A_27 = arith.constant 0 : i32
    %scan3A_28 = arith.constant 20 : i32
    %scan3A_29 = arith.addi %scan3A_27, %scan3A_28 : i32
    %scan3A_30 = arith.constant 1 : i32
    %scan3A_31 = scf.for %scan3A_78 = %scan3A_27 to %scan3A_29 step %scan3A_30 iter_args(%scan3A_79 = %scan3A_26) -> (i32)  : i32 {
      %mul3A = arith.constant 20480 : i32
      %mul3A_80 = arith.muli %arg1, %mul3A : i32
      %mul3A_81 = arith.constant 1024 : i32
      %mul3A_82 = arith.muli %scan3A_78, %mul3A_81 : i32
      %add3A = arith.addi %mul3A_80, %mul3A_82 : i32
      %mul3A_83 = arith.constant 3 : i32
      %mul3A_84 = arith.muli %add3A, %mul3A_83 : i32
      "tpu.region"() ({
        %run_scoped3A = tpu.sem_alloc : memref<!tpu.dma_semaphore, #tpu.memory_space<semaphore_mem>>
        %dma_start3A = tpu.memref_slice %arg2[%mul3A_84] : memref<983232xi32, #tpu.memory_space<hbm>> -> memref<3072xi32, #tpu.memory_space<hbm>>
        %dma_start3A_93 = tpu.memref_slice %arg2[%mul3A_84] : memref<983232xi32, #tpu.memory_space<hbm>> -> memref<3072xi32, #tpu.memory_space<hbm>>
        tpu.enqueue_dma source(%dma_start3A_93 : memref<3072xi32, #tpu.memory_space<hbm>>) target(%arg6 : memref<3072xi32, #tpu.memory_space<vmem>>) target_semaphore(%run_scoped3A : memref<!tpu.dma_semaphore, #tpu.memory_space<semaphore_mem>>)
        %dma_wait3A = tpu.memref_slice %arg2[%mul3A_84] : memref<983232xi32, #tpu.memory_space<hbm>> -> memref<3072xi32, #tpu.memory_space<hbm>>
        %dma_wait3A_94 = tpu.memref_slice %arg2[%mul3A_84] : memref<983232xi32, #tpu.memory_space<hbm>> -> memref<3072xi32, #tpu.memory_space<hbm>>
        tpu.wait_dma2 semaphore(%run_scoped3A : memref<!tpu.dma_semaphore, #tpu.memory_space<semaphore_mem>>) src(%dma_wait3A_94 : memref<3072xi32, #tpu.memory_space<hbm>>) dst(%arg6 : memref<3072xi32, #tpu.memory_space<vmem>>)
        tpu.yield
      }) : () -> ()
      %scan3A_85 = arith.constant 0 : i32
      %scan3A_86 = arith.constant 0 : i32
      %scan3A_87 = arith.constant 64 : i32
      %scan3A_88 = arith.addi %scan3A_86, %scan3A_87 : i32
      %scan3A_89 = arith.constant 1 : i32
      %scan3A_90 = scf.for %scan3A_93 = %scan3A_86 to %scan3A_88 step %scan3A_89 iter_args(%scan3A_94 = %scan3A_85) -> (i32)  : i32 {
        %jit3A = arith.constant 4 : i32
        %div3A = arith.divsi %scan3A_93, %jit3A : i32
        %sign3A = arith.constant 0 : i32
        %sign3A_95 = arith.cmpi sgt, %scan3A_93, %sign3A : i32
        %sign3A_96 = arith.extui %sign3A_95 : i1 to i32
        %sign3A_97 = arith.constant 0 : i32
        %sign3A_98 = arith.cmpi slt, %scan3A_93, %sign3A_97 : i32
        %sign3A_99 = arith.extui %sign3A_98 : i1 to i32
        %sign3A_100 = arith.subi %sign3A_96, %sign3A_99 : i32
        %sign3A_101 = arith.constant 0 : i32
        %sign3A_102 = arith.cmpi sgt, %jit3A, %sign3A_101 : i32
        %sign3A_103 = arith.extui %sign3A_102 : i1 to i32
        %sign3A_104 = arith.constant 0 : i32
        %sign3A_105 = arith.cmpi slt, %jit3A, %sign3A_104 : i32
        %sign3A_106 = arith.extui %sign3A_105 : i1 to i32
        %sign3A_107 = arith.subi %sign3A_103, %sign3A_106 : i32
        %ne3A = arith.cmpi ne, %sign3A_100, %sign3A_107 : i32
        %rem3A = arith.remsi %scan3A_93, %jit3A : i32
        %ne3A_108 = arith.constant 0 : i32
        %ne3A_109 = arith.cmpi ne, %rem3A, %ne3A_108 : i32
        %and3A_110 = arith.andi %ne3A, %ne3A_109 : i1
        %sub3A = arith.constant 1 : i32
        %sub3A_111 = arith.subi %div3A, %sub3A : i32
        %select_n3A = arith.select %and3A_110, %sub3A_111, %div3A : i32
        %mul3A_112 = arith.constant 192 : i32
        %mul3A_113 = arith.muli %select_n3A, %mul3A_112 : i32
        %add3A_114 = arith.constant 64 : i32
        %add3A_115 = arith.addi %mul3A_113, %add3A_114 : i32
        %jit3A_116 = arith.constant 4 : i32
        %eq3A_117 = arith.constant 0 : i32
        %eq3A_118 = arith.cmpi eq, %jit3A_116, %eq3A_117 : i32
        %jit3A_119 = arith.constant 1 : i32
        %select_n3A_120 = arith.select %eq3A_118, %jit3A_119, %jit3A_116 : i32
        %rem3A_121 = arith.remsi %scan3A_93, %select_n3A_120 : i32
        %ne3A_122 = arith.constant 0 : i32
        %ne3A_123 = arith.cmpi ne, %rem3A_121, %ne3A_122 : i32
        %lt3A_124 = arith.constant 0 : i32
        %lt3A_125 = arith.cmpi slt, %rem3A_121, %lt3A_124 : i32
        %lt3A_126 = arith.constant 0 : i32
        %lt3A_127 = arith.cmpi slt, %select_n3A_120, %lt3A_126 : i32
        %ne3A_128 = arith.xori %lt3A_125, %lt3A_127 : i1
        %and3A_129 = arith.andi %ne3A_128, %ne3A_123 : i1
        %add3A_130 = arith.addi %rem3A_121, %select_n3A_120 : i32
        %select_n3A_131 = arith.select %and3A_129, %add3A_130, %rem3A_121 : i32
        %mul3A_132 = arith.constant 16 : i32
        %mul3A_133 = arith.muli %select_n3A_131, %mul3A_132 : i32
        %add3A_134 = arith.addi %add3A_115, %mul3A_133 : i32
        %add3A_135 = arith.constant 128 : i32
        %add3A_136 = arith.addi %mul3A_113, %add3A_135 : i32
        %jit3A_137 = arith.constant 4 : i32
        %eq3A_138 = arith.constant 0 : i32
        %eq3A_139 = arith.cmpi eq, %jit3A_137, %eq3A_138 : i32
        %jit3A_140 = arith.constant 1 : i32
        %select_n3A_141 = arith.select %eq3A_139, %jit3A_140, %jit3A_137 : i32
        %rem3A_142 = arith.remsi %scan3A_93, %select_n3A_141 : i32
        %ne3A_143 = arith.constant 0 : i32
        %ne3A_144 = arith.cmpi ne, %rem3A_142, %ne3A_143 : i32
        %lt3A_145 = arith.constant 0 : i32
        %lt3A_146 = arith.cmpi slt, %rem3A_142, %lt3A_145 : i32
        %lt3A_147 = arith.constant 0 : i32
        %lt3A_148 = arith.cmpi slt, %select_n3A_141, %lt3A_147 : i32
        %ne3A_149 = arith.xori %lt3A_146, %lt3A_148 : i1
        %and3A_150 = arith.andi %ne3A_149, %ne3A_144 : i1
        %add3A_151 = arith.addi %rem3A_142, %select_n3A_141 : i32
        %select_n3A_152 = arith.select %and3A_150, %add3A_151, %rem3A_142 : i32
        %mul3A_153 = arith.constant 16 : i32
        %mul3A_154 = arith.muli %select_n3A_152, %mul3A_153 : i32
        %add3A_155 = arith.addi %add3A_136, %mul3A_154 : i32
        %get3A = arith.index_cast %add3A_134 : i32 to index
        %get3A_156 = tpu.vector_load %arg6[%get3A] {strides = array<i32>} : memref<3072xi32, #tpu.memory_space<vmem>>, vector<16xi32>,
        %mul3A_157 = arith.constant 8 : i32
        %mul3A_158 = vector.broadcast %mul3A_157 : i32 to vector<16xi32>
        %mul3A_159 = arith.muli %get3A_156, %mul3A_158 : vector<16xi32>
        %get3A_160 = arith.index_cast %add3A_155 : i32 to index
        %get3A_161 = tpu.vector_load %arg6[%get3A_160] {strides = array<i32>} : memref<3072xi32, #tpu.memory_space<vmem>>, vector<16xi32>,
        %add3A_162 = arith.addi %mul3A_159, %get3A_161 : vector<16xi32>
        %mul3A_163 = arith.constant 16 : i32
        %mul3A_164 = arith.muli %scan3A_93, %mul3A_163 : i32
        %swap3A = arith.index_cast %mul3A_164 : i32 to index
        %swap3A_165 = tpu.vector_load %arg8[%swap3A] {strides = array<i32>} : memref<1024xi32, #tpu.memory_space<vmem>>, vector<16xi32>,
        tpu.vector_store %arg8[%swap3A], %add3A_162 {strides = array<i32>} : memref<1024xi32, #tpu.memory_space<vmem>>, vector<16xi32>,
        %scan3A_166 = arith.constant 0 : i32
        scf.yield %scan3A_166 : i32
      }
      %scan3A_91 = arith.constant 64 : i32
      "tpu.region"() ({
        %run_scoped3A = tpu.sem_alloc : memref<!tpu.dma_semaphore, #tpu.memory_space<semaphore_mem>>
        %dma_start3A = arith.constant 0 : i32
        %dma_start3A_93 = tpu.memref_slice %arg28[%dma_start3A] : memref<80016xf32, #tpu.memory_space<vmem_shared>> -> memref<80016xf32, #tpu.memory_space<vmem_shared>>
        tpu.enqueue_indirect_dma source(%arg7 : memref<1024xf32, #tpu.memory_space<vmem>>) target(%dma_start3A_93 : memref<80016xf32, #tpu.memory_space<vmem_shared>>) offsets(%arg8 : memref<1024xi32, #tpu.memory_space<vmem>>) semaphore(%run_scoped3A : memref<!tpu.dma_semaphore, #tpu.memory_space<semaphore_mem>>) {add = true}
        %dma_wait3A = arith.constant 0 : i32
        %dma_wait3A_94 = tpu.memref_slice %arg28[%dma_wait3A] : memref<80016xf32, #tpu.memory_space<vmem_shared>> -> memref<80016xf32, #tpu.memory_space<vmem_shared>>
        tpu.wait_indirect_dma semaphore(%run_scoped3A : memref<!tpu.dma_semaphore, #tpu.memory_space<semaphore_mem>>) src(%arg7 : memref<1024xf32, #tpu.memory_space<vmem>>) dst(%dma_wait3A_94 : memref<80016xf32, #tpu.memory_space<vmem_shared>>)
        tpu.yield
      }) : () -> ()
      %scan3A_92 = arith.constant 0 : i32
      scf.yield %scan3A_92 : i32
    }
    %scan3A_32 = arith.constant 20 : i32
    %barrier3A_33 = arith.constant 0 : index
    tpu.barrier barrier_id(%barrier3A_33)
    %lt3A_34 = arith.constant 15 : i32
    %lt3A_35 = arith.cmpi slt, %arg1, %lt3A_34 : i32
    %convert_element_type3A_36 = arith.extui %lt3A_35 : i1 to i32
    %cond3A_37 = arith.constant 0 : i32
    %cond3A_38 = arith.cmpi ne, %convert_element_type3A_36, %cond3A_37 : i32
    scf.if %cond3A_38 {
      %mul3A = arith.constant 5008 : i32
      %mul3A_78 = arith.muli %arg1, %mul3A : i32
      "tpu.region"() ({
        %run_scoped3A = tpu.sem_alloc : memref<!tpu.dma_semaphore, #tpu.memory_space<semaphore_mem>>
        %dma_start3A = tpu.memref_slice %arg28[%mul3A_78] : memref<80016xf32, #tpu.memory_space<vmem_shared>> -> memref<5008xf32, #tpu.memory_space<vmem_shared>>
        %dma_start3A_86 = tpu.memref_slice %arg28[%mul3A_78] : memref<80016xf32, #tpu.memory_space<vmem_shared>> -> memref<5008xf32, #tpu.memory_space<vmem_shared>>
        tpu.enqueue_dma source(%dma_start3A_86 : memref<5008xf32, #tpu.memory_space<vmem_shared>>) target(%arg27 : memref<5008xf32, #tpu.memory_space<vmem>>) target_semaphore(%run_scoped3A : memref<!tpu.dma_semaphore, #tpu.memory_space<semaphore_mem>>)
        %dma_wait3A = tpu.memref_slice %arg28[%mul3A_78] : memref<80016xf32, #tpu.memory_space<vmem_shared>> -> memref<5008xf32, #tpu.memory_space<vmem_shared>>
        %dma_wait3A_87 = tpu.memref_slice %arg28[%mul3A_78] : memref<80016xf32, #tpu.memory_space<vmem_shared>> -> memref<5008xf32, #tpu.memory_space<vmem_shared>>
        tpu.wait_dma2 semaphore(%run_scoped3A : memref<!tpu.dma_semaphore, #tpu.memory_space<semaphore_mem>>) src(%dma_wait3A_87 : memref<5008xf32, #tpu.memory_space<vmem_shared>>) dst(%arg27 : memref<5008xf32, #tpu.memory_space<vmem>>)
        tpu.yield
      }) : () -> ()
      %scan3A_79 = arith.constant 0 : i32
      %scan3A_80 = arith.constant 0 : i32
      %scan3A_81 = arith.constant 313 : i32
      %scan3A_82 = arith.addi %scan3A_80, %scan3A_81 : i32
      %scan3A_83 = arith.constant 1 : i32
      %scan3A_84 = scf.for %scan3A_86 = %scan3A_80 to %scan3A_82 step %scan3A_83 iter_args(%scan3A_87 = %scan3A_79) -> (i32)  : i32 {
        %mul3A_88 = arith.constant 16 : i32
        %mul3A_89 = arith.muli %scan3A_86, %mul3A_88 : i32
        %get3A = arith.index_cast %mul3A_89 : i32 to index
        %get3A_90 = tpu.vector_load %arg27[%get3A] {strides = array<i32>} : memref<5008xf32, #tpu.memory_space<vmem>>, vector<16xf32>,
        %div3A = arith.constant 1.000000e+00 : f32
        %div3A_91 = vector.broadcast %div3A : f32 to vector<16xf32>
        %div3A_92 = arith.divf %div3A_91, %get3A_90 : vector<16xf32>
        %swap3A = arith.index_cast %mul3A_89 : i32 to index
        %swap3A_93 = tpu.vector_load %arg27[%swap3A] {strides = array<i32>} : memref<5008xf32, #tpu.memory_space<vmem>>, vector<16xf32>,
        tpu.vector_store %arg27[%swap3A], %div3A_92 {strides = array<i32>} : memref<5008xf32, #tpu.memory_space<vmem>>, vector<16xf32>,
        %scan3A_94 = arith.constant 0 : i32
        scf.yield %scan3A_94 : i32
      }
      %scan3A_85 = arith.constant 313 : i32
      "tpu.region"() ({
        %run_scoped3A = tpu.sem_alloc : memref<!tpu.dma_semaphore, #tpu.memory_space<semaphore_mem>>
        %dma_start3A = tpu.memref_slice %arg28[%mul3A_78] : memref<80016xf32, #tpu.memory_space<vmem_shared>> -> memref<5008xf32, #tpu.memory_space<vmem_shared>>
        %dma_start3A_86 = tpu.memref_slice %arg28[%mul3A_78] : memref<80016xf32, #tpu.memory_space<vmem_shared>> -> memref<5008xf32, #tpu.memory_space<vmem_shared>>
        tpu.enqueue_dma source(%arg27 : memref<5008xf32, #tpu.memory_space<vmem>>) target(%dma_start3A_86 : memref<5008xf32, #tpu.memory_space<vmem_shared>>) target_semaphore(%run_scoped3A : memref<!tpu.dma_semaphore, #tpu.memory_space<semaphore_mem>>)
        %dma_wait3A = tpu.memref_slice %arg28[%mul3A_78] : memref<80016xf32, #tpu.memory_space<vmem_shared>> -> memref<5008xf32, #tpu.memory_space<vmem_shared>>
        %dma_wait3A_87 = tpu.memref_slice %arg28[%mul3A_78] : memref<80016xf32, #tpu.memory_space<vmem_shared>> -> memref<5008xf32, #tpu.memory_space<vmem_shared>>
        tpu.wait_dma2 semaphore(%run_scoped3A : memref<!tpu.dma_semaphore, #tpu.memory_space<semaphore_mem>>) src(%arg27 : memref<5008xf32, #tpu.memory_space<vmem>>) dst(%dma_wait3A_87 : memref<5008xf32, #tpu.memory_space<vmem_shared>>)
        tpu.yield
      }) : () -> ()
    } else {
    }
    %eq3A_39 = arith.constant 15 : i32
    %eq3A_40 = arith.cmpi eq, %arg1, %eq3A_39 : i32
    %convert_element_type3A_41 = arith.extui %eq3A_40 : i1 to i32
    %cond3A_42 = arith.constant 0 : i32
    %cond3A_43 = arith.cmpi ne, %convert_element_type3A_41, %cond3A_42 : i32
    scf.if %cond3A_43 {
      "tpu.region"() ({
        %run_scoped3A = tpu.sem_alloc : memref<!tpu.dma_semaphore, #tpu.memory_space<semaphore_mem>>
        %dma_start3A = arith.constant 0 : i32
        %dma_start3A_85 = tpu.memref_slice %arg27[%dma_start3A] : memref<5008xf32, #tpu.memory_space<vmem>> -> memref<4896xf32, #tpu.memory_space<vmem>>
        %dma_start3A_86 = arith.constant 75120 : i32
        %dma_start3A_87 = tpu.memref_slice %arg28[%dma_start3A_86] : memref<80016xf32, #tpu.memory_space<vmem_shared>> -> memref<4896xf32, #tpu.memory_space<vmem_shared>>
        %dma_start3A_88 = arith.constant 0 : i32
        %dma_start3A_89 = tpu.memref_slice %arg27[%dma_start3A_88] : memref<5008xf32, #tpu.memory_space<vmem>> -> memref<4896xf32, #tpu.memory_space<vmem>>
        %dma_start3A_90 = arith.constant 75120 : i32
        %dma_start3A_91 = tpu.memref_slice %arg28[%dma_start3A_90] : memref<80016xf32, #tpu.memory_space<vmem_shared>> -> memref<4896xf32, #tpu.memory_space<vmem_shared>>
        tpu.enqueue_dma source(%dma_start3A_91 : memref<4896xf32, #tpu.memory_space<vmem_shared>>) target(%dma_start3A_89 : memref<4896xf32, #tpu.memory_space<vmem>>) target_semaphore(%run_scoped3A : memref<!tpu.dma_semaphore, #tpu.memory_space<semaphore_mem>>)
        %dma_wait3A = arith.constant 0 : i32
        %dma_wait3A_92 = tpu.memref_slice %arg27[%dma_wait3A] : memref<5008xf32, #tpu.memory_space<vmem>> -> memref<4896xf32, #tpu.memory_space<vmem>>
        %dma_wait3A_93 = arith.constant 75120 : i32
        %dma_wait3A_94 = tpu.memref_slice %arg28[%dma_wait3A_93] : memref<80016xf32, #tpu.memory_space<vmem_shared>> -> memref<4896xf32, #tpu.memory_space<vmem_shared>>
        %dma_wait3A_95 = arith.constant 0 : i32
        %dma_wait3A_96 = tpu.memref_slice %arg27[%dma_wait3A_95] : memref<5008xf32, #tpu.memory_space<vmem>> -> memref<4896xf32, #tpu.memory_space<vmem>>
        %dma_wait3A_97 = arith.constant 75120 : i32
        %dma_wait3A_98 = tpu.memref_slice %arg28[%dma_wait3A_97] : memref<80016xf32, #tpu.memory_space<vmem_shared>> -> memref<4896xf32, #tpu.memory_space<vmem_shared>>
        tpu.wait_dma2 semaphore(%run_scoped3A : memref<!tpu.dma_semaphore, #tpu.memory_space<semaphore_mem>>) src(%dma_wait3A_98 : memref<4896xf32, #tpu.memory_space<vmem_shared>>) dst(%dma_wait3A_96 : memref<4896xf32, #tpu.memory_space<vmem>>)
        tpu.yield
      }) : () -> ()
      %scan3A_78 = arith.constant 0 : i32
      %scan3A_79 = arith.constant 0 : i32
      %scan3A_80 = arith.constant 306 : i32
      %scan3A_81 = arith.addi %scan3A_79, %scan3A_80 : i32
      %scan3A_82 = arith.constant 1 : i32
      %scan3A_83 = scf.for %scan3A_85 = %scan3A_79 to %scan3A_81 step %scan3A_82 iter_args(%scan3A_86 = %scan3A_78) -> (i32)  : i32 {
        %mul3A = arith.constant 16 : i32
        %mul3A_87 = arith.muli %scan3A_85, %mul3A : i32
        %get3A = arith.index_cast %mul3A_87 : i32 to index
        %get3A_88 = tpu.vector_load %arg27[%get3A] {strides = array<i32>} : memref<5008xf32, #tpu.memory_space<vmem>>, vector<16xf32>,
        %div3A = arith.constant 1.000000e+00 : f32
        %div3A_89 = vector.broadcast %div3A : f32 to vector<16xf32>
        %div3A_90 = arith.divf %div3A_89, %get3A_88 : vector<16xf32>
        %swap3A = arith.index_cast %mul3A_87 : i32 to index
        %swap3A_91 = tpu.vector_load %arg27[%swap3A] {strides = array<i32>} : memref<5008xf32, #tpu.memory_space<vmem>>, vector<16xf32>,
        tpu.vector_store %arg27[%swap3A], %div3A_90 {strides = array<i32>} : memref<5008xf32, #tpu.memory_space<vmem>>, vector<16xf32>,
        %scan3A_92 = arith.constant 0 : i32
        scf.yield %scan3A_92 : i32
      }
      %scan3A_84 = arith.constant 306 : i32
      "tpu.region"() ({
        %run_scoped3A = tpu.sem_alloc : memref<!tpu.dma_semaphore, #tpu.memory_space<semaphore_mem>>
        %dma_start3A = arith.constant 0 : i32
        %dma_start3A_85 = tpu.memref_slice %arg27[%dma_start3A] : memref<5008xf32, #tpu.memory_space<vmem>> -> memref<4896xf32, #tpu.memory_space<vmem>>
        %dma_start3A_86 = arith.constant 75120 : i32
        %dma_start3A_87 = tpu.memref_slice %arg28[%dma_start3A_86] : memref<80016xf32, #tpu.memory_space<vmem_shared>> -> memref<4896xf32, #tpu.memory_space<vmem_shared>>
        %dma_start3A_88 = arith.constant 75120 : i32
        %dma_start3A_89 = tpu.memref_slice %arg28[%dma_start3A_88] : memref<80016xf32, #tpu.memory_space<vmem_shared>> -> memref<4896xf32, #tpu.memory_space<vmem_shared>>
        %dma_start3A_90 = arith.constant 0 : i32
        %dma_start3A_91 = tpu.memref_slice %arg27[%dma_start3A_90] : memref<5008xf32, #tpu.memory_space<vmem>> -> memref<4896xf32, #tpu.memory_space<vmem>>
        tpu.enqueue_dma source(%dma_start3A_91 : memref<4896xf32, #tpu.memory_space<vmem>>) target(%dma_start3A_89 : memref<4896xf32, #tpu.memory_space<vmem_shared>>) target_semaphore(%run_scoped3A : memref<!tpu.dma_semaphore, #tpu.memory_space<semaphore_mem>>)
        %dma_wait3A = arith.constant 0 : i32
        %dma_wait3A_92 = tpu.memref_slice %arg27[%dma_wait3A] : memref<5008xf32, #tpu.memory_space<vmem>> -> memref<4896xf32, #tpu.memory_space<vmem>>
        %dma_wait3A_93 = arith.constant 75120 : i32
        %dma_wait3A_94 = tpu.memref_slice %arg28[%dma_wait3A_93] : memref<80016xf32, #tpu.memory_space<vmem_shared>> -> memref<4896xf32, #tpu.memory_space<vmem_shared>>
        %dma_wait3A_95 = arith.constant 75120 : i32
        %dma_wait3A_96 = tpu.memref_slice %arg28[%dma_wait3A_95] : memref<80016xf32, #tpu.memory_space<vmem_shared>> -> memref<4896xf32, #tpu.memory_space<vmem_shared>>
        %dma_wait3A_97 = arith.constant 0 : i32
        %dma_wait3A_98 = tpu.memref_slice %arg27[%dma_wait3A_97] : memref<5008xf32, #tpu.memory_space<vmem>> -> memref<4896xf32, #tpu.memory_space<vmem>>
        tpu.wait_dma2 semaphore(%run_scoped3A : memref<!tpu.dma_semaphore, #tpu.memory_space<semaphore_mem>>) src(%dma_wait3A_98 : memref<4896xf32, #tpu.memory_space<vmem>>) dst(%dma_wait3A_96 : memref<4896xf32, #tpu.memory_space<vmem_shared>>)
        tpu.yield
      }) : () -> ()
    } else {
    }
    %barrier3A_44 = arith.constant 0 : index
    tpu.barrier barrier_id(%barrier3A_44)
    %scan3A_45 = arith.constant 0 : i32
    %scan3A_46 = arith.constant 0 : i32
    %scan3A_47 = arith.constant 320 : i32
    %scan3A_48 = arith.addi %scan3A_46, %scan3A_47 : i32
    %scan3A_49 = arith.constant 1 : i32
    %scan3A_50 = scf.for %scan3A_78 = %scan3A_46 to %scan3A_48 step %scan3A_49 iter_args(%scan3A_79 = %scan3A_45) -> (i32)  : i32 {
      %mul3A = arith.constant 20480 : i32
      %mul3A_80 = arith.muli %arg1, %mul3A : i32
      %mul3A_81 = arith.constant 64 : i32
      %mul3A_82 = arith.muli %scan3A_78, %mul3A_81 : i32
      %add3A = arith.addi %mul3A_80, %mul3A_82 : i32
      %mul3A_83 = arith.constant 3 : i32
      %mul3A_84 = arith.muli %add3A, %mul3A_83 : i32
      "tpu.region"() ({
        %run_scoped3A = tpu.sem_alloc : memref<!tpu.dma_semaphore, #tpu.memory_space<semaphore_mem>>
        %dma_start3A_108 = tpu.memref_slice %arg2[%mul3A_84] : memref<983232xi32, #tpu.memory_space<hbm>> -> memref<192xi32, #tpu.memory_space<hbm>>
        %dma_start3A_109 = tpu.memref_slice %arg2[%mul3A_84] : memref<983232xi32, #tpu.memory_space<hbm>> -> memref<192xi32, #tpu.memory_space<hbm>>
        tpu.enqueue_dma source(%dma_start3A_109 : memref<192xi32, #tpu.memory_space<hbm>>) target(%arg9 : memref<192xi32, #tpu.memory_space<vmem>>) target_semaphore(%run_scoped3A : memref<!tpu.dma_semaphore, #tpu.memory_space<semaphore_mem>>)
        %dma_wait3A_110 = tpu.memref_slice %arg2[%mul3A_84] : memref<983232xi32, #tpu.memory_space<hbm>> -> memref<192xi32, #tpu.memory_space<hbm>>
        %dma_wait3A_111 = tpu.memref_slice %arg2[%mul3A_84] : memref<983232xi32, #tpu.memory_space<hbm>> -> memref<192xi32, #tpu.memory_space<hbm>>
        tpu.wait_dma2 semaphore(%run_scoped3A : memref<!tpu.dma_semaphore, #tpu.memory_space<semaphore_mem>>) src(%dma_wait3A_111 : memref<192xi32, #tpu.memory_space<hbm>>) dst(%arg9 : memref<192xi32, #tpu.memory_space<vmem>>)
        tpu.yield
      }) : () -> ()
      %scan3A_85 = arith.constant 0 : i32
      %scan3A_86 = arith.constant 0 : i32
      %scan3A_87 = arith.constant 4 : i32
      %scan3A_88 = arith.addi %scan3A_86, %scan3A_87 : i32
      %scan3A_89 = arith.constant 1 : i32
      %scan3A_90 = scf.for %scan3A_108 = %scan3A_86 to %scan3A_88 step %scan3A_89 iter_args(%scan3A_109 = %scan3A_85) -> (i32)  : i32 {
        %mul3A_110 = arith.constant 16 : i32
        %mul3A_111 = arith.muli %scan3A_108, %mul3A_110 : i32
        %mul3A_112 = arith.constant 16 : i32
        %mul3A_113 = arith.muli %scan3A_108, %mul3A_112 : i32
        %add3A_114 = arith.constant 64 : i32
        %add3A_115 = arith.addi %add3A_114, %mul3A_113 : i32
        %mul3A_116 = arith.constant 16 : i32
        %mul3A_117 = arith.muli %scan3A_108, %mul3A_116 : i32
        %add3A_118 = arith.constant 128 : i32
        %add3A_119 = arith.addi %add3A_118, %mul3A_117 : i32
        %get3A = arith.index_cast %add3A_119 : i32 to index
        %get3A_120 = tpu.vector_load %arg9[%get3A] {strides = array<i32>} : memref<192xi32, #tpu.memory_space<vmem>>, vector<16xi32>,
        %mul3A_121 = arith.constant 10000 : i32
        %mul3A_122 = vector.broadcast %mul3A_121 : i32 to vector<16xi32>
        %mul3A_123 = arith.muli %get3A_120, %mul3A_122 : vector<16xi32>
        %get3A_124 = arith.index_cast %mul3A_111 : i32 to index
        %get3A_125 = tpu.vector_load %arg9[%get3A_124] {strides = array<i32>} : memref<192xi32, #tpu.memory_space<vmem>>, vector<16xi32>,
        %add3A_126 = arith.addi %mul3A_123, %get3A_125 : vector<16xi32>
        %swap3A = arith.index_cast %mul3A_111 : i32 to index
        %swap3A_127 = tpu.vector_load %arg10[%swap3A] {strides = array<i32>} : memref<64xi32, #tpu.memory_space<vmem>>, vector<16xi32>,
        tpu.vector_store %arg10[%swap3A], %add3A_126 {strides = array<i32>} : memref<64xi32, #tpu.memory_space<vmem>>, vector<16xi32>,
        %get3A_128 = arith.index_cast %add3A_115 : i32 to index
        %get3A_129 = tpu.vector_load %arg9[%get3A_128] {strides = array<i32>} : memref<192xi32, #tpu.memory_space<vmem>>, vector<16xi32>,
        %mul3A_130 = arith.constant 8 : i32
        %mul3A_131 = vector.broadcast %mul3A_130 : i32 to vector<16xi32>
        %mul3A_132 = arith.muli %get3A_129, %mul3A_131 : vector<16xi32>
        %add3A_133 = arith.addi %mul3A_132, %get3A_120 : vector<16xi32>
        %swap3A_134 = arith.index_cast %mul3A_111 : i32 to index
        %swap3A_135 = tpu.vector_load %arg11[%swap3A_134] {strides = array<i32>} : memref<64xi32, #tpu.memory_space<vmem>>, vector<16xi32>,
        tpu.vector_store %arg11[%swap3A_134], %add3A_133 {strides = array<i32>} : memref<64xi32, #tpu.memory_space<vmem>>, vector<16xi32>,
        %get3A_136 = arith.index_cast %add3A_115 : i32 to index
        %get3A_137 = tpu.vector_load %arg9[%get3A_136] {strides = array<i32>} : memref<192xi32, #tpu.memory_space<vmem>>, vector<16xi32>,
        %swap3A_138 = arith.index_cast %mul3A_111 : i32 to index
        %swap3A_139 = tpu.vector_load %arg12[%swap3A_138] {strides = array<i32>} : memref<64xi32, #tpu.memory_space<vmem>>, vector<16xi32>,
        tpu.vector_store %arg12[%swap3A_138], %get3A_137 {strides = array<i32>} : memref<64xi32, #tpu.memory_space<vmem>>, vector<16xi32>,
        %scan3A_140 = arith.constant 0 : i32
        scf.yield %scan3A_140 : i32
      }
      %scan3A_91 = arith.constant 4 : i32
      %dma_start3A = arith.constant 0 : i32
      %dma_start3A_92 = tpu.memref_slice %arg28[%dma_start3A] : memref<80016xf32, #tpu.memory_space<vmem_shared>> -> memref<80016xf32, #tpu.memory_space<vmem_shared>>
      tpu.enqueue_indirect_dma source(%dma_start3A_92 : memref<80016xf32, #tpu.memory_space<vmem_shared>>) target(%arg13 : memref<64xf32, #tpu.memory_space<vmem>>) offsets(%arg11 : memref<64xi32, #tpu.memory_space<vmem>>) semaphore(%arg17 : memref<!tpu.dma_semaphore, #tpu.memory_space<semaphore_mem>>)
      %dma_start3A_93 = arith.constant 0 : i32
      %dma_start3A_94 = arith.constant 0 : i32
      %dma_start3A_95 = tpu.memref_slice %arg3[%dma_start3A_93, %dma_start3A_94] : memref<80000x128xf32, #tpu.memory_space<hbm>> -> memref<80000x128xf32, #tpu.memory_space<hbm>>
      tpu.enqueue_indirect_dma source(%dma_start3A_95 : memref<80000x128xf32, #tpu.memory_space<hbm>>) target(%arg14 : memref<64x128xf32, #tpu.memory_space<vmem>>) offsets(%arg10 : memref<64xi32, #tpu.memory_space<vmem>>) semaphore(%arg16 : memref<!tpu.dma_semaphore, #tpu.memory_space<semaphore_mem>>)
      %dma_wait3A = arith.constant 0 : i32
      %dma_wait3A_96 = arith.constant 0 : i32
      %dma_wait3A_97 = tpu.memref_slice %arg3[%dma_wait3A, %dma_wait3A_96] : memref<80000x128xf32, #tpu.memory_space<hbm>> -> memref<80000x128xf32, #tpu.memory_space<hbm>>
      tpu.wait_indirect_dma semaphore(%arg16 : memref<!tpu.dma_semaphore, #tpu.memory_space<semaphore_mem>>) src(%dma_wait3A_97 : memref<80000x128xf32, #tpu.memory_space<hbm>>) dst(%arg14 : memref<64x128xf32, #tpu.memory_space<vmem>>)
      %dma_wait3A_98 = arith.constant 0 : i32
      %dma_wait3A_99 = tpu.memref_slice %arg28[%dma_wait3A_98] : memref<80016xf32, #tpu.memory_space<vmem_shared>> -> memref<80016xf32, #tpu.memory_space<vmem_shared>>
      tpu.wait_indirect_dma semaphore(%arg17 : memref<!tpu.dma_semaphore, #tpu.memory_space<semaphore_mem>>) src(%dma_wait3A_99 : memref<80016xf32, #tpu.memory_space<vmem_shared>>) dst(%arg13 : memref<64xf32, #tpu.memory_space<vmem>>)
      %scan3A_100 = arith.constant 0 : i32
      %scan3A_101 = arith.constant 0 : i32
      %scan3A_102 = arith.constant 64 : i32
      %scan3A_103 = arith.addi %scan3A_101, %scan3A_102 : i32
      %scan3A_104 = arith.constant 4 : i32
      %scan3A_105 = scf.for %scan3A_108 = %scan3A_101 to %scan3A_103 step %scan3A_104 iter_args(%scan3A_109 = %scan3A_100) -> (i32)  : i32 {
        %broadcast_in_dim3A = vector.broadcast %scan3A_108 : i32 to vector<16xi32>
        %gather3A = tpu.vector_load_idx %arg13[%broadcast_in_dim3A] : memref<64xf32, #tpu.memory_space<vmem>>[vector<16xi32>], vector<16xf32>,
        %mul3A_110 = arith.constant 64 : i32
        %mul3A_111 = arith.muli %arg0, %mul3A_110 : i32
        %add3A_112 = arith.constant 0 : i32
        %add3A_113 = arith.addi %mul3A_111, %add3A_112 : i32
        %get3A = arith.index_cast %scan3A_108 : i32 to index
        %get3A_114 = arith.index_cast %add3A_113 : i32 to index
        %get3A_115 = tpu.vector_load %arg14[%get3A, %get3A_114] {strides = array<i32>} : memref<64x128xf32, #tpu.memory_space<vmem>>, vector<16xf32>,
        %mul3A_116 = arith.mulf %get3A_115, %gather3A : vector<16xf32>
        %swap3A = arith.index_cast %scan3A_108 : i32 to index
        %swap3A_117 = arith.constant 0 : index
        %swap3A_118 = tpu.vector_load %arg15[%swap3A, %swap3A_117] {strides = array<i32>} : memref<64x64xf32, #tpu.memory_space<vmem>>, vector<16xf32>,
        tpu.vector_store %arg15[%swap3A, %swap3A_117], %mul3A_116 {strides = array<i32>} : memref<64x64xf32, #tpu.memory_space<vmem>>, vector<16xf32>,
        %mul3A_119 = arith.constant 64 : i32
        %mul3A_120 = arith.muli %arg0, %mul3A_119 : i32
        %add3A_121 = arith.constant 16 : i32
        %add3A_122 = arith.addi %mul3A_120, %add3A_121 : i32
        %get3A_123 = arith.index_cast %scan3A_108 : i32 to index
        %get3A_124 = arith.index_cast %add3A_122 : i32 to index
        %get3A_125 = tpu.vector_load %arg14[%get3A_123, %get3A_124] {strides = array<i32>} : memref<64x128xf32, #tpu.memory_space<vmem>>, vector<16xf32>,
        %mul3A_126 = arith.mulf %get3A_125, %gather3A : vector<16xf32>
        %swap3A_127 = arith.index_cast %scan3A_108 : i32 to index
        %swap3A_128 = arith.constant 16 : index
        %swap3A_129 = tpu.vector_load %arg15[%swap3A_127, %swap3A_128] {strides = array<i32>} : memref<64x64xf32, #tpu.memory_space<vmem>>, vector<16xf32>,
        tpu.vector_store %arg15[%swap3A_127, %swap3A_128], %mul3A_126 {strides = array<i32>} : memref<64x64xf32, #tpu.memory_space<vmem>>, vector<16xf32>,
        %mul3A_130 = arith.constant 64 : i32
        %mul3A_131 = arith.muli %arg0, %mul3A_130 : i32
        %add3A_132 = arith.constant 32 : i32
        %add3A_133 = arith.addi %mul3A_131, %add3A_132 : i32
        %get3A_134 = arith.index_cast %scan3A_108 : i32 to index
        %get3A_135 = arith.index_cast %add3A_133 : i32 to index
        %get3A_136 = tpu.vector_load %arg14[%get3A_134, %get3A_135] {strides = array<i32>} : memref<64x128xf32, #tpu.memory_space<vmem>>, vector<16xf32>,
        %mul3A_137 = arith.mulf %get3A_136, %gather3A : vector<16xf32>
        %swap3A_138 = arith.index_cast %scan3A_108 : i32 to index
        %swap3A_139 = arith.constant 32 : index
        %swap3A_140 = tpu.vector_load %arg15[%swap3A_138, %swap3A_139] {strides = array<i32>} : memref<64x64xf32, #tpu.memory_space<vmem>>, vector<16xf32>,
        tpu.vector_store %arg15[%swap3A_138, %swap3A_139], %mul3A_137 {strides = array<i32>} : memref<64x64xf32, #tpu.memory_space<vmem>>, vector<16xf32>,
        %mul3A_141 = arith.constant 64 : i32
        %mul3A_142 = arith.muli %arg0, %mul3A_141 : i32
        %add3A_143 = arith.constant 48 : i32
        %add3A_144 = arith.addi %mul3A_142, %add3A_143 : i32
        %get3A_145 = arith.index_cast %scan3A_108 : i32 to index
        %get3A_146 = arith.index_cast %add3A_144 : i32 to index
        %get3A_147 = tpu.vector_load %arg14[%get3A_145, %get3A_146] {strides = array<i32>} : memref<64x128xf32, #tpu.memory_space<vmem>>, vector<16xf32>,
        %mul3A_148 = arith.mulf %get3A_147, %gather3A : vector<16xf32>
        %swap3A_149 = arith.index_cast %scan3A_108 : i32 to index
        %swap3A_150 = arith.constant 48 : index
        %swap3A_151 = tpu.vector_load %arg15[%swap3A_149, %swap3A_150] {strides = array<i32>} : memref<64x64xf32, #tpu.memory_space<vmem>>, vector<16xf32>,
        tpu.vector_store %arg15[%swap3A_149, %swap3A_150], %mul3A_148 {strides = array<i32>} : memref<64x64xf32, #tpu.memory_space<vmem>>, vector<16xf32>,
        %scan3A_152 = arith.constant 0 : i32
        %scan3A_153 = arith.constant 1 : i32
        %scan3A_154 = arith.addi %scan3A_108, %scan3A_153 : i32
        %broadcast_in_dim3A_155 = vector.broadcast %scan3A_154 : i32 to vector<16xi32>
        %gather3A_156 = tpu.vector_load_idx %arg13[%broadcast_in_dim3A_155] : memref<64xf32, #tpu.memory_space<vmem>>[vector<16xi32>], vector<16xf32>,
        %mul3A_157 = arith.constant 64 : i32
        %mul3A_158 = arith.muli %arg0, %mul3A_157 : i32
        %add3A_159 = arith.constant 0 : i32
        %add3A_160 = arith.addi %mul3A_158, %add3A_159 : i32
        %get3A_161 = arith.index_cast %scan3A_154 : i32 to index
        %get3A_162 = arith.index_cast %add3A_160 : i32 to index
        %get3A_163 = tpu.vector_load %arg14[%get3A_161, %get3A_162] {strides = array<i32>} : memref<64x128xf32, #tpu.memory_space<vmem>>, vector<16xf32>,
        %mul3A_164 = arith.mulf %get3A_163, %gather3A_156 : vector<16xf32>
        %swap3A_165 = arith.index_cast %scan3A_154 : i32 to index
        %swap3A_166 = arith.constant 0 : index
        %swap3A_167 = tpu.vector_load %arg15[%swap3A_165, %swap3A_166] {strides = array<i32>} : memref<64x64xf32, #tpu.memory_space<vmem>>, vector<16xf32>,
        tpu.vector_store %arg15[%swap3A_165, %swap3A_166], %mul3A_164 {strides = array<i32>} : memref<64x64xf32, #tpu.memory_space<vmem>>, vector<16xf32>,
        %mul3A_168 = arith.constant 64 : i32
        %mul3A_169 = arith.muli %arg0, %mul3A_168 : i32
        %add3A_170 = arith.constant 16 : i32
        %add3A_171 = arith.addi %mul3A_169, %add3A_170 : i32
        %get3A_172 = arith.index_cast %scan3A_154 : i32 to index
        %get3A_173 = arith.index_cast %add3A_171 : i32 to index
        %get3A_174 = tpu.vector_load %arg14[%get3A_172, %get3A_173] {strides = array<i32>} : memref<64x128xf32, #tpu.memory_space<vmem>>, vector<16xf32>,
        %mul3A_175 = arith.mulf %get3A_174, %gather3A_156 : vector<16xf32>
        %swap3A_176 = arith.index_cast %scan3A_154 : i32 to index
        %swap3A_177 = arith.constant 16 : index
        %swap3A_178 = tpu.vector_load %arg15[%swap3A_176, %swap3A_177] {strides = array<i32>} : memref<64x64xf32, #tpu.memory_space<vmem>>, vector<16xf32>,
        tpu.vector_store %arg15[%swap3A_176, %swap3A_177], %mul3A_175 {strides = array<i32>} : memref<64x64xf32, #tpu.memory_space<vmem>>, vector<16xf32>,
        %mul3A_179 = arith.constant 64 : i32
        %mul3A_180 = arith.muli %arg0, %mul3A_179 : i32
        %add3A_181 = arith.constant 32 : i32
        %add3A_182 = arith.addi %mul3A_180, %add3A_181 : i32
        %get3A_183 = arith.index_cast %scan3A_154 : i32 to index
        %get3A_184 = arith.index_cast %add3A_182 : i32 to index
        %get3A_185 = tpu.vector_load %arg14[%get3A_183, %get3A_184] {strides = array<i32>} : memref<64x128xf32, #tpu.memory_space<vmem>>, vector<16xf32>,
        %mul3A_186 = arith.mulf %get3A_185, %gather3A_156 : vector<16xf32>
        %swap3A_187 = arith.index_cast %scan3A_154 : i32 to index
        %swap3A_188 = arith.constant 32 : index
        %swap3A_189 = tpu.vector_load %arg15[%swap3A_187, %swap3A_188] {strides = array<i32>} : memref<64x64xf32, #tpu.memory_space<vmem>>, vector<16xf32>,
        tpu.vector_store %arg15[%swap3A_187, %swap3A_188], %mul3A_186 {strides = array<i32>} : memref<64x64xf32, #tpu.memory_space<vmem>>, vector<16xf32>,
        %mul3A_190 = arith.constant 64 : i32
        %mul3A_191 = arith.muli %arg0, %mul3A_190 : i32
        %add3A_192 = arith.constant 48 : i32
        %add3A_193 = arith.addi %mul3A_191, %add3A_192 : i32
        %get3A_194 = arith.index_cast %scan3A_154 : i32 to index
        %get3A_195 = arith.index_cast %add3A_193 : i32 to index
        %get3A_196 = tpu.vector_load %arg14[%get3A_194, %get3A_195] {strides = array<i32>} : memref<64x128xf32, #tpu.memory_space<vmem>>, vector<16xf32>,
        %mul3A_197 = arith.mulf %get3A_196, %gather3A_156 : vector<16xf32>
        %swap3A_198 = arith.index_cast %scan3A_154 : i32 to index
        %swap3A_199 = arith.constant 48 : index
        %swap3A_200 = tpu.vector_load %arg15[%swap3A_198, %swap3A_199] {strides = array<i32>} : memref<64x64xf32, #tpu.memory_space<vmem>>, vector<16xf32>,
        tpu.vector_store %arg15[%swap3A_198, %swap3A_199], %mul3A_197 {strides = array<i32>} : memref<64x64xf32, #tpu.memory_space<vmem>>, vector<16xf32>,
        %scan3A_201 = arith.constant 0 : i32
        %scan3A_202 = arith.constant 2 : i32
        %scan3A_203 = arith.addi %scan3A_108, %scan3A_202 : i32
        %broadcast_in_dim3A_204 = vector.broadcast %scan3A_203 : i32 to vector<16xi32>
        %gather3A_205 = tpu.vector_load_idx %arg13[%broadcast_in_dim3A_204] : memref<64xf32, #tpu.memory_space<vmem>>[vector<16xi32>], vector<16xf32>,
        %mul3A_206 = arith.constant 64 : i32
        %mul3A_207 = arith.muli %arg0, %mul3A_206 : i32
        %add3A_208 = arith.constant 0 : i32
        %add3A_209 = arith.addi %mul3A_207, %add3A_208 : i32
        %get3A_210 = arith.index_cast %scan3A_203 : i32 to index
        %get3A_211 = arith.index_cast %add3A_209 : i32 to index
        %get3A_212 = tpu.vector_load %arg14[%get3A_210, %get3A_211] {strides = array<i32>} : memref<64x128xf32, #tpu.memory_space<vmem>>, vector<16xf32>,
        %mul3A_213 = arith.mulf %get3A_212, %gather3A_205 : vector<16xf32>
        %swap3A_214 = arith.index_cast %scan3A_203 : i32 to index
        %swap3A_215 = arith.constant 0 : index
        %swap3A_216 = tpu.vector_load %arg15[%swap3A_214, %swap3A_215] {strides = array<i32>} : memref<64x64xf32, #tpu.memory_space<vmem>>, vector<16xf32>,
        tpu.vector_store %arg15[%swap3A_214, %swap3A_215], %mul3A_213 {strides = array<i32>} : memref<64x64xf32, #tpu.memory_space<vmem>>, vector<16xf32>,
        %mul3A_217 = arith.constant 64 : i32
        %mul3A_218 = arith.muli %arg0, %mul3A_217 : i32
        %add3A_219 = arith.constant 16 : i32
        %add3A_220 = arith.addi %mul3A_218, %add3A_219 : i32
        %get3A_221 = arith.index_cast %scan3A_203 : i32 to index
        %get3A_222 = arith.index_cast %add3A_220 : i32 to index
        %get3A_223 = tpu.vector_load %arg14[%get3A_221, %get3A_222] {strides = array<i32>} : memref<64x128xf32, #tpu.memory_space<vmem>>, vector<16xf32>,
        %mul3A_224 = arith.mulf %get3A_223, %gather3A_205 : vector<16xf32>
        %swap3A_225 = arith.index_cast %scan3A_203 : i32 to index
        %swap3A_226 = arith.constant 16 : index
        %swap3A_227 = tpu.vector_load %arg15[%swap3A_225, %swap3A_226] {strides = array<i32>} : memref<64x64xf32, #tpu.memory_space<vmem>>, vector<16xf32>,
        tpu.vector_store %arg15[%swap3A_225, %swap3A_226], %mul3A_224 {strides = array<i32>} : memref<64x64xf32, #tpu.memory_space<vmem>>, vector<16xf32>,
        %mul3A_228 = arith.constant 64 : i32
        %mul3A_229 = arith.muli %arg0, %mul3A_228 : i32
        %add3A_230 = arith.constant 32 : i32
        %add3A_231 = arith.addi %mul3A_229, %add3A_230 : i32
        %get3A_232 = arith.index_cast %scan3A_203 : i32 to index
        %get3A_233 = arith.index_cast %add3A_231 : i32 to index
        %get3A_234 = tpu.vector_load %arg14[%get3A_232, %get3A_233] {strides = array<i32>} : memref<64x128xf32, #tpu.memory_space<vmem>>, vector<16xf32>,
        %mul3A_235 = arith.mulf %get3A_234, %gather3A_205 : vector<16xf32>
        %swap3A_236 = arith.index_cast %scan3A_203 : i32 to index
        %swap3A_237 = arith.constant 32 : index
        %swap3A_238 = tpu.vector_load %arg15[%swap3A_236, %swap3A_237] {strides = array<i32>} : memref<64x64xf32, #tpu.memory_space<vmem>>, vector<16xf32>,
        tpu.vector_store %arg15[%swap3A_236, %swap3A_237], %mul3A_235 {strides = array<i32>} : memref<64x64xf32, #tpu.memory_space<vmem>>, vector<16xf32>,
        %mul3A_239 = arith.constant 64 : i32
        %mul3A_240 = arith.muli %arg0, %mul3A_239 : i32
        %add3A_241 = arith.constant 48 : i32
        %add3A_242 = arith.addi %mul3A_240, %add3A_241 : i32
        %get3A_243 = arith.index_cast %scan3A_203 : i32 to index
        %get3A_244 = arith.index_cast %add3A_242 : i32 to index
        %get3A_245 = tpu.vector_load %arg14[%get3A_243, %get3A_244] {strides = array<i32>} : memref<64x128xf32, #tpu.memory_space<vmem>>, vector<16xf32>,
        %mul3A_246 = arith.mulf %get3A_245, %gather3A_205 : vector<16xf32>
        %swap3A_247 = arith.index_cast %scan3A_203 : i32 to index
        %swap3A_248 = arith.constant 48 : index
        %swap3A_249 = tpu.vector_load %arg15[%swap3A_247, %swap3A_248] {strides = array<i32>} : memref<64x64xf32, #tpu.memory_space<vmem>>, vector<16xf32>,
        tpu.vector_store %arg15[%swap3A_247, %swap3A_248], %mul3A_246 {strides = array<i32>} : memref<64x64xf32, #tpu.memory_space<vmem>>, vector<16xf32>,
        %scan3A_250 = arith.constant 0 : i32
        %scan3A_251 = arith.constant 3 : i32
        %scan3A_252 = arith.addi %scan3A_108, %scan3A_251 : i32
        %broadcast_in_dim3A_253 = vector.broadcast %scan3A_252 : i32 to vector<16xi32>
        %gather3A_254 = tpu.vector_load_idx %arg13[%broadcast_in_dim3A_253] : memref<64xf32, #tpu.memory_space<vmem>>[vector<16xi32>], vector<16xf32>,
        %mul3A_255 = arith.constant 64 : i32
        %mul3A_256 = arith.muli %arg0, %mul3A_255 : i32
        %add3A_257 = arith.constant 0 : i32
        %add3A_258 = arith.addi %mul3A_256, %add3A_257 : i32
        %get3A_259 = arith.index_cast %scan3A_252 : i32 to index
        %get3A_260 = arith.index_cast %add3A_258 : i32 to index
        %get3A_261 = tpu.vector_load %arg14[%get3A_259, %get3A_260] {strides = array<i32>} : memref<64x128xf32, #tpu.memory_space<vmem>>, vector<16xf32>,
        %mul3A_262 = arith.mulf %get3A_261, %gather3A_254 : vector<16xf32>
        %swap3A_263 = arith.index_cast %scan3A_252 : i32 to index
        %swap3A_264 = arith.constant 0 : index
        %swap3A_265 = tpu.vector_load %arg15[%swap3A_263, %swap3A_264] {strides = array<i32>} : memref<64x64xf32, #tpu.memory_space<vmem>>, vector<16xf32>,
        tpu.vector_store %arg15[%swap3A_263, %swap3A_264], %mul3A_262 {strides = array<i32>} : memref<64x64xf32, #tpu.memory_space<vmem>>, vector<16xf32>,
        %mul3A_266 = arith.constant 64 : i32
        %mul3A_267 = arith.muli %arg0, %mul3A_266 : i32
        %add3A_268 = arith.constant 16 : i32
        %add3A_269 = arith.addi %mul3A_267, %add3A_268 : i32
        %get3A_270 = arith.index_cast %scan3A_252 : i32 to index
        %get3A_271 = arith.index_cast %add3A_269 : i32 to index
        %get3A_272 = tpu.vector_load %arg14[%get3A_270, %get3A_271] {strides = array<i32>} : memref<64x128xf32, #tpu.memory_space<vmem>>, vector<16xf32>,
        %mul3A_273 = arith.mulf %get3A_272, %gather3A_254 : vector<16xf32>
        %swap3A_274 = arith.index_cast %scan3A_252 : i32 to index
        %swap3A_275 = arith.constant 16 : index
        %swap3A_276 = tpu.vector_load %arg15[%swap3A_274, %swap3A_275] {strides = array<i32>} : memref<64x64xf32, #tpu.memory_space<vmem>>, vector<16xf32>,
        tpu.vector_store %arg15[%swap3A_274, %swap3A_275], %mul3A_273 {strides = array<i32>} : memref<64x64xf32, #tpu.memory_space<vmem>>, vector<16xf32>,
        %mul3A_277 = arith.constant 64 : i32
        %mul3A_278 = arith.muli %arg0, %mul3A_277 : i32
        %add3A_279 = arith.constant 32 : i32
        %add3A_280 = arith.addi %mul3A_278, %add3A_279 : i32
        %get3A_281 = arith.index_cast %scan3A_252 : i32 to index
        %get3A_282 = arith.index_cast %add3A_280 : i32 to index
        %get3A_283 = tpu.vector_load %arg14[%get3A_281, %get3A_282] {strides = array<i32>} : memref<64x128xf32, #tpu.memory_space<vmem>>, vector<16xf32>,
        %mul3A_284 = arith.mulf %get3A_283, %gather3A_254 : vector<16xf32>
        %swap3A_285 = arith.index_cast %scan3A_252 : i32 to index
        %swap3A_286 = arith.constant 32 : index
        %swap3A_287 = tpu.vector_load %arg15[%swap3A_285, %swap3A_286] {strides = array<i32>} : memref<64x64xf32, #tpu.memory_space<vmem>>, vector<16xf32>,
        tpu.vector_store %arg15[%swap3A_285, %swap3A_286], %mul3A_284 {strides = array<i32>} : memref<64x64xf32, #tpu.memory_space<vmem>>, vector<16xf32>,
        %mul3A_288 = arith.constant 64 : i32
        %mul3A_289 = arith.muli %arg0, %mul3A_288 : i32
        %add3A_290 = arith.constant 48 : i32
        %add3A_291 = arith.addi %mul3A_289, %add3A_290 : i32
        %get3A_292 = arith.index_cast %scan3A_252 : i32 to index
        %get3A_293 = arith.index_cast %add3A_291 : i32 to index
        %get3A_294 = tpu.vector_load %arg14[%get3A_292, %get3A_293] {strides = array<i32>} : memref<64x128xf32, #tpu.memory_space<vmem>>, vector<16xf32>,
        %mul3A_295 = arith.mulf %get3A_294, %gather3A_254 : vector<16xf32>
        %swap3A_296 = arith.index_cast %scan3A_252 : i32 to index
        %swap3A_297 = arith.constant 48 : index
        %swap3A_298 = tpu.vector_load %arg15[%swap3A_296, %swap3A_297] {strides = array<i32>} : memref<64x64xf32, #tpu.memory_space<vmem>>, vector<16xf32>,
        tpu.vector_store %arg15[%swap3A_296, %swap3A_297], %mul3A_295 {strides = array<i32>} : memref<64x64xf32, #tpu.memory_space<vmem>>, vector<16xf32>,
        %scan3A_299 = arith.constant 0 : i32
        scf.yield %scan3A_299 : i32
      }
      %scan3A_106 = arith.constant 64 : i32
      "tpu.region"() ({
        %run_scoped3A = tpu.sem_alloc : memref<!tpu.dma_semaphore, #tpu.memory_space<semaphore_mem>>
        %dma_start3A_108 = arith.constant 0 : i32
        %dma_start3A_109 = arith.constant 0 : i32
        %dma_start3A_110 = tpu.memref_slice %arg29[%dma_start3A_108, %dma_start3A_109] : memref<10008x64xf32, #tpu.memory_space<vmem_shared>> -> memref<10008x64xf32, #tpu.memory_space<vmem_shared>>
        tpu.enqueue_indirect_dma source(%arg15 : memref<64x64xf32, #tpu.memory_space<vmem>>) target(%dma_start3A_110 : memref<10008x64xf32, #tpu.memory_space<vmem_shared>>) offsets(%arg12 : memref<64xi32, #tpu.memory_space<vmem>>) semaphore(%run_scoped3A : memref<!tpu.dma_semaphore, #tpu.memory_space<semaphore_mem>>) {add = true}
        %dma_wait3A_111 = arith.constant 0 : i32
        %dma_wait3A_112 = arith.constant 0 : i32
        %dma_wait3A_113 = tpu.memref_slice %arg29[%dma_wait3A_111, %dma_wait3A_112] : memref<10008x64xf32, #tpu.memory_space<vmem_shared>> -> memref<10008x64xf32, #tpu.memory_space<vmem_shared>>
        tpu.wait_indirect_dma semaphore(%run_scoped3A : memref<!tpu.dma_semaphore, #tpu.memory_space<semaphore_mem>>) src(%arg15 : memref<64x64xf32, #tpu.memory_space<vmem>>) dst(%dma_wait3A_113 : memref<10008x64xf32, #tpu.memory_space<vmem_shared>>)
        tpu.yield
      }) : () -> ()
      %scan3A_107 = arith.constant 0 : i32
      scf.yield %scan3A_107 : i32
    }
    %scan3A_51 = arith.constant 320 : i32
    %barrier3A_52 = arith.constant 0 : index
    tpu.barrier barrier_id(%barrier3A_52)
    %lt3A_53 = arith.constant 15 : i32
    %lt3A_54 = arith.cmpi slt, %arg1, %lt3A_53 : i32
    %convert_element_type3A_55 = arith.extui %lt3A_54 : i1 to i32
    %cond3A_56 = arith.constant 0 : i32
    %cond3A_57 = arith.cmpi ne, %convert_element_type3A_55, %cond3A_56 : i32
    scf.if %cond3A_57 {
      %mul3A = arith.constant 624 : i32
      %mul3A_78 = arith.muli %arg1, %mul3A : i32
      %add3A = arith.constant 0 : i32
      %add3A_79 = arith.addi %mul3A_78, %add3A : i32
      "tpu.region"() ({
        %run_scoped3A = tpu.sem_alloc : memref<!tpu.dma_semaphore, #tpu.memory_space<semaphore_mem>>
        %dma_start3A = arith.constant 0 : i32
        %dma_start3A_116 = tpu.memref_slice %arg29[%add3A_79, %dma_start3A] : memref<10008x64xf32, #tpu.memory_space<vmem_shared>> -> memref<64x64xf32, #tpu.memory_space<vmem_shared>>
        %dma_start3A_117 = arith.constant 0 : i32
        %dma_start3A_118 = tpu.memref_slice %arg29[%add3A_79, %dma_start3A_117] : memref<10008x64xf32, #tpu.memory_space<vmem_shared>> -> memref<64x64xf32, #tpu.memory_space<vmem_shared>>
        tpu.enqueue_dma source(%dma_start3A_118 : memref<64x64xf32, #tpu.memory_space<vmem_shared>>) target(%arg15 : memref<64x64xf32, #tpu.memory_space<vmem>>) target_semaphore(%run_scoped3A : memref<!tpu.dma_semaphore, #tpu.memory_space<semaphore_mem>>)
        %dma_wait3A = arith.constant 0 : i32
        %dma_wait3A_119 = tpu.memref_slice %arg29[%add3A_79, %dma_wait3A] : memref<10008x64xf32, #tpu.memory_space<vmem_shared>> -> memref<64x64xf32, #tpu.memory_space<vmem_shared>>
        %dma_wait3A_120 = arith.constant 0 : i32
        %dma_wait3A_121 = tpu.memref_slice %arg29[%add3A_79, %dma_wait3A_120] : memref<10008x64xf32, #tpu.memory_space<vmem_shared>> -> memref<64x64xf32, #tpu.memory_space<vmem_shared>>
        tpu.wait_dma2 semaphore(%run_scoped3A : memref<!tpu.dma_semaphore, #tpu.memory_space<semaphore_mem>>) src(%dma_wait3A_121 : memref<64x64xf32, #tpu.memory_space<vmem_shared>>) dst(%arg15 : memref<64x64xf32, #tpu.memory_space<vmem>>)
        tpu.yield
      }) : () -> ()
      "tpu.region"() ({
        %run_scoped3A = tpu.sem_alloc : memref<!tpu.dma_semaphore, #tpu.memory_space<semaphore_mem>>
        %dma_start3A = arith.constant 0 : i32
        %dma_start3A_116 = tpu.memref_slice %arg4[%arg0, %add3A_79, %dma_start3A] : memref<2x10000x64xf32, #tpu.memory_space<hbm>> -> memref<1x64x64xf32, #tpu.memory_space<hbm>>
        %dma_start3A_117 = tpu.memref_squeeze %dma_start3A_116 : memref<1x64x64xf32, #tpu.memory_space<hbm>> -> memref<64x64xf32, #tpu.memory_space<hbm>>
        %dma_start3A_118 = arith.constant 0 : i32
        %dma_start3A_119 = tpu.memref_slice %arg4[%arg0, %add3A_79, %dma_start3A_118] : memref<2x10000x64xf32, #tpu.memory_space<hbm>> -> memref<1x64x64xf32, #tpu.memory_space<hbm>>
        %dma_start3A_120 = tpu.memref_squeeze %dma_start3A_119 : memref<1x64x64xf32, #tpu.memory_space<hbm>> -> memref<64x64xf32, #tpu.memory_space<hbm>>
        tpu.enqueue_dma source(%arg15 : memref<64x64xf32, #tpu.memory_space<vmem>>) target(%dma_start3A_120 : memref<64x64xf32, #tpu.memory_space<hbm>>) target_semaphore(%run_scoped3A : memref<!tpu.dma_semaphore, #tpu.memory_space<semaphore_mem>>)
        %dma_wait3A = arith.constant 0 : i32
        %dma_wait3A_121 = tpu.memref_slice %arg4[%arg0, %add3A_79, %dma_wait3A] : memref<2x10000x64xf32, #tpu.memory_space<hbm>> -> memref<1x64x64xf32, #tpu.memory_space<hbm>>
        %dma_wait3A_122 = tpu.memref_squeeze %dma_wait3A_121 : memref<1x64x64xf32, #tpu.memory_space<hbm>> -> memref<64x64xf32, #tpu.memory_space<hbm>>
        %dma_wait3A_123 = arith.constant 0 : i32
        %dma_wait3A_124 = tpu.memref_slice %arg4[%arg0, %add3A_79, %dma_wait3A_123] : memref<2x10000x64xf32, #tpu.memory_space<hbm>> -> memref<1x64x64xf32, #tpu.memory_space<hbm>>
        %dma_wait3A_125 = tpu.memref_squeeze %dma_wait3A_124 : memref<1x64x64xf32, #tpu.memory_space<hbm>> -> memref<64x64xf32, #tpu.memory_space<hbm>>
        tpu.wait_dma2 semaphore(%run_scoped3A : memref<!tpu.dma_semaphore, #tpu.memory_space<semaphore_mem>>) src(%arg15 : memref<64x64xf32, #tpu.memory_space<vmem>>) dst(%dma_wait3A_125 : memref<64x64xf32, #tpu.memory_space<hbm>>)
        tpu.yield
      }) : () -> ()
      %mul3A_80 = arith.constant 624 : i32
      %mul3A_81 = arith.muli %arg1, %mul3A_80 : i32
      %add3A_82 = arith.constant 64 : i32
      %add3A_83 = arith.addi %mul3A_81, %add3A_82 : i32
      "tpu.region"() ({
        %run_scoped3A = tpu.sem_alloc : memref<!tpu.dma_semaphore, #tpu.memory_space<semaphore_mem>>
        %dma_start3A = arith.constant 0 : i32
        %dma_start3A_116 = tpu.memref_slice %arg29[%add3A_83, %dma_start3A] : memref<10008x64xf32, #tpu.memory_space<vmem_shared>> -> memref<64x64xf32, #tpu.memory_space<vmem_shared>>
        %dma_start3A_117 = arith.constant 0 : i32
        %dma_start3A_118 = tpu.memref_slice %arg29[%add3A_83, %dma_start3A_117] : memref<10008x64xf32, #tpu.memory_space<vmem_shared>> -> memref<64x64xf32, #tpu.memory_space<vmem_shared>>
        tpu.enqueue_dma source(%dma_start3A_118 : memref<64x64xf32, #tpu.memory_space<vmem_shared>>) target(%arg15 : memref<64x64xf32, #tpu.memory_space<vmem>>) target_semaphore(%run_scoped3A : memref<!tpu.dma_semaphore, #tpu.memory_space<semaphore_mem>>)
        %dma_wait3A = arith.constant 0 : i32
        %dma_wait3A_119 = tpu.memref_slice %arg29[%add3A_83, %dma_wait3A] : memref<10008x64xf32, #tpu.memory_space<vmem_shared>> -> memref<64x64xf32, #tpu.memory_space<vmem_shared>>
        %dma_wait3A_120 = arith.constant 0 : i32
        %dma_wait3A_121 = tpu.memref_slice %arg29[%add3A_83, %dma_wait3A_120] : memref<10008x64xf32, #tpu.memory_space<vmem_shared>> -> memref<64x64xf32, #tpu.memory_space<vmem_shared>>
        tpu.wait_dma2 semaphore(%run_scoped3A : memref<!tpu.dma_semaphore, #tpu.memory_space<semaphore_mem>>) src(%dma_wait3A_121 : memref<64x64xf32, #tpu.memory_space<vmem_shared>>) dst(%arg15 : memref<64x64xf32, #tpu.memory_space<vmem>>)
        tpu.yield
      }) : () -> ()
      "tpu.region"() ({
        %run_scoped3A = tpu.sem_alloc : memref<!tpu.dma_semaphore, #tpu.memory_space<semaphore_mem>>
        %dma_start3A = arith.constant 0 : i32
        %dma_start3A_116 = tpu.memref_slice %arg4[%arg0, %add3A_83, %dma_start3A] : memref<2x10000x64xf32, #tpu.memory_space<hbm>> -> memref<1x64x64xf32, #tpu.memory_space<hbm>>
        %dma_start3A_117 = tpu.memref_squeeze %dma_start3A_116 : memref<1x64x64xf32, #tpu.memory_space<hbm>> -> memref<64x64xf32, #tpu.memory_space<hbm>>
        %dma_start3A_118 = arith.constant 0 : i32
        %dma_start3A_119 = tpu.memref_slice %arg4[%arg0, %add3A_83, %dma_start3A_118] : memref<2x10000x64xf32, #tpu.memory_space<hbm>> -> memref<1x64x64xf32, #tpu.memory_space<hbm>>
        %dma_start3A_120 = tpu.memref_squeeze %dma_start3A_119 : memref<1x64x64xf32, #tpu.memory_space<hbm>> -> memref<64x64xf32, #tpu.memory_space<hbm>>
        tpu.enqueue_dma source(%arg15 : memref<64x64xf32, #tpu.memory_space<vmem>>) target(%dma_start3A_120 : memref<64x64xf32, #tpu.memory_space<hbm>>) target_semaphore(%run_scoped3A : memref<!tpu.dma_semaphore, #tpu.memory_space<semaphore_mem>>)
        %dma_wait3A = arith.constant 0 : i32
        %dma_wait3A_121 = tpu.memref_slice %arg4[%arg0, %add3A_83, %dma_wait3A] : memref<2x10000x64xf32, #tpu.memory_space<hbm>> -> memref<1x64x64xf32, #tpu.memory_space<hbm>>
        %dma_wait3A_122 = tpu.memref_squeeze %dma_wait3A_121 : memref<1x64x64xf32, #tpu.memory_space<hbm>> -> memref<64x64xf32, #tpu.memory_space<hbm>>
        %dma_wait3A_123 = arith.constant 0 : i32
        %dma_wait3A_124 = tpu.memref_slice %arg4[%arg0, %add3A_83, %dma_wait3A_123] : memref<2x10000x64xf32, #tpu.memory_space<hbm>> -> memref<1x64x64xf32, #tpu.memory_space<hbm>>
        %dma_wait3A_125 = tpu.memref_squeeze %dma_wait3A_124 : memref<1x64x64xf32, #tpu.memory_space<hbm>> -> memref<64x64xf32, #tpu.memory_space<hbm>>
        tpu.wait_dma2 semaphore(%run_scoped3A : memref<!tpu.dma_semaphore, #tpu.memory_space<semaphore_mem>>) src(%arg15 : memref<64x64xf32, #tpu.memory_space<vmem>>) dst(%dma_wait3A_125 : memref<64x64xf32, #tpu.memory_space<hbm>>)
        tpu.yield
      }) : () -> ()
      %mul3A_84 = arith.constant 624 : i32
      %mul3A_85 = arith.muli %arg1, %mul3A_84 : i32
      %add3A_86 = arith.constant 128 : i32
      %add3A_87 = arith.addi %mul3A_85, %add3A_86 : i32
      "tpu.region"() ({
        %run_scoped3A = tpu.sem_alloc : memref<!tpu.dma_semaphore, #tpu.memory_space<semaphore_mem>>
        %dma_start3A = arith.constant 0 : i32
        %dma_start3A_116 = tpu.memref_slice %arg29[%add3A_87, %dma_start3A] : memref<10008x64xf32, #tpu.memory_space<vmem_shared>> -> memref<64x64xf32, #tpu.memory_space<vmem_shared>>
        %dma_start3A_117 = arith.constant 0 : i32
        %dma_start3A_118 = tpu.memref_slice %arg29[%add3A_87, %dma_start3A_117] : memref<10008x64xf32, #tpu.memory_space<vmem_shared>> -> memref<64x64xf32, #tpu.memory_space<vmem_shared>>
        tpu.enqueue_dma source(%dma_start3A_118 : memref<64x64xf32, #tpu.memory_space<vmem_shared>>) target(%arg15 : memref<64x64xf32, #tpu.memory_space<vmem>>) target_semaphore(%run_scoped3A : memref<!tpu.dma_semaphore, #tpu.memory_space<semaphore_mem>>)
        %dma_wait3A = arith.constant 0 : i32
        %dma_wait3A_119 = tpu.memref_slice %arg29[%add3A_87, %dma_wait3A] : memref<10008x64xf32, #tpu.memory_space<vmem_shared>> -> memref<64x64xf32, #tpu.memory_space<vmem_shared>>
        %dma_wait3A_120 = arith.constant 0 : i32
        %dma_wait3A_121 = tpu.memref_slice %arg29[%add3A_87, %dma_wait3A_120] : memref<10008x64xf32, #tpu.memory_space<vmem_shared>> -> memref<64x64xf32, #tpu.memory_space<vmem_shared>>
        tpu.wait_dma2 semaphore(%run_scoped3A : memref<!tpu.dma_semaphore, #tpu.memory_space<semaphore_mem>>) src(%dma_wait3A_121 : memref<64x64xf32, #tpu.memory_space<vmem_shared>>) dst(%arg15 : memref<64x64xf32, #tpu.memory_space<vmem>>)
        tpu.yield
      }) : () -> ()
      "tpu.region"() ({
        %run_scoped3A = tpu.sem_alloc : memref<!tpu.dma_semaphore, #tpu.memory_space<semaphore_mem>>
        %dma_start3A = arith.constant 0 : i32
        %dma_start3A_116 = tpu.memref_slice %arg4[%arg0, %add3A_87, %dma_start3A] : memref<2x10000x64xf32, #tpu.memory_space<hbm>> -> memref<1x64x64xf32, #tpu.memory_space<hbm>>
        %dma_start3A_117 = tpu.memref_squeeze %dma_start3A_116 : memref<1x64x64xf32, #tpu.memory_space<hbm>> -> memref<64x64xf32, #tpu.memory_space<hbm>>
        %dma_start3A_118 = arith.constant 0 : i32
        %dma_start3A_119 = tpu.memref_slice %arg4[%arg0, %add3A_87, %dma_start3A_118] : memref<2x10000x64xf32, #tpu.memory_space<hbm>> -> memref<1x64x64xf32, #tpu.memory_space<hbm>>
        %dma_start3A_120 = tpu.memref_squeeze %dma_start3A_119 : memref<1x64x64xf32, #tpu.memory_space<hbm>> -> memref<64x64xf32, #tpu.memory_space<hbm>>
        tpu.enqueue_dma source(%arg15 : memref<64x64xf32, #tpu.memory_space<vmem>>) target(%dma_start3A_120 : memref<64x64xf32, #tpu.memory_space<hbm>>) target_semaphore(%run_scoped3A : memref<!tpu.dma_semaphore, #tpu.memory_space<semaphore_mem>>)
        %dma_wait3A = arith.constant 0 : i32
        %dma_wait3A_121 = tpu.memref_slice %arg4[%arg0, %add3A_87, %dma_wait3A] : memref<2x10000x64xf32, #tpu.memory_space<hbm>> -> memref<1x64x64xf32, #tpu.memory_space<hbm>>
        %dma_wait3A_122 = tpu.memref_squeeze %dma_wait3A_121 : memref<1x64x64xf32, #tpu.memory_space<hbm>> -> memref<64x64xf32, #tpu.memory_space<hbm>>
        %dma_wait3A_123 = arith.constant 0 : i32
        %dma_wait3A_124 = tpu.memref_slice %arg4[%arg0, %add3A_87, %dma_wait3A_123] : memref<2x10000x64xf32, #tpu.memory_space<hbm>> -> memref<1x64x64xf32, #tpu.memory_space<hbm>>
        %dma_wait3A_125 = tpu.memref_squeeze %dma_wait3A_124 : memref<1x64x64xf32, #tpu.memory_space<hbm>> -> memref<64x64xf32, #tpu.memory_space<hbm>>
        tpu.wait_dma2 semaphore(%run_scoped3A : memref<!tpu.dma_semaphore, #tpu.memory_space<semaphore_mem>>) src(%arg15 : memref<64x64xf32, #tpu.memory_space<vmem>>) dst(%dma_wait3A_125 : memref<64x64xf32, #tpu.memory_space<hbm>>)
        tpu.yield
      }) : () -> ()
      %mul3A_88 = arith.constant 624 : i32
      %mul3A_89 = arith.muli %arg1, %mul3A_88 : i32
      %add3A_90 = arith.constant 192 : i32
      %add3A_91 = arith.addi %mul3A_89, %add3A_90 : i32
      "tpu.region"() ({
        %run_scoped3A = tpu.sem_alloc : memref<!tpu.dma_semaphore, #tpu.memory_space<semaphore_mem>>
        %dma_start3A = arith.constant 0 : i32
        %dma_start3A_116 = tpu.memref_slice %arg29[%add3A_91, %dma_start3A] : memref<10008x64xf32, #tpu.memory_space<vmem_shared>> -> memref<64x64xf32, #tpu.memory_space<vmem_shared>>
        %dma_start3A_117 = arith.constant 0 : i32
        %dma_start3A_118 = tpu.memref_slice %arg29[%add3A_91, %dma_start3A_117] : memref<10008x64xf32, #tpu.memory_space<vmem_shared>> -> memref<64x64xf32, #tpu.memory_space<vmem_shared>>
        tpu.enqueue_dma source(%dma_start3A_118 : memref<64x64xf32, #tpu.memory_space<vmem_shared>>) target(%arg15 : memref<64x64xf32, #tpu.memory_space<vmem>>) target_semaphore(%run_scoped3A : memref<!tpu.dma_semaphore, #tpu.memory_space<semaphore_mem>>)
        %dma_wait3A = arith.constant 0 : i32
        %dma_wait3A_119 = tpu.memref_slice %arg29[%add3A_91, %dma_wait3A] : memref<10008x64xf32, #tpu.memory_space<vmem_shared>> -> memref<64x64xf32, #tpu.memory_space<vmem_shared>>
        %dma_wait3A_120 = arith.constant 0 : i32
        %dma_wait3A_121 = tpu.memref_slice %arg29[%add3A_91, %dma_wait3A_120] : memref<10008x64xf32, #tpu.memory_space<vmem_shared>> -> memref<64x64xf32, #tpu.memory_space<vmem_shared>>
        tpu.wait_dma2 semaphore(%run_scoped3A : memref<!tpu.dma_semaphore, #tpu.memory_space<semaphore_mem>>) src(%dma_wait3A_121 : memref<64x64xf32, #tpu.memory_space<vmem_shared>>) dst(%arg15 : memref<64x64xf32, #tpu.memory_space<vmem>>)
        tpu.yield
      }) : () -> ()
      "tpu.region"() ({
        %run_scoped3A = tpu.sem_alloc : memref<!tpu.dma_semaphore, #tpu.memory_space<semaphore_mem>>
        %dma_start3A = arith.constant 0 : i32
        %dma_start3A_116 = tpu.memref_slice %arg4[%arg0, %add3A_91, %dma_start3A] : memref<2x10000x64xf32, #tpu.memory_space<hbm>> -> memref<1x64x64xf32, #tpu.memory_space<hbm>>
        %dma_start3A_117 = tpu.memref_squeeze %dma_start3A_116 : memref<1x64x64xf32, #tpu.memory_space<hbm>> -> memref<64x64xf32, #tpu.memory_space<hbm>>
        %dma_start3A_118 = arith.constant 0 : i32
        %dma_start3A_119 = tpu.memref_slice %arg4[%arg0, %add3A_91, %dma_start3A_118] : memref<2x10000x64xf32, #tpu.memory_space<hbm>> -> memref<1x64x64xf32, #tpu.memory_space<hbm>>
        %dma_start3A_120 = tpu.memref_squeeze %dma_start3A_119 : memref<1x64x64xf32, #tpu.memory_space<hbm>> -> memref<64x64xf32, #tpu.memory_space<hbm>>
        tpu.enqueue_dma source(%arg15 : memref<64x64xf32, #tpu.memory_space<vmem>>) target(%dma_start3A_120 : memref<64x64xf32, #tpu.memory_space<hbm>>) target_semaphore(%run_scoped3A : memref<!tpu.dma_semaphore, #tpu.memory_space<semaphore_mem>>)
        %dma_wait3A = arith.constant 0 : i32
        %dma_wait3A_121 = tpu.memref_slice %arg4[%arg0, %add3A_91, %dma_wait3A] : memref<2x10000x64xf32, #tpu.memory_space<hbm>> -> memref<1x64x64xf32, #tpu.memory_space<hbm>>
        %dma_wait3A_122 = tpu.memref_squeeze %dma_wait3A_121 : memref<1x64x64xf32, #tpu.memory_space<hbm>> -> memref<64x64xf32, #tpu.memory_space<hbm>>
        %dma_wait3A_123 = arith.constant 0 : i32
        %dma_wait3A_124 = tpu.memref_slice %arg4[%arg0, %add3A_91, %dma_wait3A_123] : memref<2x10000x64xf32, #tpu.memory_space<hbm>> -> memref<1x64x64xf32, #tpu.memory_space<hbm>>
        %dma_wait3A_125 = tpu.memref_squeeze %dma_wait3A_124 : memref<1x64x64xf32, #tpu.memory_space<hbm>> -> memref<64x64xf32, #tpu.memory_space<hbm>>
        tpu.wait_dma2 semaphore(%run_scoped3A : memref<!tpu.dma_semaphore, #tpu.memory_space<semaphore_mem>>) src(%arg15 : memref<64x64xf32, #tpu.memory_space<vmem>>) dst(%dma_wait3A_125 : memref<64x64xf32, #tpu.memory_space<hbm>>)
        tpu.yield
      }) : () -> ()
      %mul3A_92 = arith.constant 624 : i32
      %mul3A_93 = arith.muli %arg1, %mul3A_92 : i32
      %add3A_94 = arith.constant 256 : i32
      %add3A_95 = arith.addi %mul3A_93, %add3A_94 : i32
      "tpu.region"() ({
        %run_scoped3A = tpu.sem_alloc : memref<!tpu.dma_semaphore, #tpu.memory_space<semaphore_mem>>
        %dma_start3A = arith.constant 0 : i32
        %dma_start3A_116 = tpu.memref_slice %arg29[%add3A_95, %dma_start3A] : memref<10008x64xf32, #tpu.memory_space<vmem_shared>> -> memref<64x64xf32, #tpu.memory_space<vmem_shared>>
        %dma_start3A_117 = arith.constant 0 : i32
        %dma_start3A_118 = tpu.memref_slice %arg29[%add3A_95, %dma_start3A_117] : memref<10008x64xf32, #tpu.memory_space<vmem_shared>> -> memref<64x64xf32, #tpu.memory_space<vmem_shared>>
        tpu.enqueue_dma source(%dma_start3A_118 : memref<64x64xf32, #tpu.memory_space<vmem_shared>>) target(%arg15 : memref<64x64xf32, #tpu.memory_space<vmem>>) target_semaphore(%run_scoped3A : memref<!tpu.dma_semaphore, #tpu.memory_space<semaphore_mem>>)
        %dma_wait3A = arith.constant 0 : i32
        %dma_wait3A_119 = tpu.memref_slice %arg29[%add3A_95, %dma_wait3A] : memref<10008x64xf32, #tpu.memory_space<vmem_shared>> -> memref<64x64xf32, #tpu.memory_space<vmem_shared>>
        %dma_wait3A_120 = arith.constant 0 : i32
        %dma_wait3A_121 = tpu.memref_slice %arg29[%add3A_95, %dma_wait3A_120] : memref<10008x64xf32, #tpu.memory_space<vmem_shared>> -> memref<64x64xf32, #tpu.memory_space<vmem_shared>>
        tpu.wait_dma2 semaphore(%run_scoped3A : memref<!tpu.dma_semaphore, #tpu.memory_space<semaphore_mem>>) src(%dma_wait3A_121 : memref<64x64xf32, #tpu.memory_space<vmem_shared>>) dst(%arg15 : memref<64x64xf32, #tpu.memory_space<vmem>>)
        tpu.yield
      }) : () -> ()
      "tpu.region"() ({
        %run_scoped3A = tpu.sem_alloc : memref<!tpu.dma_semaphore, #tpu.memory_space<semaphore_mem>>
        %dma_start3A = arith.constant 0 : i32
        %dma_start3A_116 = tpu.memref_slice %arg4[%arg0, %add3A_95, %dma_start3A] : memref<2x10000x64xf32, #tpu.memory_space<hbm>> -> memref<1x64x64xf32, #tpu.memory_space<hbm>>
        %dma_start3A_117 = tpu.memref_squeeze %dma_start3A_116 : memref<1x64x64xf32, #tpu.memory_space<hbm>> -> memref<64x64xf32, #tpu.memory_space<hbm>>
        %dma_start3A_118 = arith.constant 0 : i32
        %dma_start3A_119 = tpu.memref_slice %arg4[%arg0, %add3A_95, %dma_start3A_118] : memref<2x10000x64xf32, #tpu.memory_space<hbm>> -> memref<1x64x64xf32, #tpu.memory_space<hbm>>
        %dma_start3A_120 = tpu.memref_squeeze %dma_start3A_119 : memref<1x64x64xf32, #tpu.memory_space<hbm>> -> memref<64x64xf32, #tpu.memory_space<hbm>>
        tpu.enqueue_dma source(%arg15 : memref<64x64xf32, #tpu.memory_space<vmem>>) target(%dma_start3A_120 : memref<64x64xf32, #tpu.memory_space<hbm>>) target_semaphore(%run_scoped3A : memref<!tpu.dma_semaphore, #tpu.memory_space<semaphore_mem>>)
        %dma_wait3A = arith.constant 0 : i32
        %dma_wait3A_121 = tpu.memref_slice %arg4[%arg0, %add3A_95, %dma_wait3A] : memref<2x10000x64xf32, #tpu.memory_space<hbm>> -> memref<1x64x64xf32, #tpu.memory_space<hbm>>
        %dma_wait3A_122 = tpu.memref_squeeze %dma_wait3A_121 : memref<1x64x64xf32, #tpu.memory_space<hbm>> -> memref<64x64xf32, #tpu.memory_space<hbm>>
        %dma_wait3A_123 = arith.constant 0 : i32
        %dma_wait3A_124 = tpu.memref_slice %arg4[%arg0, %add3A_95, %dma_wait3A_123] : memref<2x10000x64xf32, #tpu.memory_space<hbm>> -> memref<1x64x64xf32, #tpu.memory_space<hbm>>
        %dma_wait3A_125 = tpu.memref_squeeze %dma_wait3A_124 : memref<1x64x64xf32, #tpu.memory_space<hbm>> -> memref<64x64xf32, #tpu.memory_space<hbm>>
        tpu.wait_dma2 semaphore(%run_scoped3A : memref<!tpu.dma_semaphore, #tpu.memory_space<semaphore_mem>>) src(%arg15 : memref<64x64xf32, #tpu.memory_space<vmem>>) dst(%dma_wait3A_125 : memref<64x64xf32, #tpu.memory_space<hbm>>)
        tpu.yield
      }) : () -> ()
      %mul3A_96 = arith.constant 624 : i32
      %mul3A_97 = arith.muli %arg1, %mul3A_96 : i32
      %add3A_98 = arith.constant 320 : i32
      %add3A_99 = arith.addi %mul3A_97, %add3A_98 : i32
      "tpu.region"() ({
        %run_scoped3A = tpu.sem_alloc : memref<!tpu.dma_semaphore, #tpu.memory_space<semaphore_mem>>
        %dma_start3A = arith.constant 0 : i32
        %dma_start3A_116 = tpu.memref_slice %arg29[%add3A_99, %dma_start3A] : memref<10008x64xf32, #tpu.memory_space<vmem_shared>> -> memref<64x64xf32, #tpu.memory_space<vmem_shared>>
        %dma_start3A_117 = arith.constant 0 : i32
        %dma_start3A_118 = tpu.memref_slice %arg29[%add3A_99, %dma_start3A_117] : memref<10008x64xf32, #tpu.memory_space<vmem_shared>> -> memref<64x64xf32, #tpu.memory_space<vmem_shared>>
        tpu.enqueue_dma source(%dma_start3A_118 : memref<64x64xf32, #tpu.memory_space<vmem_shared>>) target(%arg15 : memref<64x64xf32, #tpu.memory_space<vmem>>) target_semaphore(%run_scoped3A : memref<!tpu.dma_semaphore, #tpu.memory_space<semaphore_mem>>)
        %dma_wait3A = arith.constant 0 : i32
        %dma_wait3A_119 = tpu.memref_slice %arg29[%add3A_99, %dma_wait3A] : memref<10008x64xf32, #tpu.memory_space<vmem_shared>> -> memref<64x64xf32, #tpu.memory_space<vmem_shared>>
        %dma_wait3A_120 = arith.constant 0 : i32
        %dma_wait3A_121 = tpu.memref_slice %arg29[%add3A_99, %dma_wait3A_120] : memref<10008x64xf32, #tpu.memory_space<vmem_shared>> -> memref<64x64xf32, #tpu.memory_space<vmem_shared>>
        tpu.wait_dma2 semaphore(%run_scoped3A : memref<!tpu.dma_semaphore, #tpu.memory_space<semaphore_mem>>) src(%dma_wait3A_121 : memref<64x64xf32, #tpu.memory_space<vmem_shared>>) dst(%arg15 : memref<64x64xf32, #tpu.memory_space<vmem>>)
        tpu.yield
      }) : () -> ()
      "tpu.region"() ({
        %run_scoped3A = tpu.sem_alloc : memref<!tpu.dma_semaphore, #tpu.memory_space<semaphore_mem>>
        %dma_start3A = arith.constant 0 : i32
        %dma_start3A_116 = tpu.memref_slice %arg4[%arg0, %add3A_99, %dma_start3A] : memref<2x10000x64xf32, #tpu.memory_space<hbm>> -> memref<1x64x64xf32, #tpu.memory_space<hbm>>
        %dma_start3A_117 = tpu.memref_squeeze %dma_start3A_116 : memref<1x64x64xf32, #tpu.memory_space<hbm>> -> memref<64x64xf32, #tpu.memory_space<hbm>>
        %dma_start3A_118 = arith.constant 0 : i32
        %dma_start3A_119 = tpu.memref_slice %arg4[%arg0, %add3A_99, %dma_start3A_118] : memref<2x10000x64xf32, #tpu.memory_space<hbm>> -> memref<1x64x64xf32, #tpu.memory_space<hbm>>
        %dma_start3A_120 = tpu.memref_squeeze %dma_start3A_119 : memref<1x64x64xf32, #tpu.memory_space<hbm>> -> memref<64x64xf32, #tpu.memory_space<hbm>>
        tpu.enqueue_dma source(%arg15 : memref<64x64xf32, #tpu.memory_space<vmem>>) target(%dma_start3A_120 : memref<64x64xf32, #tpu.memory_space<hbm>>) target_semaphore(%run_scoped3A : memref<!tpu.dma_semaphore, #tpu.memory_space<semaphore_mem>>)
        %dma_wait3A = arith.constant 0 : i32
        %dma_wait3A_121 = tpu.memref_slice %arg4[%arg0, %add3A_99, %dma_wait3A] : memref<2x10000x64xf32, #tpu.memory_space<hbm>> -> memref<1x64x64xf32, #tpu.memory_space<hbm>>
        %dma_wait3A_122 = tpu.memref_squeeze %dma_wait3A_121 : memref<1x64x64xf32, #tpu.memory_space<hbm>> -> memref<64x64xf32, #tpu.memory_space<hbm>>
        %dma_wait3A_123 = arith.constant 0 : i32
        %dma_wait3A_124 = tpu.memref_slice %arg4[%arg0, %add3A_99, %dma_wait3A_123] : memref<2x10000x64xf32, #tpu.memory_space<hbm>> -> memref<1x64x64xf32, #tpu.memory_space<hbm>>
        %dma_wait3A_125 = tpu.memref_squeeze %dma_wait3A_124 : memref<1x64x64xf32, #tpu.memory_space<hbm>> -> memref<64x64xf32, #tpu.memory_space<hbm>>
        tpu.wait_dma2 semaphore(%run_scoped3A : memref<!tpu.dma_semaphore, #tpu.memory_space<semaphore_mem>>) src(%arg15 : memref<64x64xf32, #tpu.memory_space<vmem>>) dst(%dma_wait3A_125 : memref<64x64xf32, #tpu.memory_space<hbm>>)
        tpu.yield
      }) : () -> ()
      %mul3A_100 = arith.constant 624 : i32
      %mul3A_101 = arith.muli %arg1, %mul3A_100 : i32
      %add3A_102 = arith.constant 384 : i32
      %add3A_103 = arith.addi %mul3A_101, %add3A_102 : i32
      "tpu.region"() ({
        %run_scoped3A = tpu.sem_alloc : memref<!tpu.dma_semaphore, #tpu.memory_space<semaphore_mem>>
        %dma_start3A = arith.constant 0 : i32
        %dma_start3A_116 = tpu.memref_slice %arg29[%add3A_103, %dma_start3A] : memref<10008x64xf32, #tpu.memory_space<vmem_shared>> -> memref<64x64xf32, #tpu.memory_space<vmem_shared>>
        %dma_start3A_117 = arith.constant 0 : i32
        %dma_start3A_118 = tpu.memref_slice %arg29[%add3A_103, %dma_start3A_117] : memref<10008x64xf32, #tpu.memory_space<vmem_shared>> -> memref<64x64xf32, #tpu.memory_space<vmem_shared>>
        tpu.enqueue_dma source(%dma_start3A_118 : memref<64x64xf32, #tpu.memory_space<vmem_shared>>) target(%arg15 : memref<64x64xf32, #tpu.memory_space<vmem>>) target_semaphore(%run_scoped3A : memref<!tpu.dma_semaphore, #tpu.memory_space<semaphore_mem>>)
        %dma_wait3A = arith.constant 0 : i32
        %dma_wait3A_119 = tpu.memref_slice %arg29[%add3A_103, %dma_wait3A] : memref<10008x64xf32, #tpu.memory_space<vmem_shared>> -> memref<64x64xf32, #tpu.memory_space<vmem_shared>>
        %dma_wait3A_120 = arith.constant 0 : i32
        %dma_wait3A_121 = tpu.memref_slice %arg29[%add3A_103, %dma_wait3A_120] : memref<10008x64xf32, #tpu.memory_space<vmem_shared>> -> memref<64x64xf32, #tpu.memory_space<vmem_shared>>
        tpu.wait_dma2 semaphore(%run_scoped3A : memref<!tpu.dma_semaphore, #tpu.memory_space<semaphore_mem>>) src(%dma_wait3A_121 : memref<64x64xf32, #tpu.memory_space<vmem_shared>>) dst(%arg15 : memref<64x64xf32, #tpu.memory_space<vmem>>)
        tpu.yield
      }) : () -> ()
      "tpu.region"() ({
        %run_scoped3A = tpu.sem_alloc : memref<!tpu.dma_semaphore, #tpu.memory_space<semaphore_mem>>
        %dma_start3A = arith.constant 0 : i32
        %dma_start3A_116 = tpu.memref_slice %arg4[%arg0, %add3A_103, %dma_start3A] : memref<2x10000x64xf32, #tpu.memory_space<hbm>> -> memref<1x64x64xf32, #tpu.memory_space<hbm>>
        %dma_start3A_117 = tpu.memref_squeeze %dma_start3A_116 : memref<1x64x64xf32, #tpu.memory_space<hbm>> -> memref<64x64xf32, #tpu.memory_space<hbm>>
        %dma_start3A_118 = arith.constant 0 : i32
        %dma_start3A_119 = tpu.memref_slice %arg4[%arg0, %add3A_103, %dma_start3A_118] : memref<2x10000x64xf32, #tpu.memory_space<hbm>> -> memref<1x64x64xf32, #tpu.memory_space<hbm>>
        %dma_start3A_120 = tpu.memref_squeeze %dma_start3A_119 : memref<1x64x64xf32, #tpu.memory_space<hbm>> -> memref<64x64xf32, #tpu.memory_space<hbm>>
        tpu.enqueue_dma source(%arg15 : memref<64x64xf32, #tpu.memory_space<vmem>>) target(%dma_start3A_120 : memref<64x64xf32, #tpu.memory_space<hbm>>) target_semaphore(%run_scoped3A : memref<!tpu.dma_semaphore, #tpu.memory_space<semaphore_mem>>)
        %dma_wait3A = arith.constant 0 : i32
        %dma_wait3A_121 = tpu.memref_slice %arg4[%arg0, %add3A_103, %dma_wait3A] : memref<2x10000x64xf32, #tpu.memory_space<hbm>> -> memref<1x64x64xf32, #tpu.memory_space<hbm>>
        %dma_wait3A_122 = tpu.memref_squeeze %dma_wait3A_121 : memref<1x64x64xf32, #tpu.memory_space<hbm>> -> memref<64x64xf32, #tpu.memory_space<hbm>>
        %dma_wait3A_123 = arith.constant 0 : i32
        %dma_wait3A_124 = tpu.memref_slice %arg4[%arg0, %add3A_103, %dma_wait3A_123] : memref<2x10000x64xf32, #tpu.memory_space<hbm>> -> memref<1x64x64xf32, #tpu.memory_space<hbm>>
        %dma_wait3A_125 = tpu.memref_squeeze %dma_wait3A_124 : memref<1x64x64xf32, #tpu.memory_space<hbm>> -> memref<64x64xf32, #tpu.memory_space<hbm>>
        tpu.wait_dma2 semaphore(%run_scoped3A : memref<!tpu.dma_semaphore, #tpu.memory_space<semaphore_mem>>) src(%arg15 : memref<64x64xf32, #tpu.memory_space<vmem>>) dst(%dma_wait3A_125 : memref<64x64xf32, #tpu.memory_space<hbm>>)
        tpu.yield
      }) : () -> ()
      %mul3A_104 = arith.constant 624 : i32
      %mul3A_105 = arith.muli %arg1, %mul3A_104 : i32
      %add3A_106 = arith.constant 448 : i32
      %add3A_107 = arith.addi %mul3A_105, %add3A_106 : i32
      "tpu.region"() ({
        %run_scoped3A = tpu.sem_alloc : memref<!tpu.dma_semaphore, #tpu.memory_space<semaphore_mem>>
        %dma_start3A = arith.constant 0 : i32
        %dma_start3A_116 = tpu.memref_slice %arg29[%add3A_107, %dma_start3A] : memref<10008x64xf32, #tpu.memory_space<vmem_shared>> -> memref<64x64xf32, #tpu.memory_space<vmem_shared>>
        %dma_start3A_117 = arith.constant 0 : i32
        %dma_start3A_118 = tpu.memref_slice %arg29[%add3A_107, %dma_start3A_117] : memref<10008x64xf32, #tpu.memory_space<vmem_shared>> -> memref<64x64xf32, #tpu.memory_space<vmem_shared>>
        tpu.enqueue_dma source(%dma_start3A_118 : memref<64x64xf32, #tpu.memory_space<vmem_shared>>) target(%arg15 : memref<64x64xf32, #tpu.memory_space<vmem>>) target_semaphore(%run_scoped3A : memref<!tpu.dma_semaphore, #tpu.memory_space<semaphore_mem>>)
        %dma_wait3A = arith.constant 0 : i32
        %dma_wait3A_119 = tpu.memref_slice %arg29[%add3A_107, %dma_wait3A] : memref<10008x64xf32, #tpu.memory_space<vmem_shared>> -> memref<64x64xf32, #tpu.memory_space<vmem_shared>>
        %dma_wait3A_120 = arith.constant 0 : i32
        %dma_wait3A_121 = tpu.memref_slice %arg29[%add3A_107, %dma_wait3A_120] : memref<10008x64xf32, #tpu.memory_space<vmem_shared>> -> memref<64x64xf32, #tpu.memory_space<vmem_shared>>
        tpu.wait_dma2 semaphore(%run_scoped3A : memref<!tpu.dma_semaphore, #tpu.memory_space<semaphore_mem>>) src(%dma_wait3A_121 : memref<64x64xf32, #tpu.memory_space<vmem_shared>>) dst(%arg15 : memref<64x64xf32, #tpu.memory_space<vmem>>)
        tpu.yield
      }) : () -> ()
      "tpu.region"() ({
        %run_scoped3A = tpu.sem_alloc : memref<!tpu.dma_semaphore, #tpu.memory_space<semaphore_mem>>
        %dma_start3A = arith.constant 0 : i32
        %dma_start3A_116 = tpu.memref_slice %arg4[%arg0, %add3A_107, %dma_start3A] : memref<2x10000x64xf32, #tpu.memory_space<hbm>> -> memref<1x64x64xf32, #tpu.memory_space<hbm>>
        %dma_start3A_117 = tpu.memref_squeeze %dma_start3A_116 : memref<1x64x64xf32, #tpu.memory_space<hbm>> -> memref<64x64xf32, #tpu.memory_space<hbm>>
        %dma_start3A_118 = arith.constant 0 : i32
        %dma_start3A_119 = tpu.memref_slice %arg4[%arg0, %add3A_107, %dma_start3A_118] : memref<2x10000x64xf32, #tpu.memory_space<hbm>> -> memref<1x64x64xf32, #tpu.memory_space<hbm>>
        %dma_start3A_120 = tpu.memref_squeeze %dma_start3A_119 : memref<1x64x64xf32, #tpu.memory_space<hbm>> -> memref<64x64xf32, #tpu.memory_space<hbm>>
        tpu.enqueue_dma source(%arg15 : memref<64x64xf32, #tpu.memory_space<vmem>>) target(%dma_start3A_120 : memref<64x64xf32, #tpu.memory_space<hbm>>) target_semaphore(%run_scoped3A : memref<!tpu.dma_semaphore, #tpu.memory_space<semaphore_mem>>)
        %dma_wait3A = arith.constant 0 : i32
        %dma_wait3A_121 = tpu.memref_slice %arg4[%arg0, %add3A_107, %dma_wait3A] : memref<2x10000x64xf32, #tpu.memory_space<hbm>> -> memref<1x64x64xf32, #tpu.memory_space<hbm>>
        %dma_wait3A_122 = tpu.memref_squeeze %dma_wait3A_121 : memref<1x64x64xf32, #tpu.memory_space<hbm>> -> memref<64x64xf32, #tpu.memory_space<hbm>>
        %dma_wait3A_123 = arith.constant 0 : i32
        %dma_wait3A_124 = tpu.memref_slice %arg4[%arg0, %add3A_107, %dma_wait3A_123] : memref<2x10000x64xf32, #tpu.memory_space<hbm>> -> memref<1x64x64xf32, #tpu.memory_space<hbm>>
        %dma_wait3A_125 = tpu.memref_squeeze %dma_wait3A_124 : memref<1x64x64xf32, #tpu.memory_space<hbm>> -> memref<64x64xf32, #tpu.memory_space<hbm>>
        tpu.wait_dma2 semaphore(%run_scoped3A : memref<!tpu.dma_semaphore, #tpu.memory_space<semaphore_mem>>) src(%arg15 : memref<64x64xf32, #tpu.memory_space<vmem>>) dst(%dma_wait3A_125 : memref<64x64xf32, #tpu.memory_space<hbm>>)
        tpu.yield
      }) : () -> ()
      %mul3A_108 = arith.constant 624 : i32
      %mul3A_109 = arith.muli %arg1, %mul3A_108 : i32
      %add3A_110 = arith.constant 512 : i32
      %add3A_111 = arith.addi %mul3A_109, %add3A_110 : i32
      "tpu.region"() ({
        %run_scoped3A = tpu.sem_alloc : memref<!tpu.dma_semaphore, #tpu.memory_space<semaphore_mem>>
        %dma_start3A = arith.constant 0 : i32
        %dma_start3A_116 = tpu.memref_slice %arg29[%add3A_111, %dma_start3A] : memref<10008x64xf32, #tpu.memory_space<vmem_shared>> -> memref<64x64xf32, #tpu.memory_space<vmem_shared>>
        %dma_start3A_117 = arith.constant 0 : i32
        %dma_start3A_118 = tpu.memref_slice %arg29[%add3A_111, %dma_start3A_117] : memref<10008x64xf32, #tpu.memory_space<vmem_shared>> -> memref<64x64xf32, #tpu.memory_space<vmem_shared>>
        tpu.enqueue_dma source(%dma_start3A_118 : memref<64x64xf32, #tpu.memory_space<vmem_shared>>) target(%arg15 : memref<64x64xf32, #tpu.memory_space<vmem>>) target_semaphore(%run_scoped3A : memref<!tpu.dma_semaphore, #tpu.memory_space<semaphore_mem>>)
        %dma_wait3A = arith.constant 0 : i32
        %dma_wait3A_119 = tpu.memref_slice %arg29[%add3A_111, %dma_wait3A] : memref<10008x64xf32, #tpu.memory_space<vmem_shared>> -> memref<64x64xf32, #tpu.memory_space<vmem_shared>>
        %dma_wait3A_120 = arith.constant 0 : i32
        %dma_wait3A_121 = tpu.memref_slice %arg29[%add3A_111, %dma_wait3A_120] : memref<10008x64xf32, #tpu.memory_space<vmem_shared>> -> memref<64x64xf32, #tpu.memory_space<vmem_shared>>
        tpu.wait_dma2 semaphore(%run_scoped3A : memref<!tpu.dma_semaphore, #tpu.memory_space<semaphore_mem>>) src(%dma_wait3A_121 : memref<64x64xf32, #tpu.memory_space<vmem_shared>>) dst(%arg15 : memref<64x64xf32, #tpu.memory_space<vmem>>)
        tpu.yield
      }) : () -> ()
      "tpu.region"() ({
        %run_scoped3A = tpu.sem_alloc : memref<!tpu.dma_semaphore, #tpu.memory_space<semaphore_mem>>
        %dma_start3A = arith.constant 0 : i32
        %dma_start3A_116 = tpu.memref_slice %arg4[%arg0, %add3A_111, %dma_start3A] : memref<2x10000x64xf32, #tpu.memory_space<hbm>> -> memref<1x64x64xf32, #tpu.memory_space<hbm>>
        %dma_start3A_117 = tpu.memref_squeeze %dma_start3A_116 : memref<1x64x64xf32, #tpu.memory_space<hbm>> -> memref<64x64xf32, #tpu.memory_space<hbm>>
        %dma_start3A_118 = arith.constant 0 : i32
        %dma_start3A_119 = tpu.memref_slice %arg4[%arg0, %add3A_111, %dma_start3A_118] : memref<2x10000x64xf32, #tpu.memory_space<hbm>> -> memref<1x64x64xf32, #tpu.memory_space<hbm>>
        %dma_start3A_120 = tpu.memref_squeeze %dma_start3A_119 : memref<1x64x64xf32, #tpu.memory_space<hbm>> -> memref<64x64xf32, #tpu.memory_space<hbm>>
        tpu.enqueue_dma source(%arg15 : memref<64x64xf32, #tpu.memory_space<vmem>>) target(%dma_start3A_120 : memref<64x64xf32, #tpu.memory_space<hbm>>) target_semaphore(%run_scoped3A : memref<!tpu.dma_semaphore, #tpu.memory_space<semaphore_mem>>)
        %dma_wait3A = arith.constant 0 : i32
        %dma_wait3A_121 = tpu.memref_slice %arg4[%arg0, %add3A_111, %dma_wait3A] : memref<2x10000x64xf32, #tpu.memory_space<hbm>> -> memref<1x64x64xf32, #tpu.memory_space<hbm>>
        %dma_wait3A_122 = tpu.memref_squeeze %dma_wait3A_121 : memref<1x64x64xf32, #tpu.memory_space<hbm>> -> memref<64x64xf32, #tpu.memory_space<hbm>>
        %dma_wait3A_123 = arith.constant 0 : i32
        %dma_wait3A_124 = tpu.memref_slice %arg4[%arg0, %add3A_111, %dma_wait3A_123] : memref<2x10000x64xf32, #tpu.memory_space<hbm>> -> memref<1x64x64xf32, #tpu.memory_space<hbm>>
        %dma_wait3A_125 = tpu.memref_squeeze %dma_wait3A_124 : memref<1x64x64xf32, #tpu.memory_space<hbm>> -> memref<64x64xf32, #tpu.memory_space<hbm>>
        tpu.wait_dma2 semaphore(%run_scoped3A : memref<!tpu.dma_semaphore, #tpu.memory_space<semaphore_mem>>) src(%arg15 : memref<64x64xf32, #tpu.memory_space<vmem>>) dst(%dma_wait3A_125 : memref<64x64xf32, #tpu.memory_space<hbm>>)
        tpu.yield
      }) : () -> ()
      %mul3A_112 = arith.constant 624 : i32
      %mul3A_113 = arith.muli %arg1, %mul3A_112 : i32
      %add3A_114 = arith.constant 576 : i32
      %add3A_115 = arith.addi %mul3A_113, %add3A_114 : i32
      "tpu.region"() ({
        %run_scoped3A = tpu.sem_alloc : memref<!tpu.dma_semaphore, #tpu.memory_space<semaphore_mem>>
        %dma_start3A = arith.constant 0 : i32
        %dma_start3A_116 = arith.constant 0 : i32
        %dma_start3A_117 = tpu.memref_slice %arg15[%dma_start3A, %dma_start3A_116] : memref<64x64xf32, #tpu.memory_space<vmem>> -> memref<48x64xf32, #tpu.memory_space<vmem>>
        %dma_start3A_118 = arith.constant 0 : i32
        %dma_start3A_119 = tpu.memref_slice %arg29[%add3A_115, %dma_start3A_118] : memref<10008x64xf32, #tpu.memory_space<vmem_shared>> -> memref<48x64xf32, #tpu.memory_space<vmem_shared>>
        %dma_start3A_120 = arith.constant 0 : i32
        %dma_start3A_121 = arith.constant 0 : i32
        %dma_start3A_122 = tpu.memref_slice %arg15[%dma_start3A_120, %dma_start3A_121] : memref<64x64xf32, #tpu.memory_space<vmem>> -> memref<48x64xf32, #tpu.memory_space<vmem>>
        %dma_start3A_123 = arith.constant 0 : i32
        %dma_start3A_124 = tpu.memref_slice %arg29[%add3A_115, %dma_start3A_123] : memref<10008x64xf32, #tpu.memory_space<vmem_shared>> -> memref<48x64xf32, #tpu.memory_space<vmem_shared>>
        tpu.enqueue_dma source(%dma_start3A_124 : memref<48x64xf32, #tpu.memory_space<vmem_shared>>) target(%dma_start3A_122 : memref<48x64xf32, #tpu.memory_space<vmem>>) target_semaphore(%run_scoped3A : memref<!tpu.dma_semaphore, #tpu.memory_space<semaphore_mem>>)
        %dma_wait3A = arith.constant 0 : i32
        %dma_wait3A_125 = arith.constant 0 : i32
        %dma_wait3A_126 = tpu.memref_slice %arg15[%dma_wait3A, %dma_wait3A_125] : memref<64x64xf32, #tpu.memory_space<vmem>> -> memref<48x64xf32, #tpu.memory_space<vmem>>
        %dma_wait3A_127 = arith.constant 0 : i32
        %dma_wait3A_128 = tpu.memref_slice %arg29[%add3A_115, %dma_wait3A_127] : memref<10008x64xf32, #tpu.memory_space<vmem_shared>> -> memref<48x64xf32, #tpu.memory_space<vmem_shared>>
        %dma_wait3A_129 = arith.constant 0 : i32
        %dma_wait3A_130 = arith.constant 0 : i32
        %dma_wait3A_131 = tpu.memref_slice %arg15[%dma_wait3A_129, %dma_wait3A_130] : memref<64x64xf32, #tpu.memory_space<vmem>> -> memref<48x64xf32, #tpu.memory_space<vmem>>
        %dma_wait3A_132 = arith.constant 0 : i32
        %dma_wait3A_133 = tpu.memref_slice %arg29[%add3A_115, %dma_wait3A_132] : memref<10008x64xf32, #tpu.memory_space<vmem_shared>> -> memref<48x64xf32, #tpu.memory_space<vmem_shared>>
        tpu.wait_dma2 semaphore(%run_scoped3A : memref<!tpu.dma_semaphore, #tpu.memory_space<semaphore_mem>>) src(%dma_wait3A_133 : memref<48x64xf32, #tpu.memory_space<vmem_shared>>) dst(%dma_wait3A_131 : memref<48x64xf32, #tpu.memory_space<vmem>>)
        tpu.yield
      }) : () -> ()
      "tpu.region"() ({
        %run_scoped3A = tpu.sem_alloc : memref<!tpu.dma_semaphore, #tpu.memory_space<semaphore_mem>>
        %dma_start3A = arith.constant 0 : i32
        %dma_start3A_116 = arith.constant 0 : i32
        %dma_start3A_117 = tpu.memref_slice %arg15[%dma_start3A, %dma_start3A_116] : memref<64x64xf32, #tpu.memory_space<vmem>> -> memref<48x64xf32, #tpu.memory_space<vmem>>
        %dma_start3A_118 = arith.constant 0 : i32
        %dma_start3A_119 = tpu.memref_slice %arg4[%arg0, %add3A_115, %dma_start3A_118] : memref<2x10000x64xf32, #tpu.memory_space<hbm>> -> memref<1x48x64xf32, #tpu.memory_space<hbm>>
        %dma_start3A_120 = tpu.memref_squeeze %dma_start3A_119 : memref<1x48x64xf32, #tpu.memory_space<hbm>> -> memref<48x64xf32, #tpu.memory_space<hbm>>
        %dma_start3A_121 = arith.constant 0 : i32
        %dma_start3A_122 = tpu.memref_slice %arg4[%arg0, %add3A_115, %dma_start3A_121] : memref<2x10000x64xf32, #tpu.memory_space<hbm>> -> memref<1x48x64xf32, #tpu.memory_space<hbm>>
        %dma_start3A_123 = tpu.memref_squeeze %dma_start3A_122 : memref<1x48x64xf32, #tpu.memory_space<hbm>> -> memref<48x64xf32, #tpu.memory_space<hbm>>
        %dma_start3A_124 = arith.constant 0 : i32
        %dma_start3A_125 = arith.constant 0 : i32
        %dma_start3A_126 = tpu.memref_slice %arg15[%dma_start3A_124, %dma_start3A_125] : memref<64x64xf32, #tpu.memory_space<vmem>> -> memref<48x64xf32, #tpu.memory_space<vmem>>
        tpu.enqueue_dma source(%dma_start3A_126 : memref<48x64xf32, #tpu.memory_space<vmem>>) target(%dma_start3A_123 : memref<48x64xf32, #tpu.memory_space<hbm>>) target_semaphore(%run_scoped3A : memref<!tpu.dma_semaphore, #tpu.memory_space<semaphore_mem>>)
        %dma_wait3A = arith.constant 0 : i32
        %dma_wait3A_127 = arith.constant 0 : i32
        %dma_wait3A_128 = tpu.memref_slice %arg15[%dma_wait3A, %dma_wait3A_127] : memref<64x64xf32, #tpu.memory_space<vmem>> -> memref<48x64xf32, #tpu.memory_space<vmem>>
        %dma_wait3A_129 = arith.constant 0 : i32
        %dma_wait3A_130 = tpu.memref_slice %arg4[%arg0, %add3A_115, %dma_wait3A_129] : memref<2x10000x64xf32, #tpu.memory_space<hbm>> -> memref<1x48x64xf32, #tpu.memory_space<hbm>>
        %dma_wait3A_131 = tpu.memref_squeeze %dma_wait3A_130 : memref<1x48x64xf32, #tpu.memory_space<hbm>> -> memref<48x64xf32, #tpu.memory_space<hbm>>
        %dma_wait3A_132 = arith.constant 0 : i32
        %dma_wait3A_133 = tpu.memref_slice %arg4[%arg0, %add3A_115, %dma_wait3A_132] : memref<2x10000x64xf32, #tpu.memory_space<hbm>> -> memref<1x48x64xf32, #tpu.memory_space<hbm>>
        %dma_wait3A_134 = tpu.memref_squeeze %dma_wait3A_133 : memref<1x48x64xf32, #tpu.memory_space<hbm>> -> memref<48x64xf32, #tpu.memory_space<hbm>>
        %dma_wait3A_135 = arith.constant 0 : i32
        %dma_wait3A_136 = arith.constant 0 : i32
        %dma_wait3A_137 = tpu.memref_slice %arg15[%dma_wait3A_135, %dma_wait3A_136] : memref<64x64xf32, #tpu.memory_space<vmem>> -> memref<48x64xf32, #tpu.memory_space<vmem>>
        tpu.wait_dma2 semaphore(%run_scoped3A : memref<!tpu.dma_semaphore, #tpu.memory_space<semaphore_mem>>) src(%dma_wait3A_137 : memref<48x64xf32, #tpu.memory_space<vmem>>) dst(%dma_wait3A_134 : memref<48x64xf32, #tpu.memory_space<hbm>>)
        tpu.yield
      }) : () -> ()
    } else {
    }
    %eq3A_58 = arith.constant 15 : i32
    %eq3A_59 = arith.cmpi eq, %arg1, %eq3A_58 : i32
    %convert_element_type3A_60 = arith.extui %eq3A_59 : i1 to i32
    %cond3A_61 = arith.constant 0 : i32
    %cond3A_62 = arith.cmpi ne, %convert_element_type3A_60, %cond3A_61 : i32
    scf.if %cond3A_62 {
      "tpu.region"() ({
        %run_scoped3A = tpu.sem_alloc : memref<!tpu.dma_semaphore, #tpu.memory_space<semaphore_mem>>
        %dma_start3A = arith.constant 9360 : i32
        %dma_start3A_78 = arith.constant 0 : i32
        %dma_start3A_79 = tpu.memref_slice %arg29[%dma_start3A, %dma_start3A_78] : memref<10008x64xf32, #tpu.memory_space<vmem_shared>> -> memref<64x64xf32, #tpu.memory_space<vmem_shared>>
        %dma_start3A_80 = arith.constant 9360 : i32
        %dma_start3A_81 = arith.constant 0 : i32
        %dma_start3A_82 = tpu.memref_slice %arg29[%dma_start3A_80, %dma_start3A_81] : memref<10008x64xf32, #tpu.memory_space<vmem_shared>> -> memref<64x64xf32, #tpu.memory_space<vmem_shared>>
        tpu.enqueue_dma source(%dma_start3A_82 : memref<64x64xf32, #tpu.memory_space<vmem_shared>>) target(%arg15 : memref<64x64xf32, #tpu.memory_space<vmem>>) target_semaphore(%run_scoped3A : memref<!tpu.dma_semaphore, #tpu.memory_space<semaphore_mem>>)
        %dma_wait3A = arith.constant 9360 : i32
        %dma_wait3A_83 = arith.constant 0 : i32
        %dma_wait3A_84 = tpu.memref_slice %arg29[%dma_wait3A, %dma_wait3A_83] : memref<10008x64xf32, #tpu.memory_space<vmem_shared>> -> memref<64x64xf32, #tpu.memory_space<vmem_shared>>
        %dma_wait3A_85 = arith.constant 9360 : i32
        %dma_wait3A_86 = arith.constant 0 : i32
        %dma_wait3A_87 = tpu.memref_slice %arg29[%dma_wait3A_85, %dma_wait3A_86] : memref<10008x64xf32, #tpu.memory_space<vmem_shared>> -> memref<64x64xf32, #tpu.memory_space<vmem_shared>>
        tpu.wait_dma2 semaphore(%run_scoped3A : memref<!tpu.dma_semaphore, #tpu.memory_space<semaphore_mem>>) src(%dma_wait3A_87 : memref<64x64xf32, #tpu.memory_space<vmem_shared>>) dst(%arg15 : memref<64x64xf32, #tpu.memory_space<vmem>>)
        tpu.yield
      }) : () -> ()
      "tpu.region"() ({
        %run_scoped3A = tpu.sem_alloc : memref<!tpu.dma_semaphore, #tpu.memory_space<semaphore_mem>>
        %dma_start3A = arith.constant 9360 : i32
        %dma_start3A_78 = arith.constant 0 : i32
        %dma_start3A_79 = tpu.memref_slice %arg4[%arg0, %dma_start3A, %dma_start3A_78] : memref<2x10000x64xf32, #tpu.memory_space<hbm>> -> memref<1x64x64xf32, #tpu.memory_space<hbm>>
        %dma_start3A_80 = tpu.memref_squeeze %dma_start3A_79 : memref<1x64x64xf32, #tpu.memory_space<hbm>> -> memref<64x64xf32, #tpu.memory_space<hbm>>
        %dma_start3A_81 = arith.constant 9360 : i32
        %dma_start3A_82 = arith.constant 0 : i32
        %dma_start3A_83 = tpu.memref_slice %arg4[%arg0, %dma_start3A_81, %dma_start3A_82] : memref<2x10000x64xf32, #tpu.memory_space<hbm>> -> memref<1x64x64xf32, #tpu.memory_space<hbm>>
        %dma_start3A_84 = tpu.memref_squeeze %dma_start3A_83 : memref<1x64x64xf32, #tpu.memory_space<hbm>> -> memref<64x64xf32, #tpu.memory_space<hbm>>
        tpu.enqueue_dma source(%arg15 : memref<64x64xf32, #tpu.memory_space<vmem>>) target(%dma_start3A_84 : memref<64x64xf32, #tpu.memory_space<hbm>>) target_semaphore(%run_scoped3A : memref<!tpu.dma_semaphore, #tpu.memory_space<semaphore_mem>>)
        %dma_wait3A = arith.constant 9360 : i32
        %dma_wait3A_85 = arith.constant 0 : i32
        %dma_wait3A_86 = tpu.memref_slice %arg4[%arg0, %dma_wait3A, %dma_wait3A_85] : memref<2x10000x64xf32, #tpu.memory_space<hbm>> -> memref<1x64x64xf32, #tpu.memory_space<hbm>>
        %dma_wait3A_87 = tpu.memref_squeeze %dma_wait3A_86 : memref<1x64x64xf32, #tpu.memory_space<hbm>> -> memref<64x64xf32, #tpu.memory_space<hbm>>
        %dma_wait3A_88 = arith.constant 9360 : i32
        %dma_wait3A_89 = arith.constant 0 : i32
        %dma_wait3A_90 = tpu.memref_slice %arg4[%arg0, %dma_wait3A_88, %dma_wait3A_89] : memref<2x10000x64xf32, #tpu.memory_space<hbm>> -> memref<1x64x64xf32, #tpu.memory_space<hbm>>
        %dma_wait3A_91 = tpu.memref_squeeze %dma_wait3A_90 : memref<1x64x64xf32, #tpu.memory_space<hbm>> -> memref<64x64xf32, #tpu.memory_space<hbm>>
        tpu.wait_dma2 semaphore(%run_scoped3A : memref<!tpu.dma_semaphore, #tpu.memory_space<semaphore_mem>>) src(%arg15 : memref<64x64xf32, #tpu.memory_space<vmem>>) dst(%dma_wait3A_91 : memref<64x64xf32, #tpu.memory_space<hbm>>)
        tpu.yield
      }) : () -> ()
      "tpu.region"() ({
        %run_scoped3A = tpu.sem_alloc : memref<!tpu.dma_semaphore, #tpu.memory_space<semaphore_mem>>
        %dma_start3A = arith.constant 9424 : i32
        %dma_start3A_78 = arith.constant 0 : i32
        %dma_start3A_79 = tpu.memref_slice %arg29[%dma_start3A, %dma_start3A_78] : memref<10008x64xf32, #tpu.memory_space<vmem_shared>> -> memref<64x64xf32, #tpu.memory_space<vmem_shared>>
        %dma_start3A_80 = arith.constant 9424 : i32
        %dma_start3A_81 = arith.constant 0 : i32
        %dma_start3A_82 = tpu.memref_slice %arg29[%dma_start3A_80, %dma_start3A_81] : memref<10008x64xf32, #tpu.memory_space<vmem_shared>> -> memref<64x64xf32, #tpu.memory_space<vmem_shared>>
        tpu.enqueue_dma source(%dma_start3A_82 : memref<64x64xf32, #tpu.memory_space<vmem_shared>>) target(%arg15 : memref<64x64xf32, #tpu.memory_space<vmem>>) target_semaphore(%run_scoped3A : memref<!tpu.dma_semaphore, #tpu.memory_space<semaphore_mem>>)
        %dma_wait3A = arith.constant 9424 : i32
        %dma_wait3A_83 = arith.constant 0 : i32
        %dma_wait3A_84 = tpu.memref_slice %arg29[%dma_wait3A, %dma_wait3A_83] : memref<10008x64xf32, #tpu.memory_space<vmem_shared>> -> memref<64x64xf32, #tpu.memory_space<vmem_shared>>
        %dma_wait3A_85 = arith.constant 9424 : i32
        %dma_wait3A_86 = arith.constant 0 : i32
        %dma_wait3A_87 = tpu.memref_slice %arg29[%dma_wait3A_85, %dma_wait3A_86] : memref<10008x64xf32, #tpu.memory_space<vmem_shared>> -> memref<64x64xf32, #tpu.memory_space<vmem_shared>>
        tpu.wait_dma2 semaphore(%run_scoped3A : memref<!tpu.dma_semaphore, #tpu.memory_space<semaphore_mem>>) src(%dma_wait3A_87 : memref<64x64xf32, #tpu.memory_space<vmem_shared>>) dst(%arg15 : memref<64x64xf32, #tpu.memory_space<vmem>>)
        tpu.yield
      }) : () -> ()
      "tpu.region"() ({
        %run_scoped3A = tpu.sem_alloc : memref<!tpu.dma_semaphore, #tpu.memory_space<semaphore_mem>>
        %dma_start3A = arith.constant 9424 : i32
        %dma_start3A_78 = arith.constant 0 : i32
        %dma_start3A_79 = tpu.memref_slice %arg4[%arg0, %dma_start3A, %dma_start3A_78] : memref<2x10000x64xf32, #tpu.memory_space<hbm>> -> memref<1x64x64xf32, #tpu.memory_space<hbm>>
        %dma_start3A_80 = tpu.memref_squeeze %dma_start3A_79 : memref<1x64x64xf32, #tpu.memory_space<hbm>> -> memref<64x64xf32, #tpu.memory_space<hbm>>
        %dma_start3A_81 = arith.constant 9424 : i32
        %dma_start3A_82 = arith.constant 0 : i32
        %dma_start3A_83 = tpu.memref_slice %arg4[%arg0, %dma_start3A_81, %dma_start3A_82] : memref<2x10000x64xf32, #tpu.memory_space<hbm>> -> memref<1x64x64xf32, #tpu.memory_space<hbm>>
        %dma_start3A_84 = tpu.memref_squeeze %dma_start3A_83 : memref<1x64x64xf32, #tpu.memory_space<hbm>> -> memref<64x64xf32, #tpu.memory_space<hbm>>
        tpu.enqueue_dma source(%arg15 : memref<64x64xf32, #tpu.memory_space<vmem>>) target(%dma_start3A_84 : memref<64x64xf32, #tpu.memory_space<hbm>>) target_semaphore(%run_scoped3A : memref<!tpu.dma_semaphore, #tpu.memory_space<semaphore_mem>>)
        %dma_wait3A = arith.constant 9424 : i32
        %dma_wait3A_85 = arith.constant 0 : i32
        %dma_wait3A_86 = tpu.memref_slice %arg4[%arg0, %dma_wait3A, %dma_wait3A_85] : memref<2x10000x64xf32, #tpu.memory_space<hbm>> -> memref<1x64x64xf32, #tpu.memory_space<hbm>>
        %dma_wait3A_87 = tpu.memref_squeeze %dma_wait3A_86 : memref<1x64x64xf32, #tpu.memory_space<hbm>> -> memref<64x64xf32, #tpu.memory_space<hbm>>
        %dma_wait3A_88 = arith.constant 9424 : i32
        %dma_wait3A_89 = arith.constant 0 : i32
        %dma_wait3A_90 = tpu.memref_slice %arg4[%arg0, %dma_wait3A_88, %dma_wait3A_89] : memref<2x10000x64xf32, #tpu.memory_space<hbm>> -> memref<1x64x64xf32, #tpu.memory_space<hbm>>
        %dma_wait3A_91 = tpu.memref_squeeze %dma_wait3A_90 : memref<1x64x64xf32, #tpu.memory_space<hbm>> -> memref<64x64xf32, #tpu.memory_space<hbm>>
        tpu.wait_dma2 semaphore(%run_scoped3A : memref<!tpu.dma_semaphore, #tpu.memory_space<semaphore_mem>>) src(%arg15 : memref<64x64xf32, #tpu.memory_space<vmem>>) dst(%dma_wait3A_91 : memref<64x64xf32, #tpu.memory_space<hbm>>)
        tpu.yield
      }) : () -> ()
      "tpu.region"() ({
        %run_scoped3A = tpu.sem_alloc : memref<!tpu.dma_semaphore, #tpu.memory_space<semaphore_mem>>
        %dma_start3A = arith.constant 9488 : i32
        %dma_start3A_78 = arith.constant 0 : i32
        %dma_start3A_79 = tpu.memref_slice %arg29[%dma_start3A, %dma_start3A_78] : memref<10008x64xf32, #tpu.memory_space<vmem_shared>> -> memref<64x64xf32, #tpu.memory_space<vmem_shared>>
        %dma_start3A_80 = arith.constant 9488 : i32
        %dma_start3A_81 = arith.constant 0 : i32
        %dma_start3A_82 = tpu.memref_slice %arg29[%dma_start3A_80, %dma_start3A_81] : memref<10008x64xf32, #tpu.memory_space<vmem_shared>> -> memref<64x64xf32, #tpu.memory_space<vmem_shared>>
        tpu.enqueue_dma source(%dma_start3A_82 : memref<64x64xf32, #tpu.memory_space<vmem_shared>>) target(%arg15 : memref<64x64xf32, #tpu.memory_space<vmem>>) target_semaphore(%run_scoped3A : memref<!tpu.dma_semaphore, #tpu.memory_space<semaphore_mem>>)
        %dma_wait3A = arith.constant 9488 : i32
        %dma_wait3A_83 = arith.constant 0 : i32
        %dma_wait3A_84 = tpu.memref_slice %arg29[%dma_wait3A, %dma_wait3A_83] : memref<10008x64xf32, #tpu.memory_space<vmem_shared>> -> memref<64x64xf32, #tpu.memory_space<vmem_shared>>
        %dma_wait3A_85 = arith.constant 9488 : i32
        %dma_wait3A_86 = arith.constant 0 : i32
        %dma_wait3A_87 = tpu.memref_slice %arg29[%dma_wait3A_85, %dma_wait3A_86] : memref<10008x64xf32, #tpu.memory_space<vmem_shared>> -> memref<64x64xf32, #tpu.memory_space<vmem_shared>>
        tpu.wait_dma2 semaphore(%run_scoped3A : memref<!tpu.dma_semaphore, #tpu.memory_space<semaphore_mem>>) src(%dma_wait3A_87 : memref<64x64xf32, #tpu.memory_space<vmem_shared>>) dst(%arg15 : memref<64x64xf32, #tpu.memory_space<vmem>>)
        tpu.yield
      }) : () -> ()
      "tpu.region"() ({
        %run_scoped3A = tpu.sem_alloc : memref<!tpu.dma_semaphore, #tpu.memory_space<semaphore_mem>>
        %dma_start3A = arith.constant 9488 : i32
        %dma_start3A_78 = arith.constant 0 : i32
        %dma_start3A_79 = tpu.memref_slice %arg4[%arg0, %dma_start3A, %dma_start3A_78] : memref<2x10000x64xf32, #tpu.memory_space<hbm>> -> memref<1x64x64xf32, #tpu.memory_space<hbm>>
        %dma_start3A_80 = tpu.memref_squeeze %dma_start3A_79 : memref<1x64x64xf32, #tpu.memory_space<hbm>> -> memref<64x64xf32, #tpu.memory_space<hbm>>
        %dma_start3A_81 = arith.constant 9488 : i32
        %dma_start3A_82 = arith.constant 0 : i32
        %dma_start3A_83 = tpu.memref_slice %arg4[%arg0, %dma_start3A_81, %dma_start3A_82] : memref<2x10000x64xf32, #tpu.memory_space<hbm>> -> memref<1x64x64xf32, #tpu.memory_space<hbm>>
        %dma_start3A_84 = tpu.memref_squeeze %dma_start3A_83 : memref<1x64x64xf32, #tpu.memory_space<hbm>> -> memref<64x64xf32, #tpu.memory_space<hbm>>
        tpu.enqueue_dma source(%arg15 : memref<64x64xf32, #tpu.memory_space<vmem>>) target(%dma_start3A_84 : memref<64x64xf32, #tpu.memory_space<hbm>>) target_semaphore(%run_scoped3A : memref<!tpu.dma_semaphore, #tpu.memory_space<semaphore_mem>>)
        %dma_wait3A = arith.constant 9488 : i32
        %dma_wait3A_85 = arith.constant 0 : i32
        %dma_wait3A_86 = tpu.memref_slice %arg4[%arg0, %dma_wait3A, %dma_wait3A_85] : memref<2x10000x64xf32, #tpu.memory_space<hbm>> -> memref<1x64x64xf32, #tpu.memory_space<hbm>>
        %dma_wait3A_87 = tpu.memref_squeeze %dma_wait3A_86 : memref<1x64x64xf32, #tpu.memory_space<hbm>> -> memref<64x64xf32, #tpu.memory_space<hbm>>
        %dma_wait3A_88 = arith.constant 9488 : i32
        %dma_wait3A_89 = arith.constant 0 : i32
        %dma_wait3A_90 = tpu.memref_slice %arg4[%arg0, %dma_wait3A_88, %dma_wait3A_89] : memref<2x10000x64xf32, #tpu.memory_space<hbm>> -> memref<1x64x64xf32, #tpu.memory_space<hbm>>
        %dma_wait3A_91 = tpu.memref_squeeze %dma_wait3A_90 : memref<1x64x64xf32, #tpu.memory_space<hbm>> -> memref<64x64xf32, #tpu.memory_space<hbm>>
        tpu.wait_dma2 semaphore(%run_scoped3A : memref<!tpu.dma_semaphore, #tpu.memory_space<semaphore_mem>>) src(%arg15 : memref<64x64xf32, #tpu.memory_space<vmem>>) dst(%dma_wait3A_91 : memref<64x64xf32, #tpu.memory_space<hbm>>)
        tpu.yield
      }) : () -> ()
      "tpu.region"() ({
        %run_scoped3A = tpu.sem_alloc : memref<!tpu.dma_semaphore, #tpu.memory_space<semaphore_mem>>
        %dma_start3A = arith.constant 9552 : i32
        %dma_start3A_78 = arith.constant 0 : i32
        %dma_start3A_79 = tpu.memref_slice %arg29[%dma_start3A, %dma_start3A_78] : memref<10008x64xf32, #tpu.memory_space<vmem_shared>> -> memref<64x64xf32, #tpu.memory_space<vmem_shared>>
        %dma_start3A_80 = arith.constant 9552 : i32
        %dma_start3A_81 = arith.constant 0 : i32
        %dma_start3A_82 = tpu.memref_slice %arg29[%dma_start3A_80, %dma_start3A_81] : memref<10008x64xf32, #tpu.memory_space<vmem_shared>> -> memref<64x64xf32, #tpu.memory_space<vmem_shared>>
        tpu.enqueue_dma source(%dma_start3A_82 : memref<64x64xf32, #tpu.memory_space<vmem_shared>>) target(%arg15 : memref<64x64xf32, #tpu.memory_space<vmem>>) target_semaphore(%run_scoped3A : memref<!tpu.dma_semaphore, #tpu.memory_space<semaphore_mem>>)
        %dma_wait3A = arith.constant 9552 : i32
        %dma_wait3A_83 = arith.constant 0 : i32
        %dma_wait3A_84 = tpu.memref_slice %arg29[%dma_wait3A, %dma_wait3A_83] : memref<10008x64xf32, #tpu.memory_space<vmem_shared>> -> memref<64x64xf32, #tpu.memory_space<vmem_shared>>
        %dma_wait3A_85 = arith.constant 9552 : i32
        %dma_wait3A_86 = arith.constant 0 : i32
        %dma_wait3A_87 = tpu.memref_slice %arg29[%dma_wait3A_85, %dma_wait3A_86] : memref<10008x64xf32, #tpu.memory_space<vmem_shared>> -> memref<64x64xf32, #tpu.memory_space<vmem_shared>>
        tpu.wait_dma2 semaphore(%run_scoped3A : memref<!tpu.dma_semaphore, #tpu.memory_space<semaphore_mem>>) src(%dma_wait3A_87 : memref<64x64xf32, #tpu.memory_space<vmem_shared>>) dst(%arg15 : memref<64x64xf32, #tpu.memory_space<vmem>>)
        tpu.yield
      }) : () -> ()
      "tpu.region"() ({
        %run_scoped3A = tpu.sem_alloc : memref<!tpu.dma_semaphore, #tpu.memory_space<semaphore_mem>>
        %dma_start3A = arith.constant 9552 : i32
        %dma_start3A_78 = arith.constant 0 : i32
        %dma_start3A_79 = tpu.memref_slice %arg4[%arg0, %dma_start3A, %dma_start3A_78] : memref<2x10000x64xf32, #tpu.memory_space<hbm>> -> memref<1x64x64xf32, #tpu.memory_space<hbm>>
        %dma_start3A_80 = tpu.memref_squeeze %dma_start3A_79 : memref<1x64x64xf32, #tpu.memory_space<hbm>> -> memref<64x64xf32, #tpu.memory_space<hbm>>
        %dma_start3A_81 = arith.constant 9552 : i32
        %dma_start3A_82 = arith.constant 0 : i32
        %dma_start3A_83 = tpu.memref_slice %arg4[%arg0, %dma_start3A_81, %dma_start3A_82] : memref<2x10000x64xf32, #tpu.memory_space<hbm>> -> memref<1x64x64xf32, #tpu.memory_space<hbm>>
        %dma_start3A_84 = tpu.memref_squeeze %dma_start3A_83 : memref<1x64x64xf32, #tpu.memory_space<hbm>> -> memref<64x64xf32, #tpu.memory_space<hbm>>
        tpu.enqueue_dma source(%arg15 : memref<64x64xf32, #tpu.memory_space<vmem>>) target(%dma_start3A_84 : memref<64x64xf32, #tpu.memory_space<hbm>>) target_semaphore(%run_scoped3A : memref<!tpu.dma_semaphore, #tpu.memory_space<semaphore_mem>>)
        %dma_wait3A = arith.constant 9552 : i32
        %dma_wait3A_85 = arith.constant 0 : i32
        %dma_wait3A_86 = tpu.memref_slice %arg4[%arg0, %dma_wait3A, %dma_wait3A_85] : memref<2x10000x64xf32, #tpu.memory_space<hbm>> -> memref<1x64x64xf32, #tpu.memory_space<hbm>>
        %dma_wait3A_87 = tpu.memref_squeeze %dma_wait3A_86 : memref<1x64x64xf32, #tpu.memory_space<hbm>> -> memref<64x64xf32, #tpu.memory_space<hbm>>
        %dma_wait3A_88 = arith.constant 9552 : i32
        %dma_wait3A_89 = arith.constant 0 : i32
        %dma_wait3A_90 = tpu.memref_slice %arg4[%arg0, %dma_wait3A_88, %dma_wait3A_89] : memref<2x10000x64xf32, #tpu.memory_space<hbm>> -> memref<1x64x64xf32, #tpu.memory_space<hbm>>
        %dma_wait3A_91 = tpu.memref_squeeze %dma_wait3A_90 : memref<1x64x64xf32, #tpu.memory_space<hbm>> -> memref<64x64xf32, #tpu.memory_space<hbm>>
        tpu.wait_dma2 semaphore(%run_scoped3A : memref<!tpu.dma_semaphore, #tpu.memory_space<semaphore_mem>>) src(%arg15 : memref<64x64xf32, #tpu.memory_space<vmem>>) dst(%dma_wait3A_91 : memref<64x64xf32, #tpu.memory_space<hbm>>)
        tpu.yield
      }) : () -> ()
      "tpu.region"() ({
        %run_scoped3A = tpu.sem_alloc : memref<!tpu.dma_semaphore, #tpu.memory_space<semaphore_mem>>
        %dma_start3A = arith.constant 9616 : i32
        %dma_start3A_78 = arith.constant 0 : i32
        %dma_start3A_79 = tpu.memref_slice %arg29[%dma_start3A, %dma_start3A_78] : memref<10008x64xf32, #tpu.memory_space<vmem_shared>> -> memref<64x64xf32, #tpu.memory_space<vmem_shared>>
        %dma_start3A_80 = arith.constant 9616 : i32
        %dma_start3A_81 = arith.constant 0 : i32
        %dma_start3A_82 = tpu.memref_slice %arg29[%dma_start3A_80, %dma_start3A_81] : memref<10008x64xf32, #tpu.memory_space<vmem_shared>> -> memref<64x64xf32, #tpu.memory_space<vmem_shared>>
        tpu.enqueue_dma source(%dma_start3A_82 : memref<64x64xf32, #tpu.memory_space<vmem_shared>>) target(%arg15 : memref<64x64xf32, #tpu.memory_space<vmem>>) target_semaphore(%run_scoped3A : memref<!tpu.dma_semaphore, #tpu.memory_space<semaphore_mem>>)
        %dma_wait3A = arith.constant 9616 : i32
        %dma_wait3A_83 = arith.constant 0 : i32
        %dma_wait3A_84 = tpu.memref_slice %arg29[%dma_wait3A, %dma_wait3A_83] : memref<10008x64xf32, #tpu.memory_space<vmem_shared>> -> memref<64x64xf32, #tpu.memory_space<vmem_shared>>
        %dma_wait3A_85 = arith.constant 9616 : i32
        %dma_wait3A_86 = arith.constant 0 : i32
        %dma_wait3A_87 = tpu.memref_slice %arg29[%dma_wait3A_85, %dma_wait3A_86] : memref<10008x64xf32, #tpu.memory_space<vmem_shared>> -> memref<64x64xf32, #tpu.memory_space<vmem_shared>>
        tpu.wait_dma2 semaphore(%run_scoped3A : memref<!tpu.dma_semaphore, #tpu.memory_space<semaphore_mem>>) src(%dma_wait3A_87 : memref<64x64xf32, #tpu.memory_space<vmem_shared>>) dst(%arg15 : memref<64x64xf32, #tpu.memory_space<vmem>>)
        tpu.yield
      }) : () -> ()
      "tpu.region"() ({
        %run_scoped3A = tpu.sem_alloc : memref<!tpu.dma_semaphore, #tpu.memory_space<semaphore_mem>>
        %dma_start3A = arith.constant 9616 : i32
        %dma_start3A_78 = arith.constant 0 : i32
        %dma_start3A_79 = tpu.memref_slice %arg4[%arg0, %dma_start3A, %dma_start3A_78] : memref<2x10000x64xf32, #tpu.memory_space<hbm>> -> memref<1x64x64xf32, #tpu.memory_space<hbm>>
        %dma_start3A_80 = tpu.memref_squeeze %dma_start3A_79 : memref<1x64x64xf32, #tpu.memory_space<hbm>> -> memref<64x64xf32, #tpu.memory_space<hbm>>
        %dma_start3A_81 = arith.constant 9616 : i32
        %dma_start3A_82 = arith.constant 0 : i32
        %dma_start3A_83 = tpu.memref_slice %arg4[%arg0, %dma_start3A_81, %dma_start3A_82] : memref<2x10000x64xf32, #tpu.memory_space<hbm>> -> memref<1x64x64xf32, #tpu.memory_space<hbm>>
        %dma_start3A_84 = tpu.memref_squeeze %dma_start3A_83 : memref<1x64x64xf32, #tpu.memory_space<hbm>> -> memref<64x64xf32, #tpu.memory_space<hbm>>
        tpu.enqueue_dma source(%arg15 : memref<64x64xf32, #tpu.memory_space<vmem>>) target(%dma_start3A_84 : memref<64x64xf32, #tpu.memory_space<hbm>>) target_semaphore(%run_scoped3A : memref<!tpu.dma_semaphore, #tpu.memory_space<semaphore_mem>>)
        %dma_wait3A = arith.constant 9616 : i32
        %dma_wait3A_85 = arith.constant 0 : i32
        %dma_wait3A_86 = tpu.memref_slice %arg4[%arg0, %dma_wait3A, %dma_wait3A_85] : memref<2x10000x64xf32, #tpu.memory_space<hbm>> -> memref<1x64x64xf32, #tpu.memory_space<hbm>>
        %dma_wait3A_87 = tpu.memref_squeeze %dma_wait3A_86 : memref<1x64x64xf32, #tpu.memory_space<hbm>> -> memref<64x64xf32, #tpu.memory_space<hbm>>
        %dma_wait3A_88 = arith.constant 9616 : i32
        %dma_wait3A_89 = arith.constant 0 : i32
        %dma_wait3A_90 = tpu.memref_slice %arg4[%arg0, %dma_wait3A_88, %dma_wait3A_89] : memref<2x10000x64xf32, #tpu.memory_space<hbm>> -> memref<1x64x64xf32, #tpu.memory_space<hbm>>
        %dma_wait3A_91 = tpu.memref_squeeze %dma_wait3A_90 : memref<1x64x64xf32, #tpu.memory_space<hbm>> -> memref<64x64xf32, #tpu.memory_space<hbm>>
        tpu.wait_dma2 semaphore(%run_scoped3A : memref<!tpu.dma_semaphore, #tpu.memory_space<semaphore_mem>>) src(%arg15 : memref<64x64xf32, #tpu.memory_space<vmem>>) dst(%dma_wait3A_91 : memref<64x64xf32, #tpu.memory_space<hbm>>)
        tpu.yield
      }) : () -> ()
      "tpu.region"() ({
        %run_scoped3A = tpu.sem_alloc : memref<!tpu.dma_semaphore, #tpu.memory_space<semaphore_mem>>
        %dma_start3A = arith.constant 9680 : i32
        %dma_start3A_78 = arith.constant 0 : i32
        %dma_start3A_79 = tpu.memref_slice %arg29[%dma_start3A, %dma_start3A_78] : memref<10008x64xf32, #tpu.memory_space<vmem_shared>> -> memref<64x64xf32, #tpu.memory_space<vmem_shared>>
        %dma_start3A_80 = arith.constant 9680 : i32
        %dma_start3A_81 = arith.constant 0 : i32
        %dma_start3A_82 = tpu.memref_slice %arg29[%dma_start3A_80, %dma_start3A_81] : memref<10008x64xf32, #tpu.memory_space<vmem_shared>> -> memref<64x64xf32, #tpu.memory_space<vmem_shared>>
        tpu.enqueue_dma source(%dma_start3A_82 : memref<64x64xf32, #tpu.memory_space<vmem_shared>>) target(%arg15 : memref<64x64xf32, #tpu.memory_space<vmem>>) target_semaphore(%run_scoped3A : memref<!tpu.dma_semaphore, #tpu.memory_space<semaphore_mem>>)
        %dma_wait3A = arith.constant 9680 : i32
        %dma_wait3A_83 = arith.constant 0 : i32
        %dma_wait3A_84 = tpu.memref_slice %arg29[%dma_wait3A, %dma_wait3A_83] : memref<10008x64xf32, #tpu.memory_space<vmem_shared>> -> memref<64x64xf32, #tpu.memory_space<vmem_shared>>
        %dma_wait3A_85 = arith.constant 9680 : i32
        %dma_wait3A_86 = arith.constant 0 : i32
        %dma_wait3A_87 = tpu.memref_slice %arg29[%dma_wait3A_85, %dma_wait3A_86] : memref<10008x64xf32, #tpu.memory_space<vmem_shared>> -> memref<64x64xf32, #tpu.memory_space<vmem_shared>>
        tpu.wait_dma2 semaphore(%run_scoped3A : memref<!tpu.dma_semaphore, #tpu.memory_space<semaphore_mem>>) src(%dma_wait3A_87 : memref<64x64xf32, #tpu.memory_space<vmem_shared>>) dst(%arg15 : memref<64x64xf32, #tpu.memory_space<vmem>>)
        tpu.yield
      }) : () -> ()
      "tpu.region"() ({
        %run_scoped3A = tpu.sem_alloc : memref<!tpu.dma_semaphore, #tpu.memory_space<semaphore_mem>>
        %dma_start3A = arith.constant 9680 : i32
        %dma_start3A_78 = arith.constant 0 : i32
        %dma_start3A_79 = tpu.memref_slice %arg4[%arg0, %dma_start3A, %dma_start3A_78] : memref<2x10000x64xf32, #tpu.memory_space<hbm>> -> memref<1x64x64xf32, #tpu.memory_space<hbm>>
        %dma_start3A_80 = tpu.memref_squeeze %dma_start3A_79 : memref<1x64x64xf32, #tpu.memory_space<hbm>> -> memref<64x64xf32, #tpu.memory_space<hbm>>
        %dma_start3A_81 = arith.constant 9680 : i32
        %dma_start3A_82 = arith.constant 0 : i32
        %dma_start3A_83 = tpu.memref_slice %arg4[%arg0, %dma_start3A_81, %dma_start3A_82] : memref<2x10000x64xf32, #tpu.memory_space<hbm>> -> memref<1x64x64xf32, #tpu.memory_space<hbm>>
        %dma_start3A_84 = tpu.memref_squeeze %dma_start3A_83 : memref<1x64x64xf32, #tpu.memory_space<hbm>> -> memref<64x64xf32, #tpu.memory_space<hbm>>
        tpu.enqueue_dma source(%arg15 : memref<64x64xf32, #tpu.memory_space<vmem>>) target(%dma_start3A_84 : memref<64x64xf32, #tpu.memory_space<hbm>>) target_semaphore(%run_scoped3A : memref<!tpu.dma_semaphore, #tpu.memory_space<semaphore_mem>>)
        %dma_wait3A = arith.constant 9680 : i32
        %dma_wait3A_85 = arith.constant 0 : i32
        %dma_wait3A_86 = tpu.memref_slice %arg4[%arg0, %dma_wait3A, %dma_wait3A_85] : memref<2x10000x64xf32, #tpu.memory_space<hbm>> -> memref<1x64x64xf32, #tpu.memory_space<hbm>>
        %dma_wait3A_87 = tpu.memref_squeeze %dma_wait3A_86 : memref<1x64x64xf32, #tpu.memory_space<hbm>> -> memref<64x64xf32, #tpu.memory_space<hbm>>
        %dma_wait3A_88 = arith.constant 9680 : i32
        %dma_wait3A_89 = arith.constant 0 : i32
        %dma_wait3A_90 = tpu.memref_slice %arg4[%arg0, %dma_wait3A_88, %dma_wait3A_89] : memref<2x10000x64xf32, #tpu.memory_space<hbm>> -> memref<1x64x64xf32, #tpu.memory_space<hbm>>
        %dma_wait3A_91 = tpu.memref_squeeze %dma_wait3A_90 : memref<1x64x64xf32, #tpu.memory_space<hbm>> -> memref<64x64xf32, #tpu.memory_space<hbm>>
        tpu.wait_dma2 semaphore(%run_scoped3A : memref<!tpu.dma_semaphore, #tpu.memory_space<semaphore_mem>>) src(%arg15 : memref<64x64xf32, #tpu.memory_space<vmem>>) dst(%dma_wait3A_91 : memref<64x64xf32, #tpu.memory_space<hbm>>)
        tpu.yield
      }) : () -> ()
      "tpu.region"() ({
        %run_scoped3A = tpu.sem_alloc : memref<!tpu.dma_semaphore, #tpu.memory_space<semaphore_mem>>
        %dma_start3A = arith.constant 9744 : i32
        %dma_start3A_78 = arith.constant 0 : i32
        %dma_start3A_79 = tpu.memref_slice %arg29[%dma_start3A, %dma_start3A_78] : memref<10008x64xf32, #tpu.memory_space<vmem_shared>> -> memref<64x64xf32, #tpu.memory_space<vmem_shared>>
        %dma_start3A_80 = arith.constant 9744 : i32
        %dma_start3A_81 = arith.constant 0 : i32
        %dma_start3A_82 = tpu.memref_slice %arg29[%dma_start3A_80, %dma_start3A_81] : memref<10008x64xf32, #tpu.memory_space<vmem_shared>> -> memref<64x64xf32, #tpu.memory_space<vmem_shared>>
        tpu.enqueue_dma source(%dma_start3A_82 : memref<64x64xf32, #tpu.memory_space<vmem_shared>>) target(%arg15 : memref<64x64xf32, #tpu.memory_space<vmem>>) target_semaphore(%run_scoped3A : memref<!tpu.dma_semaphore, #tpu.memory_space<semaphore_mem>>)
        %dma_wait3A = arith.constant 9744 : i32
        %dma_wait3A_83 = arith.constant 0 : i32
        %dma_wait3A_84 = tpu.memref_slice %arg29[%dma_wait3A, %dma_wait3A_83] : memref<10008x64xf32, #tpu.memory_space<vmem_shared>> -> memref<64x64xf32, #tpu.memory_space<vmem_shared>>
        %dma_wait3A_85 = arith.constant 9744 : i32
        %dma_wait3A_86 = arith.constant 0 : i32
        %dma_wait3A_87 = tpu.memref_slice %arg29[%dma_wait3A_85, %dma_wait3A_86] : memref<10008x64xf32, #tpu.memory_space<vmem_shared>> -> memref<64x64xf32, #tpu.memory_space<vmem_shared>>
        tpu.wait_dma2 semaphore(%run_scoped3A : memref<!tpu.dma_semaphore, #tpu.memory_space<semaphore_mem>>) src(%dma_wait3A_87 : memref<64x64xf32, #tpu.memory_space<vmem_shared>>) dst(%arg15 : memref<64x64xf32, #tpu.memory_space<vmem>>)
        tpu.yield
      }) : () -> ()
      "tpu.region"() ({
        %run_scoped3A = tpu.sem_alloc : memref<!tpu.dma_semaphore, #tpu.memory_space<semaphore_mem>>
        %dma_start3A = arith.constant 9744 : i32
        %dma_start3A_78 = arith.constant 0 : i32
        %dma_start3A_79 = tpu.memref_slice %arg4[%arg0, %dma_start3A, %dma_start3A_78] : memref<2x10000x64xf32, #tpu.memory_space<hbm>> -> memref<1x64x64xf32, #tpu.memory_space<hbm>>
        %dma_start3A_80 = tpu.memref_squeeze %dma_start3A_79 : memref<1x64x64xf32, #tpu.memory_space<hbm>> -> memref<64x64xf32, #tpu.memory_space<hbm>>
        %dma_start3A_81 = arith.constant 9744 : i32
        %dma_start3A_82 = arith.constant 0 : i32
        %dma_start3A_83 = tpu.memref_slice %arg4[%arg0, %dma_start3A_81, %dma_start3A_82] : memref<2x10000x64xf32, #tpu.memory_space<hbm>> -> memref<1x64x64xf32, #tpu.memory_space<hbm>>
        %dma_start3A_84 = tpu.memref_squeeze %dma_start3A_83 : memref<1x64x64xf32, #tpu.memory_space<hbm>> -> memref<64x64xf32, #tpu.memory_space<hbm>>
        tpu.enqueue_dma source(%arg15 : memref<64x64xf32, #tpu.memory_space<vmem>>) target(%dma_start3A_84 : memref<64x64xf32, #tpu.memory_space<hbm>>) target_semaphore(%run_scoped3A : memref<!tpu.dma_semaphore, #tpu.memory_space<semaphore_mem>>)
        %dma_wait3A = arith.constant 9744 : i32
        %dma_wait3A_85 = arith.constant 0 : i32
        %dma_wait3A_86 = tpu.memref_slice %arg4[%arg0, %dma_wait3A, %dma_wait3A_85] : memref<2x10000x64xf32, #tpu.memory_space<hbm>> -> memref<1x64x64xf32, #tpu.memory_space<hbm>>
        %dma_wait3A_87 = tpu.memref_squeeze %dma_wait3A_86 : memref<1x64x64xf32, #tpu.memory_space<hbm>> -> memref<64x64xf32, #tpu.memory_space<hbm>>
        %dma_wait3A_88 = arith.constant 9744 : i32
        %dma_wait3A_89 = arith.constant 0 : i32
        %dma_wait3A_90 = tpu.memref_slice %arg4[%arg0, %dma_wait3A_88, %dma_wait3A_89] : memref<2x10000x64xf32, #tpu.memory_space<hbm>> -> memref<1x64x64xf32, #tpu.memory_space<hbm>>
        %dma_wait3A_91 = tpu.memref_squeeze %dma_wait3A_90 : memref<1x64x64xf32, #tpu.memory_space<hbm>> -> memref<64x64xf32, #tpu.memory_space<hbm>>
        tpu.wait_dma2 semaphore(%run_scoped3A : memref<!tpu.dma_semaphore, #tpu.memory_space<semaphore_mem>>) src(%arg15 : memref<64x64xf32, #tpu.memory_space<vmem>>) dst(%dma_wait3A_91 : memref<64x64xf32, #tpu.memory_space<hbm>>)
        tpu.yield
      }) : () -> ()
      "tpu.region"() ({
        %run_scoped3A = tpu.sem_alloc : memref<!tpu.dma_semaphore, #tpu.memory_space<semaphore_mem>>
        %dma_start3A = arith.constant 9808 : i32
        %dma_start3A_78 = arith.constant 0 : i32
        %dma_start3A_79 = tpu.memref_slice %arg29[%dma_start3A, %dma_start3A_78] : memref<10008x64xf32, #tpu.memory_space<vmem_shared>> -> memref<64x64xf32, #tpu.memory_space<vmem_shared>>
        %dma_start3A_80 = arith.constant 9808 : i32
        %dma_start3A_81 = arith.constant 0 : i32
        %dma_start3A_82 = tpu.memref_slice %arg29[%dma_start3A_80, %dma_start3A_81] : memref<10008x64xf32, #tpu.memory_space<vmem_shared>> -> memref<64x64xf32, #tpu.memory_space<vmem_shared>>
        tpu.enqueue_dma source(%dma_start3A_82 : memref<64x64xf32, #tpu.memory_space<vmem_shared>>) target(%arg15 : memref<64x64xf32, #tpu.memory_space<vmem>>) target_semaphore(%run_scoped3A : memref<!tpu.dma_semaphore, #tpu.memory_space<semaphore_mem>>)
        %dma_wait3A = arith.constant 9808 : i32
        %dma_wait3A_83 = arith.constant 0 : i32
        %dma_wait3A_84 = tpu.memref_slice %arg29[%dma_wait3A, %dma_wait3A_83] : memref<10008x64xf32, #tpu.memory_space<vmem_shared>> -> memref<64x64xf32, #tpu.memory_space<vmem_shared>>
        %dma_wait3A_85 = arith.constant 9808 : i32
        %dma_wait3A_86 = arith.constant 0 : i32
        %dma_wait3A_87 = tpu.memref_slice %arg29[%dma_wait3A_85, %dma_wait3A_86] : memref<10008x64xf32, #tpu.memory_space<vmem_shared>> -> memref<64x64xf32, #tpu.memory_space<vmem_shared>>
        tpu.wait_dma2 semaphore(%run_scoped3A : memref<!tpu.dma_semaphore, #tpu.memory_space<semaphore_mem>>) src(%dma_wait3A_87 : memref<64x64xf32, #tpu.memory_space<vmem_shared>>) dst(%arg15 : memref<64x64xf32, #tpu.memory_space<vmem>>)
        tpu.yield
      }) : () -> ()
      "tpu.region"() ({
        %run_scoped3A = tpu.sem_alloc : memref<!tpu.dma_semaphore, #tpu.memory_space<semaphore_mem>>
        %dma_start3A = arith.constant 9808 : i32
        %dma_start3A_78 = arith.constant 0 : i32
        %dma_start3A_79 = tpu.memref_slice %arg4[%arg0, %dma_start3A, %dma_start3A_78] : memref<2x10000x64xf32, #tpu.memory_space<hbm>> -> memref<1x64x64xf32, #tpu.memory_space<hbm>>
        %dma_start3A_80 = tpu.memref_squeeze %dma_start3A_79 : memref<1x64x64xf32, #tpu.memory_space<hbm>> -> memref<64x64xf32, #tpu.memory_space<hbm>>
        %dma_start3A_81 = arith.constant 9808 : i32
        %dma_start3A_82 = arith.constant 0 : i32
        %dma_start3A_83 = tpu.memref_slice %arg4[%arg0, %dma_start3A_81, %dma_start3A_82] : memref<2x10000x64xf32, #tpu.memory_space<hbm>> -> memref<1x64x64xf32, #tpu.memory_space<hbm>>
        %dma_start3A_84 = tpu.memref_squeeze %dma_start3A_83 : memref<1x64x64xf32, #tpu.memory_space<hbm>> -> memref<64x64xf32, #tpu.memory_space<hbm>>
        tpu.enqueue_dma source(%arg15 : memref<64x64xf32, #tpu.memory_space<vmem>>) target(%dma_start3A_84 : memref<64x64xf32, #tpu.memory_space<hbm>>) target_semaphore(%run_scoped3A : memref<!tpu.dma_semaphore, #tpu.memory_space<semaphore_mem>>)
        %dma_wait3A = arith.constant 9808 : i32
        %dma_wait3A_85 = arith.constant 0 : i32
        %dma_wait3A_86 = tpu.memref_slice %arg4[%arg0, %dma_wait3A, %dma_wait3A_85] : memref<2x10000x64xf32, #tpu.memory_space<hbm>> -> memref<1x64x64xf32, #tpu.memory_space<hbm>>
        %dma_wait3A_87 = tpu.memref_squeeze %dma_wait3A_86 : memref<1x64x64xf32, #tpu.memory_space<hbm>> -> memref<64x64xf32, #tpu.memory_space<hbm>>
        %dma_wait3A_88 = arith.constant 9808 : i32
        %dma_wait3A_89 = arith.constant 0 : i32
        %dma_wait3A_90 = tpu.memref_slice %arg4[%arg0, %dma_wait3A_88, %dma_wait3A_89] : memref<2x10000x64xf32, #tpu.memory_space<hbm>> -> memref<1x64x64xf32, #tpu.memory_space<hbm>>
        %dma_wait3A_91 = tpu.memref_squeeze %dma_wait3A_90 : memref<1x64x64xf32, #tpu.memory_space<hbm>> -> memref<64x64xf32, #tpu.memory_space<hbm>>
        tpu.wait_dma2 semaphore(%run_scoped3A : memref<!tpu.dma_semaphore, #tpu.memory_space<semaphore_mem>>) src(%arg15 : memref<64x64xf32, #tpu.memory_space<vmem>>) dst(%dma_wait3A_91 : memref<64x64xf32, #tpu.memory_space<hbm>>)
        tpu.yield
      }) : () -> ()
      "tpu.region"() ({
        %run_scoped3A = tpu.sem_alloc : memref<!tpu.dma_semaphore, #tpu.memory_space<semaphore_mem>>
        %dma_start3A = arith.constant 9872 : i32
        %dma_start3A_78 = arith.constant 0 : i32
        %dma_start3A_79 = tpu.memref_slice %arg29[%dma_start3A, %dma_start3A_78] : memref<10008x64xf32, #tpu.memory_space<vmem_shared>> -> memref<64x64xf32, #tpu.memory_space<vmem_shared>>
        %dma_start3A_80 = arith.constant 9872 : i32
        %dma_start3A_81 = arith.constant 0 : i32
        %dma_start3A_82 = tpu.memref_slice %arg29[%dma_start3A_80, %dma_start3A_81] : memref<10008x64xf32, #tpu.memory_space<vmem_shared>> -> memref<64x64xf32, #tpu.memory_space<vmem_shared>>
        tpu.enqueue_dma source(%dma_start3A_82 : memref<64x64xf32, #tpu.memory_space<vmem_shared>>) target(%arg15 : memref<64x64xf32, #tpu.memory_space<vmem>>) target_semaphore(%run_scoped3A : memref<!tpu.dma_semaphore, #tpu.memory_space<semaphore_mem>>)
        %dma_wait3A = arith.constant 9872 : i32
        %dma_wait3A_83 = arith.constant 0 : i32
        %dma_wait3A_84 = tpu.memref_slice %arg29[%dma_wait3A, %dma_wait3A_83] : memref<10008x64xf32, #tpu.memory_space<vmem_shared>> -> memref<64x64xf32, #tpu.memory_space<vmem_shared>>
        %dma_wait3A_85 = arith.constant 9872 : i32
        %dma_wait3A_86 = arith.constant 0 : i32
        %dma_wait3A_87 = tpu.memref_slice %arg29[%dma_wait3A_85, %dma_wait3A_86] : memref<10008x64xf32, #tpu.memory_space<vmem_shared>> -> memref<64x64xf32, #tpu.memory_space<vmem_shared>>
        tpu.wait_dma2 semaphore(%run_scoped3A : memref<!tpu.dma_semaphore, #tpu.memory_space<semaphore_mem>>) src(%dma_wait3A_87 : memref<64x64xf32, #tpu.memory_space<vmem_shared>>) dst(%arg15 : memref<64x64xf32, #tpu.memory_space<vmem>>)
        tpu.yield
      }) : () -> ()
      "tpu.region"() ({
        %run_scoped3A = tpu.sem_alloc : memref<!tpu.dma_semaphore, #tpu.memory_space<semaphore_mem>>
        %dma_start3A = arith.constant 9872 : i32
        %dma_start3A_78 = arith.constant 0 : i32
        %dma_start3A_79 = tpu.memref_slice %arg4[%arg0, %dma_start3A, %dma_start3A_78] : memref<2x10000x64xf32, #tpu.memory_space<hbm>> -> memref<1x64x64xf32, #tpu.memory_space<hbm>>
        %dma_start3A_80 = tpu.memref_squeeze %dma_start3A_79 : memref<1x64x64xf32, #tpu.memory_space<hbm>> -> memref<64x64xf32, #tpu.memory_space<hbm>>
        %dma_start3A_81 = arith.constant 9872 : i32
        %dma_start3A_82 = arith.constant 0 : i32
        %dma_start3A_83 = tpu.memref_slice %arg4[%arg0, %dma_start3A_81, %dma_start3A_82] : memref<2x10000x64xf32, #tpu.memory_space<hbm>> -> memref<1x64x64xf32, #tpu.memory_space<hbm>>
        %dma_start3A_84 = tpu.memref_squeeze %dma_start3A_83 : memref<1x64x64xf32, #tpu.memory_space<hbm>> -> memref<64x64xf32, #tpu.memory_space<hbm>>
        tpu.enqueue_dma source(%arg15 : memref<64x64xf32, #tpu.memory_space<vmem>>) target(%dma_start3A_84 : memref<64x64xf32, #tpu.memory_space<hbm>>) target_semaphore(%run_scoped3A : memref<!tpu.dma_semaphore, #tpu.memory_space<semaphore_mem>>)
        %dma_wait3A = arith.constant 9872 : i32
        %dma_wait3A_85 = arith.constant 0 : i32
        %dma_wait3A_86 = tpu.memref_slice %arg4[%arg0, %dma_wait3A, %dma_wait3A_85] : memref<2x10000x64xf32, #tpu.memory_space<hbm>> -> memref<1x64x64xf32, #tpu.memory_space<hbm>>
        %dma_wait3A_87 = tpu.memref_squeeze %dma_wait3A_86 : memref<1x64x64xf32, #tpu.memory_space<hbm>> -> memref<64x64xf32, #tpu.memory_space<hbm>>
        %dma_wait3A_88 = arith.constant 9872 : i32
        %dma_wait3A_89 = arith.constant 0 : i32
        %dma_wait3A_90 = tpu.memref_slice %arg4[%arg0, %dma_wait3A_88, %dma_wait3A_89] : memref<2x10000x64xf32, #tpu.memory_space<hbm>> -> memref<1x64x64xf32, #tpu.memory_space<hbm>>
        %dma_wait3A_91 = tpu.memref_squeeze %dma_wait3A_90 : memref<1x64x64xf32, #tpu.memory_space<hbm>> -> memref<64x64xf32, #tpu.memory_space<hbm>>
        tpu.wait_dma2 semaphore(%run_scoped3A : memref<!tpu.dma_semaphore, #tpu.memory_space<semaphore_mem>>) src(%arg15 : memref<64x64xf32, #tpu.memory_space<vmem>>) dst(%dma_wait3A_91 : memref<64x64xf32, #tpu.memory_space<hbm>>)
        tpu.yield
      }) : () -> ()
      "tpu.region"() ({
        %run_scoped3A = tpu.sem_alloc : memref<!tpu.dma_semaphore, #tpu.memory_space<semaphore_mem>>
        %dma_start3A = arith.constant 9936 : i32
        %dma_start3A_78 = arith.constant 0 : i32
        %dma_start3A_79 = tpu.memref_slice %arg29[%dma_start3A, %dma_start3A_78] : memref<10008x64xf32, #tpu.memory_space<vmem_shared>> -> memref<64x64xf32, #tpu.memory_space<vmem_shared>>
        %dma_start3A_80 = arith.constant 9936 : i32
        %dma_start3A_81 = arith.constant 0 : i32
        %dma_start3A_82 = tpu.memref_slice %arg29[%dma_start3A_80, %dma_start3A_81] : memref<10008x64xf32, #tpu.memory_space<vmem_shared>> -> memref<64x64xf32, #tpu.memory_space<vmem_shared>>
        tpu.enqueue_dma source(%dma_start3A_82 : memref<64x64xf32, #tpu.memory_space<vmem_shared>>) target(%arg15 : memref<64x64xf32, #tpu.memory_space<vmem>>) target_semaphore(%run_scoped3A : memref<!tpu.dma_semaphore, #tpu.memory_space<semaphore_mem>>)
        %dma_wait3A = arith.constant 9936 : i32
        %dma_wait3A_83 = arith.constant 0 : i32
        %dma_wait3A_84 = tpu.memref_slice %arg29[%dma_wait3A, %dma_wait3A_83] : memref<10008x64xf32, #tpu.memory_space<vmem_shared>> -> memref<64x64xf32, #tpu.memory_space<vmem_shared>>
        %dma_wait3A_85 = arith.constant 9936 : i32
        %dma_wait3A_86 = arith.constant 0 : i32
        %dma_wait3A_87 = tpu.memref_slice %arg29[%dma_wait3A_85, %dma_wait3A_86] : memref<10008x64xf32, #tpu.memory_space<vmem_shared>> -> memref<64x64xf32, #tpu.memory_space<vmem_shared>>
        tpu.wait_dma2 semaphore(%run_scoped3A : memref<!tpu.dma_semaphore, #tpu.memory_space<semaphore_mem>>) src(%dma_wait3A_87 : memref<64x64xf32, #tpu.memory_space<vmem_shared>>) dst(%arg15 : memref<64x64xf32, #tpu.memory_space<vmem>>)
        tpu.yield
      }) : () -> ()
      "tpu.region"() ({
        %run_scoped3A = tpu.sem_alloc : memref<!tpu.dma_semaphore, #tpu.memory_space<semaphore_mem>>
        %dma_start3A = arith.constant 9936 : i32
        %dma_start3A_78 = arith.constant 0 : i32
        %dma_start3A_79 = tpu.memref_slice %arg4[%arg0, %dma_start3A, %dma_start3A_78] : memref<2x10000x64xf32, #tpu.memory_space<hbm>> -> memref<1x64x64xf32, #tpu.memory_space<hbm>>
        %dma_start3A_80 = tpu.memref_squeeze %dma_start3A_79 : memref<1x64x64xf32, #tpu.memory_space<hbm>> -> memref<64x64xf32, #tpu.memory_space<hbm>>
        %dma_start3A_81 = arith.constant 9936 : i32
        %dma_start3A_82 = arith.constant 0 : i32
        %dma_start3A_83 = tpu.memref_slice %arg4[%arg0, %dma_start3A_81, %dma_start3A_82] : memref<2x10000x64xf32, #tpu.memory_space<hbm>> -> memref<1x64x64xf32, #tpu.memory_space<hbm>>
        %dma_start3A_84 = tpu.memref_squeeze %dma_start3A_83 : memref<1x64x64xf32, #tpu.memory_space<hbm>> -> memref<64x64xf32, #tpu.memory_space<hbm>>
        tpu.enqueue_dma source(%arg15 : memref<64x64xf32, #tpu.memory_space<vmem>>) target(%dma_start3A_84 : memref<64x64xf32, #tpu.memory_space<hbm>>) target_semaphore(%run_scoped3A : memref<!tpu.dma_semaphore, #tpu.memory_space<semaphore_mem>>)
        %dma_wait3A = arith.constant 9936 : i32
        %dma_wait3A_85 = arith.constant 0 : i32
        %dma_wait3A_86 = tpu.memref_slice %arg4[%arg0, %dma_wait3A, %dma_wait3A_85] : memref<2x10000x64xf32, #tpu.memory_space<hbm>> -> memref<1x64x64xf32, #tpu.memory_space<hbm>>
        %dma_wait3A_87 = tpu.memref_squeeze %dma_wait3A_86 : memref<1x64x64xf32, #tpu.memory_space<hbm>> -> memref<64x64xf32, #tpu.memory_space<hbm>>
        %dma_wait3A_88 = arith.constant 9936 : i32
        %dma_wait3A_89 = arith.constant 0 : i32
        %dma_wait3A_90 = tpu.memref_slice %arg4[%arg0, %dma_wait3A_88, %dma_wait3A_89] : memref<2x10000x64xf32, #tpu.memory_space<hbm>> -> memref<1x64x64xf32, #tpu.memory_space<hbm>>
        %dma_wait3A_91 = tpu.memref_squeeze %dma_wait3A_90 : memref<1x64x64xf32, #tpu.memory_space<hbm>> -> memref<64x64xf32, #tpu.memory_space<hbm>>
        tpu.wait_dma2 semaphore(%run_scoped3A : memref<!tpu.dma_semaphore, #tpu.memory_space<semaphore_mem>>) src(%arg15 : memref<64x64xf32, #tpu.memory_space<vmem>>) dst(%dma_wait3A_91 : memref<64x64xf32, #tpu.memory_space<hbm>>)
        tpu.yield
      }) : () -> ()
    } else {
    }
    %eq3A_63 = arith.constant 0 : i32
    %eq3A_64 = arith.cmpi eq, %arg0, %eq3A_63 : i32
    %lt3A_65 = arith.constant 15 : i32
    %lt3A_66 = arith.cmpi slt, %arg1, %lt3A_65 : i32
    %and3A = arith.andi %eq3A_64, %lt3A_66 : i1
    %convert_element_type3A_67 = arith.extui %and3A : i1 to i32
    %cond3A_68 = arith.constant 0 : i32
    %cond3A_69 = arith.cmpi ne, %convert_element_type3A_67, %cond3A_68 : i32
    scf.if %cond3A_69 {
      %mul3A = arith.constant 5008 : i32
      %mul3A_78 = arith.muli %arg1, %mul3A : i32
      "tpu.region"() ({
        %run_scoped3A = tpu.sem_alloc : memref<!tpu.dma_semaphore, #tpu.memory_space<semaphore_mem>>
        %dma_start3A = tpu.memref_slice %arg28[%mul3A_78] : memref<80016xf32, #tpu.memory_space<vmem_shared>> -> memref<5008xf32, #tpu.memory_space<vmem_shared>>
        %dma_start3A_79 = tpu.memref_slice %arg28[%mul3A_78] : memref<80016xf32, #tpu.memory_space<vmem_shared>> -> memref<5008xf32, #tpu.memory_space<vmem_shared>>
        tpu.enqueue_dma source(%dma_start3A_79 : memref<5008xf32, #tpu.memory_space<vmem_shared>>) target(%arg27 : memref<5008xf32, #tpu.memory_space<vmem>>) target_semaphore(%run_scoped3A : memref<!tpu.dma_semaphore, #tpu.memory_space<semaphore_mem>>)
        %dma_wait3A = tpu.memref_slice %arg28[%mul3A_78] : memref<80016xf32, #tpu.memory_space<vmem_shared>> -> memref<5008xf32, #tpu.memory_space<vmem_shared>>
        %dma_wait3A_80 = tpu.memref_slice %arg28[%mul3A_78] : memref<80016xf32, #tpu.memory_space<vmem_shared>> -> memref<5008xf32, #tpu.memory_space<vmem_shared>>
        tpu.wait_dma2 semaphore(%run_scoped3A : memref<!tpu.dma_semaphore, #tpu.memory_space<semaphore_mem>>) src(%dma_wait3A_80 : memref<5008xf32, #tpu.memory_space<vmem_shared>>) dst(%arg27 : memref<5008xf32, #tpu.memory_space<vmem>>)
        tpu.yield
      }) : () -> ()
      "tpu.region"() ({
        %run_scoped3A = tpu.sem_alloc : memref<!tpu.dma_semaphore, #tpu.memory_space<semaphore_mem>>
        %dma_start3A = tpu.memref_slice %arg5[%mul3A_78] : memref<80000xf32, #tpu.memory_space<hbm>> -> memref<5008xf32, #tpu.memory_space<hbm>>
        %dma_start3A_79 = tpu.memref_slice %arg5[%mul3A_78] : memref<80000xf32, #tpu.memory_space<hbm>> -> memref<5008xf32, #tpu.memory_space<hbm>>
        tpu.enqueue_dma source(%arg27 : memref<5008xf32, #tpu.memory_space<vmem>>) target(%dma_start3A_79 : memref<5008xf32, #tpu.memory_space<hbm>>) target_semaphore(%run_scoped3A : memref<!tpu.dma_semaphore, #tpu.memory_space<semaphore_mem>>)
        %dma_wait3A = tpu.memref_slice %arg5[%mul3A_78] : memref<80000xf32, #tpu.memory_space<hbm>> -> memref<5008xf32, #tpu.memory_space<hbm>>
        %dma_wait3A_80 = tpu.memref_slice %arg5[%mul3A_78] : memref<80000xf32, #tpu.memory_space<hbm>> -> memref<5008xf32, #tpu.memory_space<hbm>>
        tpu.wait_dma2 semaphore(%run_scoped3A : memref<!tpu.dma_semaphore, #tpu.memory_space<semaphore_mem>>) src(%arg27 : memref<5008xf32, #tpu.memory_space<vmem>>) dst(%dma_wait3A_80 : memref<5008xf32, #tpu.memory_space<hbm>>)
        tpu.yield
      }) : () -> ()
    } else {
    }
    %eq3A_70 = arith.constant 0 : i32
    %eq3A_71 = arith.cmpi eq, %arg0, %eq3A_70 : i32
    %eq3A_72 = arith.constant 15 : i32
    %eq3A_73 = arith.cmpi eq, %arg1, %eq3A_72 : i32
    %and3A_74 = arith.andi %eq3A_71, %eq3A_73 : i1
    %convert_element_type3A_75 = arith.extui %and3A_74 : i1 to i32
    %cond3A_76 = arith.constant 0 : i32
    %cond3A_77 = arith.cmpi ne, %convert_element_type3A_75, %cond3A_76 : i32
    scf.if %cond3A_77 {
      "tpu.region"() ({
        %run_scoped3A = tpu.sem_alloc : memref<!tpu.dma_semaphore, #tpu.memory_space<semaphore_mem>>
        %dma_start3A = arith.constant 0 : i32
        %dma_start3A_78 = tpu.memref_slice %arg27[%dma_start3A] : memref<5008xf32, #tpu.memory_space<vmem>> -> memref<4880xf32, #tpu.memory_space<vmem>>
        %dma_start3A_79 = arith.constant 75120 : i32
        %dma_start3A_80 = tpu.memref_slice %arg28[%dma_start3A_79] : memref<80016xf32, #tpu.memory_space<vmem_shared>> -> memref<4880xf32, #tpu.memory_space<vmem_shared>>
        %dma_start3A_81 = arith.constant 0 : i32
        %dma_start3A_82 = tpu.memref_slice %arg27[%dma_start3A_81] : memref<5008xf32, #tpu.memory_space<vmem>> -> memref<4880xf32, #tpu.memory_space<vmem>>
        %dma_start3A_83 = arith.constant 75120 : i32
        %dma_start3A_84 = tpu.memref_slice %arg28[%dma_start3A_83] : memref<80016xf32, #tpu.memory_space<vmem_shared>> -> memref<4880xf32, #tpu.memory_space<vmem_shared>>
        tpu.enqueue_dma source(%dma_start3A_84 : memref<4880xf32, #tpu.memory_space<vmem_shared>>) target(%dma_start3A_82 : memref<4880xf32, #tpu.memory_space<vmem>>) target_semaphore(%run_scoped3A : memref<!tpu.dma_semaphore, #tpu.memory_space<semaphore_mem>>)
        %dma_wait3A = arith.constant 0 : i32
        %dma_wait3A_85 = tpu.memref_slice %arg27[%dma_wait3A] : memref<5008xf32, #tpu.memory_space<vmem>> -> memref<4880xf32, #tpu.memory_space<vmem>>
        %dma_wait3A_86 = arith.constant 75120 : i32
        %dma_wait3A_87 = tpu.memref_slice %arg28[%dma_wait3A_86] : memref<80016xf32, #tpu.memory_space<vmem_shared>> -> memref<4880xf32, #tpu.memory_space<vmem_shared>>
        %dma_wait3A_88 = arith.constant 0 : i32
        %dma_wait3A_89 = tpu.memref_slice %arg27[%dma_wait3A_88] : memref<5008xf32, #tpu.memory_space<vmem>> -> memref<4880xf32, #tpu.memory_space<vmem>>
        %dma_wait3A_90 = arith.constant 75120 : i32
        %dma_wait3A_91 = tpu.memref_slice %arg28[%dma_wait3A_90] : memref<80016xf32, #tpu.memory_space<vmem_shared>> -> memref<4880xf32, #tpu.memory_space<vmem_shared>>
        tpu.wait_dma2 semaphore(%run_scoped3A : memref<!tpu.dma_semaphore, #tpu.memory_space<semaphore_mem>>) src(%dma_wait3A_91 : memref<4880xf32, #tpu.memory_space<vmem_shared>>) dst(%dma_wait3A_89 : memref<4880xf32, #tpu.memory_space<vmem>>)
        tpu.yield
      }) : () -> ()
      "tpu.region"() ({
        %run_scoped3A = tpu.sem_alloc : memref<!tpu.dma_semaphore, #tpu.memory_space<semaphore_mem>>
        %dma_start3A = arith.constant 0 : i32
        %dma_start3A_78 = tpu.memref_slice %arg27[%dma_start3A] : memref<5008xf32, #tpu.memory_space<vmem>> -> memref<4880xf32, #tpu.memory_space<vmem>>
        %dma_start3A_79 = arith.constant 75120 : i32
        %dma_start3A_80 = tpu.memref_slice %arg5[%dma_start3A_79] : memref<80000xf32, #tpu.memory_space<hbm>> -> memref<4880xf32, #tpu.memory_space<hbm>>
        %dma_start3A_81 = arith.constant 75120 : i32
        %dma_start3A_82 = tpu.memref_slice %arg5[%dma_start3A_81] : memref<80000xf32, #tpu.memory_space<hbm>> -> memref<4880xf32, #tpu.memory_space<hbm>>
        %dma_start3A_83 = arith.constant 0 : i32
        %dma_start3A_84 = tpu.memref_slice %arg27[%dma_start3A_83] : memref<5008xf32, #tpu.memory_space<vmem>> -> memref<4880xf32, #tpu.memory_space<vmem>>
        tpu.enqueue_dma source(%dma_start3A_84 : memref<4880xf32, #tpu.memory_space<vmem>>) target(%dma_start3A_82 : memref<4880xf32, #tpu.memory_space<hbm>>) target_semaphore(%run_scoped3A : memref<!tpu.dma_semaphore, #tpu.memory_space<semaphore_mem>>)
        %dma_wait3A = arith.constant 0 : i32
        %dma_wait3A_85 = tpu.memref_slice %arg27[%dma_wait3A] : memref<5008xf32, #tpu.memory_space<vmem>> -> memref<4880xf32, #tpu.memory_space<vmem>>
        %dma_wait3A_86 = arith.constant 75120 : i32
        %dma_wait3A_87 = tpu.memref_slice %arg5[%dma_wait3A_86] : memref<80000xf32, #tpu.memory_space<hbm>> -> memref<4880xf32, #tpu.memory_space<hbm>>
        %dma_wait3A_88 = arith.constant 75120 : i32
        %dma_wait3A_89 = tpu.memref_slice %arg5[%dma_wait3A_88] : memref<80000xf32, #tpu.memory_space<hbm>> -> memref<4880xf32, #tpu.memory_space<hbm>>
        %dma_wait3A_90 = arith.constant 0 : i32
        %dma_wait3A_91 = tpu.memref_slice %arg27[%dma_wait3A_90] : memref<5008xf32, #tpu.memory_space<vmem>> -> memref<4880xf32, #tpu.memory_space<vmem>>
        tpu.wait_dma2 semaphore(%run_scoped3A : memref<!tpu.dma_semaphore, #tpu.memory_space<semaphore_mem>>) src(%dma_wait3A_91 : memref<4880xf32, #tpu.memory_space<vmem>>) dst(%dma_wait3A_89 : memref<4880xf32, #tpu.memory_space<hbm>>)
        tpu.yield
      }) : () -> ()
    } else {
    }
    return
  }
}

module attributes {stable_mosaic.version = 14 : i64} {
  func.func @_k1_body(%arg0: i32, %arg1: i32, %arg2: memref<2000x128xf32, #tpu.memory_space<vmem>>, %arg3: memref<1x128x128xf32, #tpu.memory_space<vmem>>, %arg4: memref<2000x128xf32, #tpu.memory_space<vmem>>) attributes {dimension_semantics = [#tpu.dimension_semantics<arbitrary>, #tpu.dimension_semantics<arbitrary>], iteration_bounds = array<i64: 8, 5>, scalar_prefetch = 0 : i64, scratch_operands = 0 : i64, tpu.core_type = #tpu.core_type<tc>, window_params = [{transform_indices = @transform_0, window_bounds = array<i64: 2000, 128>}, {transform_indices = @transform_1, window_bounds = array<i64: 1, 128, 128>}, {transform_indices = @transform_2, window_bounds = array<i64: 2000, 128>}]} {
    %get3A = arith.constant 0 : index
    %get3A_0 = arith.constant 0 : index
    %get3A_1 = vector.load %arg2[%get3A, %get3A_0] : memref<2000x128xf32, #tpu.memory_space<vmem>>, vector<2000x128xf32>
    %get3A_2 = arith.constant 0 : index
    %get3A_3 = arith.constant 0 : index
    %get3A_4 = arith.constant 0 : index
    %get3A_5 = vector.load %arg3[%get3A_2, %get3A_3, %get3A_4] : memref<1x128x128xf32, #tpu.memory_space<vmem>>, vector<1x128x128xf32>
    %get3A_6 = vector.shape_cast %get3A_5 : vector<1x128x128xf32> to vector<128x128xf32>
    %dot_general3A = arith.constant dense<0.000000e+00> : vector<2000x128xf32>
    %dot_general3A_7 = tpu.matmul %get3A_1, %get3A_6, %dot_general3A {dimension_numbers = #tpu.dot_dimension_numbers<[1], [0], [0], [1], [0, 0, 1, 1], [], []>, transpose_lhs_hint = false} : vector<2000x128xf32>, vector<128x128xf32>, vector<2000x128xf32> -> vector<2000x128xf32>
    %swap3A = arith.constant 0 : index
    %swap3A_8 = arith.constant 0 : index
    %swap3A_9 = vector.load %arg4[%swap3A, %swap3A_8] : memref<2000x128xf32, #tpu.memory_space<vmem>>, vector<2000x128xf32>
    tpu.vector_store %arg4[%swap3A, %swap3A_8], %dot_general3A_7 {strides = array<i32>} : memref<2000x128xf32, #tpu.memory_space<vmem>>, vector<2000x128xf32>,
    return
  }
  func.func @transform_0(%arg0: i32, %arg1: i32) -> (i32, i32) {
    %c0_i32 = arith.constant 0 : i32
    %c0_i32_0 = arith.constant 0 : i32
    return %arg1, %c0_i32 : i32, i32
  }
  func.func @transform_1(%arg0: i32, %arg1: i32) -> (i32, i32, i32) {
    %c0_i32 = arith.constant 0 : i32
    %c0_i32_0 = arith.constant 0 : i32
    %c0_i32_1 = arith.constant 0 : i32
    return %arg0, %c0_i32, %c0_i32_0 : i32, i32, i32
  }
  func.func @transform_2(%arg0: i32, %arg1: i32) -> (i32, i32) {
    %mul3A = arith.constant 5 : i32
    %mul3A_0 = arith.muli %arg0, %mul3A : i32
    %add3A = arith.addi %mul3A_0, %arg1 : i32
    %c0_i32 = arith.constant 0 : i32
    %c0_i32_1 = arith.constant 0 : i32
    return %add3A, %c0_i32 : i32, i32
  }
}

module attributes {stable_mosaic.version = 14 : i64} {
  func.func @_k3_body(%arg0: i32, %arg1: memref<2000x128xf32, #tpu.memory_space<vmem>>, %arg2: memref<2000x4xf32, #tpu.memory_space<vmem>>, %arg3: memref<4x128x128xf32, #tpu.memory_space<vmem>>, %arg4: memref<4x128xf32, #tpu.memory_space<vmem>>, %arg5: memref<2x2000x64xf32, #tpu.memory_space<vmem>>, %arg6: memref<2000x8xf32, #tpu.memory_space<vmem>>, %arg7: memref<8x128xf32, #tpu.memory_space<vmem>>, %arg8: memref<2000x128xf32, #tpu.memory_space<vmem>>) attributes {dimension_semantics = [#tpu.dimension_semantics<arbitrary>], iteration_bounds = array<i64: 5>, scalar_prefetch = 0 : i64, scratch_operands = 0 : i64, tpu.core_type = #tpu.core_type<tc>, window_params = [{transform_indices = @transform_0, window_bounds = array<i64: 2000, 128>}, {transform_indices = @transform_1, window_bounds = array<i64: 2000, 4>}, {pipeline_mode = #tpu.pipeline_mode<synchronous>, transform_indices = @transform_2, window_bounds = array<i64: 4, 128, 128>}, {pipeline_mode = #tpu.pipeline_mode<synchronous>, transform_indices = @transform_3, window_bounds = array<i64: 4, 128>}, {transform_indices = @transform_4, window_bounds = array<i64: 2, 2000, 64>}, {transform_indices = @transform_5, window_bounds = array<i64: 2000, 8>}, {pipeline_mode = #tpu.pipeline_mode<synchronous>, transform_indices = @transform_6, window_bounds = array<i64: 8, 128>}, {transform_indices = @transform_7, window_bounds = array<i64: 2000, 128>}]} {
    %get3A = arith.constant 0 : index
    %get3A_0 = arith.constant 0 : index
    %get3A_1 = vector.load %arg1[%get3A, %get3A_0] : memref<2000x128xf32, #tpu.memory_space<vmem>>, vector<2000x128xf32>
    %get3A_2 = arith.constant 0 : index
    %get3A_3 = arith.constant 0 : index
    %get3A_4 = vector.load %arg2[%get3A_2, %get3A_3] : memref<2000x4xf32, #tpu.memory_space<vmem>>, vector<2000x4xf32>
    %get3A_5 = arith.constant 0 : index
    %get3A_6 = arith.constant 0 : index
    %get3A_7 = arith.constant 0 : index
    %get3A_8 = vector.load %arg5[%get3A_5, %get3A_6, %get3A_7] : memref<2x2000x64xf32, #tpu.memory_space<vmem>>, vector<1x2000x64xf32>
    %get3A_9 = vector.shape_cast %get3A_8 : vector<1x2000x64xf32> to vector<2000x64xf32>
    %get3A_10 = arith.constant 1 : index
    %get3A_11 = arith.constant 0 : index
    %get3A_12 = arith.constant 0 : index
    %get3A_13 = vector.load %arg5[%get3A_10, %get3A_11, %get3A_12] : memref<2x2000x64xf32, #tpu.memory_space<vmem>>, vector<1x2000x64xf32>
    %get3A_14 = vector.shape_cast %get3A_13 : vector<1x2000x64xf32> to vector<2000x64xf32>
    %concatenate3A = tpu.concatenate %get3A_9, %get3A_14 in 1 : vector<2000x64xf32>, vector<2000x64xf32> -> vector<2000x128xf32>
    %get3A_15 = arith.constant 0 : index
    %get3A_16 = arith.constant 0 : index
    %get3A_17 = vector.load %arg4[%get3A_15, %get3A_16] : memref<4x128xf32, #tpu.memory_space<vmem>>, vector<4x128xf32>
    %dot_general3A = arith.constant dense<0.000000e+00> : vector<2000x128xf32>
    %dot_general3A_18 = tpu.matmul %get3A_4, %get3A_17, %dot_general3A {dimension_numbers = #tpu.dot_dimension_numbers<[1], [0], [0], [1], [0, 0, 1, 1], [], []>, transpose_lhs_hint = false} : vector<2000x4xf32>, vector<4x128xf32>, vector<2000x128xf32> -> vector<2000x128xf32>
    %add3A = arith.addf %concatenate3A, %dot_general3A_18 : vector<2000x128xf32>
    %get3A_19 = arith.constant 0 : index
    %get3A_20 = arith.constant 0 : index
    %get3A_21 = vector.load %arg6[%get3A_19, %get3A_20] : memref<2000x8xf32, #tpu.memory_space<vmem>>, vector<2000x8xf32>
    %gt3A = arith.constant 0.000000e+00 : f32
    %gt3A_22 = vector.broadcast %gt3A : f32 to vector<2000x8xf32>
    %gt3A_23 = arith.cmpf ogt, %get3A_21, %gt3A_22 : vector<2000x8xf32>
    %convert_element_type3A = arith.extui %gt3A_23 : vector<2000x8xi1> to vector<2000x8xi32>
    %convert_element_type3A_24 = arith.sitofp %convert_element_type3A : vector<2000x8xi32> to vector<2000x8xf32>
    %get3A_25 = arith.constant 0 : index
    %get3A_26 = arith.constant 0 : index
    %get3A_27 = vector.load %arg7[%get3A_25, %get3A_26] : memref<8x128xf32, #tpu.memory_space<vmem>>, vector<8x128xf32>
    %dot_general3A_28 = arith.constant dense<0.000000e+00> : vector<2000x128xf32>
    %dot_general3A_29 = tpu.matmul %convert_element_type3A_24, %get3A_27, %dot_general3A_28 {dimension_numbers = #tpu.dot_dimension_numbers<[1], [0], [0], [1], [0, 0, 1, 1], [], []>, transpose_lhs_hint = false} : vector<2000x8xf32>, vector<8x128xf32>, vector<2000x128xf32> -> vector<2000x128xf32>
    %add3A_30 = arith.addf %add3A, %dot_general3A_29 : vector<2000x128xf32>
    %slice3A = vector.extract_strided_slice %get3A_4 {offsets = [0, 0], sizes = [2000, 1], strides = [1, 1]} : vector<2000x4xf32> to vector<2000x1xf32>
    %get3A_31 = arith.constant 0 : index
    %get3A_32 = arith.constant 0 : index
    %get3A_33 = arith.constant 0 : index
    %get3A_34 = vector.load %arg3[%get3A_31, %get3A_32, %get3A_33] : memref<4x128x128xf32, #tpu.memory_space<vmem>>, vector<1x128x128xf32>
    %get3A_35 = vector.shape_cast %get3A_34 : vector<1x128x128xf32> to vector<128x128xf32>
    %dot_general3A_36 = arith.constant dense<0.000000e+00> : vector<2000x128xf32>
    %dot_general3A_37 = tpu.matmul %get3A_1, %get3A_35, %dot_general3A_36 {dimension_numbers = #tpu.dot_dimension_numbers<[1], [0], [0], [1], [0, 0, 1, 1], [], []>, transpose_lhs_hint = false} : vector<2000x128xf32>, vector<128x128xf32>, vector<2000x128xf32> -> vector<2000x128xf32>
    %mul3A = vector.broadcast %slice3A : vector<2000x1xf32> to vector<2000x128xf32>
    %mul3A_38 = arith.mulf %mul3A, %dot_general3A_37 : vector<2000x128xf32>
    %add3A_39 = arith.addf %add3A_30, %mul3A_38 : vector<2000x128xf32>
    %slice3A_40 = vector.extract_strided_slice %get3A_4 {offsets = [0, 1], sizes = [2000, 1], strides = [1, 1]} : vector<2000x4xf32> to vector<2000x1xf32>
    %get3A_41 = arith.constant 1 : index
    %get3A_42 = arith.constant 0 : index
    %get3A_43 = arith.constant 0 : index
    %get3A_44 = vector.load %arg3[%get3A_41, %get3A_42, %get3A_43] : memref<4x128x128xf32, #tpu.memory_space<vmem>>, vector<1x128x128xf32>
    %get3A_45 = vector.shape_cast %get3A_44 : vector<1x128x128xf32> to vector<128x128xf32>
    %dot_general3A_46 = arith.constant dense<0.000000e+00> : vector<2000x128xf32>
    %dot_general3A_47 = tpu.matmul %get3A_1, %get3A_45, %dot_general3A_46 {dimension_numbers = #tpu.dot_dimension_numbers<[1], [0], [0], [1], [0, 0, 1, 1], [], []>, transpose_lhs_hint = false} : vector<2000x128xf32>, vector<128x128xf32>, vector<2000x128xf32> -> vector<2000x128xf32>
    %mul3A_48 = vector.broadcast %slice3A_40 : vector<2000x1xf32> to vector<2000x128xf32>
    %mul3A_49 = arith.mulf %mul3A_48, %dot_general3A_47 : vector<2000x128xf32>
    %add3A_50 = arith.addf %add3A_39, %mul3A_49 : vector<2000x128xf32>
    %slice3A_51 = vector.extract_strided_slice %get3A_4 {offsets = [0, 2], sizes = [2000, 1], strides = [1, 1]} : vector<2000x4xf32> to vector<2000x1xf32>
    %get3A_52 = arith.constant 2 : index
    %get3A_53 = arith.constant 0 : index
    %get3A_54 = arith.constant 0 : index
    %get3A_55 = vector.load %arg3[%get3A_52, %get3A_53, %get3A_54] : memref<4x128x128xf32, #tpu.memory_space<vmem>>, vector<1x128x128xf32>
    %get3A_56 = vector.shape_cast %get3A_55 : vector<1x128x128xf32> to vector<128x128xf32>
    %dot_general3A_57 = arith.constant dense<0.000000e+00> : vector<2000x128xf32>
    %dot_general3A_58 = tpu.matmul %get3A_1, %get3A_56, %dot_general3A_57 {dimension_numbers = #tpu.dot_dimension_numbers<[1], [0], [0], [1], [0, 0, 1, 1], [], []>, transpose_lhs_hint = false} : vector<2000x128xf32>, vector<128x128xf32>, vector<2000x128xf32> -> vector<2000x128xf32>
    %mul3A_59 = vector.broadcast %slice3A_51 : vector<2000x1xf32> to vector<2000x128xf32>
    %mul3A_60 = arith.mulf %mul3A_59, %dot_general3A_58 : vector<2000x128xf32>
    %add3A_61 = arith.addf %add3A_50, %mul3A_60 : vector<2000x128xf32>
    %slice3A_62 = vector.extract_strided_slice %get3A_4 {offsets = [0, 3], sizes = [2000, 1], strides = [1, 1]} : vector<2000x4xf32> to vector<2000x1xf32>
    %get3A_63 = arith.constant 3 : index
    %get3A_64 = arith.constant 0 : index
    %get3A_65 = arith.constant 0 : index
    %get3A_66 = vector.load %arg3[%get3A_63, %get3A_64, %get3A_65] : memref<4x128x128xf32, #tpu.memory_space<vmem>>, vector<1x128x128xf32>
    %get3A_67 = vector.shape_cast %get3A_66 : vector<1x128x128xf32> to vector<128x128xf32>
    %dot_general3A_68 = arith.constant dense<0.000000e+00> : vector<2000x128xf32>
    %dot_general3A_69 = tpu.matmul %get3A_1, %get3A_67, %dot_general3A_68 {dimension_numbers = #tpu.dot_dimension_numbers<[1], [0], [0], [1], [0, 0, 1, 1], [], []>, transpose_lhs_hint = false} : vector<2000x128xf32>, vector<128x128xf32>, vector<2000x128xf32> -> vector<2000x128xf32>
    %mul3A_70 = vector.broadcast %slice3A_62 : vector<2000x1xf32> to vector<2000x128xf32>
    %mul3A_71 = arith.mulf %mul3A_70, %dot_general3A_69 : vector<2000x128xf32>
    %add3A_72 = arith.addf %add3A_61, %mul3A_71 : vector<2000x128xf32>
    %max3A = arith.constant 0.000000e+00 : f32
    %max3A_73 = vector.broadcast %max3A : f32 to vector<2000x128xf32>
    %max3A_74 = arith.maximumf %add3A_72, %max3A_73 : vector<2000x128xf32>
    %swap3A = arith.constant 0 : index
    %swap3A_75 = arith.constant 0 : index
    %swap3A_76 = vector.load %arg8[%swap3A, %swap3A_75] : memref<2000x128xf32, #tpu.memory_space<vmem>>, vector<2000x128xf32>
    tpu.vector_store %arg8[%swap3A, %swap3A_75], %max3A_74 {strides = array<i32>} : memref<2000x128xf32, #tpu.memory_space<vmem>>, vector<2000x128xf32>,
    return
  }
  func.func @transform_0(%arg0: i32) -> (i32, i32) {
    %c0_i32 = arith.constant 0 : i32
    %c0_i32_0 = arith.constant 0 : i32
    return %arg0, %c0_i32 : i32, i32
  }
  func.func @transform_1(%arg0: i32) -> (i32, i32) {
    %c0_i32 = arith.constant 0 : i32
    %c0_i32_0 = arith.constant 0 : i32
    return %arg0, %c0_i32 : i32, i32
  }
  func.func @transform_2(%arg0: i32) -> (i32, i32, i32) {
    %c0_i32 = arith.constant 0 : i32
    %c0_i32_0 = arith.constant 0 : i32
    %c0_i32_1 = arith.constant 0 : i32
    %c0_i32_2 = arith.constant 0 : i32
    return %c0_i32, %c0_i32_0, %c0_i32_1 : i32, i32, i32
  }
  func.func @transform_3(%arg0: i32) -> (i32, i32) {
    %c0_i32 = arith.constant 0 : i32
    %c0_i32_0 = arith.constant 0 : i32
    %c0_i32_1 = arith.constant 0 : i32
    return %c0_i32, %c0_i32_0 : i32, i32
  }
  func.func @transform_4(%arg0: i32) -> (i32, i32, i32) {
    %c0_i32 = arith.constant 0 : i32
    %c0_i32_0 = arith.constant 0 : i32
    %c0_i32_1 = arith.constant 0 : i32
    return %c0_i32, %arg0, %c0_i32_0 : i32, i32, i32
  }
  func.func @transform_5(%arg0: i32) -> (i32, i32) {
    %c0_i32 = arith.constant 0 : i32
    %c0_i32_0 = arith.constant 0 : i32
    return %arg0, %c0_i32 : i32, i32
  }
  func.func @transform_6(%arg0: i32) -> (i32, i32) {
    %c0_i32 = arith.constant 0 : i32
    %c0_i32_0 = arith.constant 0 : i32
    %c0_i32_1 = arith.constant 0 : i32
    return %c0_i32, %c0_i32_0 : i32, i32
  }
  func.func @transform_7(%arg0: i32) -> (i32, i32) {
    %c0_i32 = arith.constant 0 : i32
    %c0_i32_0 = arith.constant 0 : i32
    return %arg0, %c0_i32 : i32, i32
  }
}

</mosaic_0001>

<sc_bundles>
// kernel: kernel.5.cloned.1.call-start
scs
__scs_entry_jumppad:
0x0: {  	(pc) =	sbr.rel $0x88, $3  }
0x1: {  	(tag) =	ssettag $0x0;
	lr =	simm.s32 $0x1  }
0x2: {  	[smem:$0x3F99] =	sst lr;
	_ =	strace $0xD0000000  }
0x3: {  	_ = 	snop  }
0x4: {  	_ = 	snop  }
0x5: {  	_ = 	snop  }
0x6: {  	_ = 	snop  }
0x7: {  	_ = 	snop  }
__scs_overlays_trampoline_lowered:
0x8: {  	[smem:$0x3FA8] =	sst s0  }
0x9: {  	[smem:$0x3FA9] =	sst s1  }
0xa: {  	[smem:$0x3FAA] =	sst s2  }
0xb: {  	[smem:$0x3FAB] =	sst s3  }
0xc: {  	[smem:$0x3FAC] =	sst s4  }
0xd: {  	[smem:$0x3FAD] =	sst s5  }
0xe: {  	[smem:$0x3FAE] =	sst s6  }
0xf: {  	[smem:$0x3FAF] =	sst s7  }
0x10: {  	[smem:$0x3FB0] =	sst s8  }
0x11: {  	[smem:$0x3FB1] =	sst s9;
	s0 =	simm.s32 @!p0 $0x0  }
0x12: {  	s1 =	sld [smem:$0x3F97];
	s0 =	simm.s32 @p0 $0x1  }
0x13: {  	[smem:$0x3FB2] =	sst s0;
	s0 =	simm.s32 @!p1 $0x0  }
0x14: {  	s2 =	sld [smem:$0x3F96];
	s0 =	simm.s32 @p1 $0x1  }
0x15: {  	[smem:$0x3FB3] =	sst s0;
	s0 =	simm.s32 @!p2 $0x0  }
0x16: {  	s3 =	sld [smem:$0x3FDB];
	s0 =	simm.s32 @p2 $0x1  }
0x17: {  	s4 =	simm.s32 $0x1BF5;
	[smem:$0x3FB5] =	sst s0  }
0x18: {  	s0 =	sld [smem:$0x3F98];
	_ =	swait.ge [sflag:s4], $0x0  }
0x19: {  	s7 =	sld [smem:$0x3F99]  }
0x1a: {  	s8 =	sadd.s32 $0xFFFFE003, lr  }
0x1b: {  	s9 =	sadd.s32 $0xFFFFFEF7, lr;
	s5 =	simm.s32 $0xFFFFFFFF;
	p2 =	slt.u32 s8, $0xFFFFF086  }
0x1c: {  	p1 =	slt.u32 s9, $0xF7A;
	s5 =	simm.s32 @!p2 $0x0  }
0x1d: {  	s5 =	simm.s32 @p1 $0x1;
	p0 =	seq.s32 s7, s2  }
0x1e: {  	s7 =	smul.u32 @!p0 $0xF7A, s2;
	p2 =	seq.s32 @!p0 s5, $0x0  }
0x1f: {  	s9 =	smul.u32 $0xF7A, s1;
	s8 =	simm.s32 @!p0 $0x1BF5;
	p2 =	por !p2, p0  }
0x20: {  	[sflag:s8] =	ssyncset.s32 @!p0 $0xFFFFF086;
	s6 =	sadd.s32 @!p0 s3, s7;
	s7 =	simm.s32 @!p0 $0x108  }
0x21: {  	s3 =	sadd.s32 s3, s9;
	s6 =	sadd.s32 @!p0 $0x88, s6;
	s7 =	simm.s32 @p2 $0x1082  }
0x22: {  	[simem:s7], [sflag:s8] =	dma.local @!p0 [hbm:s6], $0xF7A  }
0x23: {  	s9 =	sor.u32 $0xD0000000, s2;
	s6 =	simm.s32 $0x108;
	_ =	swait.ge @!p0 [sflag:s8], $0x0  }
0x24: {  	s3 =	sadd.s32 $0x88, s3;
	s6 =	simm.s32 @!p1 $0x1082;
	[sflag:s4] =	ssyncset.s32 $0xFFFFF086  }
0x25: {  	[simem:s6], [sflag:s4] =	dma.local [hbm:s3], $0xF7A  }
0x26: {  	[smem:$0x3F99] =	sst s1;
	(tag) =	ssettag s2;
	_ =	strace s9  }
0x27: {  	s1 =	sld [smem:$0x3FA9]  }
0x28: {  	s2 =	sld [smem:$0x3FAA]  }
0x29: {  	s4 =	sld [smem:$0x3FAC]  }
0x2a: {  	p0 =	seq.s32 s5, $0x0;
	s5 =	sld [smem:$0x3FAD]  }
0x2b: {  	s6 =	sld [smem:$0x3FAE]  }
0x2c: {  	s7 =	sld [smem:$0x3FAF]  }
0x2d: {  	s3 =	simm.s32 $0x108;
	s8 =	sld [smem:$0x3FB0]  }
0x2e: {  	s3 =	simm.s32 @!p0 $0x1082;
	s9 =	sld [smem:$0x3FB1]  }
0x2f: {  	lr =	sadd.s32 s0, s3;
	s0 =	sld [smem:$0x3FA8]  }
0x30: {  	s3 =	sld [smem:$0x3FAB]  }
0x31: {  	[smem:$0x3FB4] =	sst s10  }
0x32: {  	s10 =	sld [smem:$0x3FB2];
	_ =	sdelay $0x3  }
0x33: {  	p0 =	seq.s32 s10, $0x1;
	s10 =	sld [smem:$0x3FB4];
	_ =	sdelay $0x3  }
0x34: {  	[smem:$0x3FB4] =	sst s10  }
0x35: {  	s10 =	sld [smem:$0x3FB3];
	_ =	sdelay $0x3  }
0x36: {  	p1 =	seq.s32 s10, $0x1;
	s10 =	sld [smem:$0x3FB4];
	_ =	sdelay $0x3  }
0x37: {  	[smem:$0x3FB4] =	sst s10  }
0x38: {  	s10 =	sld [smem:$0x3FB5]  }
0x39: {  	_ = 	snop;
	(pc) =	sbr.ind lr, $3  }
0x3a: {  	_ = 	snop  }
0x3b: {  	_ = 	snop  }
0x3c: {  	p2 =	seq.s32 s10, $0x1;
	s10 =	sld [smem:$0x3FB4]  }
0x3d: {  	_ =	shalt  }
0x3e: {  	_ =	shalt  }
0x3f: {  	_ =	shalt  }
0x40: {  	_ =	shalt  }
0x41: {  	_ =	shalt  }
0x42: {  	_ =	shalt  }
0x43: {  	_ =	shalt  }
0x44: {  	_ =	shalt  }
0x45: {  	_ =	shalt  }
0x46: {  	_ =	shalt  }
0x47: {  	_ =	shalt  }
0x48: {  	_ =	shalt  }
0x49: {  	_ =	shalt  }
0x4a: {  	_ =	shalt  }
0x4b: {  	_ =	shalt  }
0x4c: {  	_ =	shalt  }
0x4d: {  	_ =	shalt  }
0x4e: {  	_ =	shalt  }
0x4f: {  	_ =	shalt  }
0x50: {  	_ =	shalt  }
0x51: {  	_ =	shalt  }
0x52: {  	_ =	shalt  }
0x53: {  	_ =	shalt  }
0x54: {  	_ =	shalt  }
0x55: {  	_ =	shalt  }
0x56: {  	_ =	shalt  }
0x57: {  	_ =	shalt  }
0x58: {  	_ =	shalt  }
0x59: {  	_ =	shalt  }
0x5a: {  	_ =	shalt  }
0x5b: {  	_ =	shalt  }
0x5c: {  	_ =	shalt  }
0x5d: {  	_ =	shalt  }
0x5e: {  	_ =	shalt  }
0x5f: {  	_ =	shalt  }
0x60: {  	_ =	shalt  }
0x61: {  	_ =	shalt  }
0x62: {  	_ =	shalt  }
0x63: {  	_ =	shalt  }
0x64: {  	_ =	shalt  }
0x65: {  	_ =	shalt  }
0x66: {  	_ =	shalt  }
0x67: {  	_ =	shalt  }
0x68: {  	_ =	shalt  }
0x69: {  	_ =	shalt  }
0x6a: {  	_ =	shalt  }
0x6b: {  	_ =	shalt  }
0x6c: {  	_ =	shalt  }
0x6d: {  	_ =	shalt  }
0x6e: {  	_ =	shalt  }
0x6f: {  	_ =	shalt  }
0x70: {  	_ =	shalt  }
0x71: {  	_ =	shalt  }
0x72: {  	_ =	shalt  }
0x73: {  	_ =	shalt  }
0x74: {  	_ =	shalt  }
0x75: {  	_ =	shalt  }
0x76: {  	_ =	shalt  }
0x77: {  	_ =	shalt  }
0x78: {  	_ =	shalt  }
0x79: {  	_ =	shalt  }
0x7a: {  	_ =	shalt  }
0x7b: {  	_ =	shalt  }
0x7c: {  	_ =	shalt  }
0x7d: {  	_ =	shalt  }
0x7e: {  	_ =	shalt  }
0x7f: {  	_ =	shalt  }
0x80: {  	_ =	shalt  }
0x81: {  	_ =	shalt  }
0x82: {  	_ =	shalt  }
0x83: {  	_ =	shalt  }
0x84: {  	_ =	shalt  }
0x85: {  	_ =	shalt  }
0x86: {  	_ =	shalt  }
0x87: {  	_ =	shalt  }
.Lfunc_end0:
.L_simem_size_0:
called_computation_lowered:
.L_overlay_start_0:
0x88: {  	s2 =	sld [smem:$0x3FD9]  }
0x89: {  	s3 =	sld [smem:$0x3FFE];
	_ =	sdelay $0x1  }
0x8a: {  	s1 =	srdreg.scid  }
0x8b: {  	s0 =	sand.u32 $0x1, s1  }
0x8c: {  	s17 =	sshll.u32 s0, $0xA;
	s2 =	sadd.s32 s3, s2  }
0x8d: {  	s2 =	sadd.s32 s2, s17  }
0x8e: {  	[smem:$0x3FC0] =	sst s2  }
0x8f: {  	_ = 	snop  }
0x90: {  	s2 =	sld [smem:$0x3FD0];
	(tm) =	ssettm $0x1  }
0x91: {  	s18 =	sld [smem:$0x3FFB];
	_ =	sdelay $0x3  }
0x92: {  	_ =	strace s18  }
0x93: {  	s3 =	sld [smem:$0x3FFC];
	_ =	sdelay $0x3  }
0x94: {  	_ =	strace s3  }
0x95: {  	s3 =	sld [smem:$0x3FFD];
	_ =	sdelay $0x3  }
0x96: {  	_ =	strace s3  }
0x97: {  	_ =	strace $0x8FFFFFFF  }
0x98: {  	s19 =	sld [smem:$0x3FDB];
	_ =	sdelay $0x1  }
0x99: {  	s4 =	simm.s32 $_scs_section_size  }
0x9a: {  	s5 =	simm.s32 $_size__tile_overlayer_lowered;
	s6 =	simm.s32 $_tile_overlayer_lowered  }
0x9b: {  	s22 =	simm.s32 $0x1BFF;
	s21 =	sshll.u32 s6, $0x1;
	s3 =	sadd.s32 s4, s19  }
0x9c: {  	s7 =	simm.s32 $0x0;
	s20 =	sshll.u32 s5, $0x1;
	s5 =	sadd.s32 s21, s3  }
0x9d: {  	[timem:s7], [sflag:s22] =	dma.local [hbm:s5], s20  }
0x9e: {  	_ =	swait.ge [sflag:s22], s20  }
0x9f: {  	s4 =	ssub.s32 $0x0, s20;
	[sflag:s22] =	ssyncset.done $0x0  }
0xa0: {  	[sflag:s22] =	ssyncadd.s32 s4;
	_ =	sdelay $0x1  }
0xa1: {  	s23 =	simm.s32 $0x1B8B  }
0xa2: {  	_ =	swait.ge [sflag:s23], $0x1  }
0xa3: {  	[sflag:s23] =	ssyncset.done $0x0  }
0xa4: {  	s25 =	simm.s32 $0x1B8E;
	s24 =	sld [smem:$0x3FFE];
	[sflag:s23] =	ssyncadd.s32 $0xFFFFFFFF  }
0xa5: {  	s26 =	simm.s32 $execute0_lowered;
	[smem:$0x3FD2] =	sst s25  }
0xa6: {  	s5 =	sshll.u32 s26, $0x1;
	_ =	strace $0x80000046;
	[dreg:$0x1] =	wrdreg $0xFFFFFFFF  }
0xa7: {  	s28 =	simm.s32 $_size_execute0_lowered;
	s3 =	sadd.s32 s3, s5;
	[dreg:$0x0] =	wrdreg $0x0  }
0xa8: {  	s5 =	sshll.u32 s28, $0x1;
	[dreg:$0x2] =	wrdreg s3  }
0xa9: {  	[dreg:$0x3] =	wrdreg s5  }
0xaa: {  	[dreg:$0x4] =	wrdreg $0xC0  }
0xab: {  	_ =	task [dreg:s7], $0x5FFFF  }
0xac: {  	[dreg:$0x1] =	wrdreg $0xFFFFFFFF  }
0xad: {  	[dreg:$0x0] =	wrdreg $0x60  }
0xae: {  	[dreg:$0x2] =	wrdreg s2  }
0xaf: {  	[dreg:$0x3] =	wrdreg s24  }
0xb0: {  	[dreg:$0x4] =	wrdreg $0x7E900  }
0xb1: {  	[dreg:$0x5] =	wrdreg $0x6B000  }
0xb2: {  	[dreg:$0x6] =	wrdreg $0x9  }
0xb3: {  	_ =	task.clear_ibuf [dreg:s7], $0x7FFFF;
	_ =	strace $0x90000046  }
0xb4: {  	s29 =	simm.s32 $0x9;
	_ =	strace $0x80000048  }
0xb5: {  	_ =	swait.ge [sflag:s29], $0x1  }
0xb6: {  	[sflag:s29] =	ssyncadd.s32 $0xFFFFFFFF  }
0xb7: {  	_ =	strace $0x90000048  }
0xb8: {  	_ =	sfence  }
0xb9: {  	s30 =	sld [smem:$0x0];
	_ =	sdelay $0x2  }
0xba: {  	s31 =	sshll.u32 s1, $0xD;
	s1 =	sshrl.u32 s1, $0x2  }
0xbb: {  	s3 =	sand.u32 $0x4000, s31;
	s1 =	sadd.s32 s1, s30  }
0xbc: {  	s0 =	sor.u32 s3, s0;
	s1 =	sshll.u32 s1, $0x11  }
0xbd: {  	s0 =	sor.u32 s1, s0  }
0xbe: {  	s0 =	sadd.s32 $0x8F2B, s0  }
0xbf: {  	[sflag:s0] =	ssyncadd.remote.s32 $0x1  }
0xc0: {  	_ =	sfence.sel $0xFFFF  }
0xc1: {  	[dreg:$0x0] =	wrdreg $0xFFFFFFFF;
	(pc) =	sbr.abs _section_cstart, $3  }
0xc2: {  	[dreg:$0x1] =	wrdreg $0xFFFFFFFF  }
0xc3: {  	_ =	task.clear_ibuf [dreg:s7], $0x2FFFF;
	_ =	strace $0x9FFFFFFF  }
0xc4: {  	(tm) =	ssettm $0x7FFFFFFF  }
0xc5: {  	_ =	shalt  }
tec
execute0_lowered:
.L_overlay_start_1:
0x0: {  	(tag) =	ssettag $0x1  }
0x1: {  	s1 =	rddreg [dreg:$0x0];
	s0 =	srdreg.scid  }
0x2: {  	s4 =	rddreg [dreg:$0x1];
	s24 =	stileid.u32  }
0x3: {  	s2 =	simm.s32 $0x0;
	s3 =	sand.u32 $0x1, s0;
	s7 =	smul.u32 $0x13800, s24  }
0x4: {  	[smem:$0x7FF] =	sst s2;
	s8 =	sadd.s32 $0x13C400, s4;
	s0 =	ssub.s32 $0x2, s3  }
0x5: {  	s5 =	smul.u32 $0x138800, s3;
	s6 =	sshrl.u32 s0, $0x1;
	s9 =	sadd.s32 $0x2000, s7  }
0x6: {  	s10 =	sadd.s32 $0x4000, s7;
	s13 =	sadd.s32 $0x8000, s7;
	s15 =	sadd.s32 $0xA000, s7  }
0x7: {  	s0 =	ssub.s32 s0, s6;
	s16 =	sadd.s32 s7, s5;
	s11 =	sadd.s32 s5, s9  }
0x8: {  	s12 =	sadd.s32 s5, s10;
	s21 =	sadd.s32 s5, s13;
	s14 =	sadd.s32 s5, s15  }
0x9: {  	s6 =	sshrl.u32 s16, $0x3;
	s17 =	sshrl.u32 s11, $0x3;
	s18 =	sshrl.u32 s12, $0x3  }
0xa: {  	s11 =	sadd.s32 $0x6000, s7;
	s22 =	sshrl.u32 s21, $0x3;
	s6 =	sadd.s32 s8, s6  }
0xb: {  	s23 =	sshrl.u32 s14, $0x3;
	s19 =	sadd.s32 s8, s18;
	[dreg:$0x5] =	wrdreg s6  }
0xc: {  	s20 =	sadd.s32 s5, s11;
	s25 =	sadd.s32 s8, s23;
	[dreg:$0x7] =	wrdreg s19  }
0xd: {  	s18 =	sadd.s32 $0xC000, s7;
	s6 =	sadd.s32 s8, s17;
	[dreg:$0xa] =	wrdreg s25  }
0xe: {  	s26 =	sadd.s32 s5, s18;
	[dreg:$0x6] =	wrdreg s6;
	s6 =	sshrl.u32 s20, $0x3  }
0xf: {  	s19 =	sadd.s32 $0xE000, s7;
	s12 =	sshrl.u32 s26, $0x3;
	s6 =	sadd.s32 s8, s6  }
0x10: {  	s31 =	sadd.s32 s5, s19;
	s12 =	sadd.s32 s8, s12;
	[dreg:$0x8] =	wrdreg s6  }
0x11: {  	s14 =	sshrl.u32 s31, $0x3;
	s6 =	sadd.s32 s8, s22;
	[dreg:$0xb] =	wrdreg s12  }
0x12: {  	s12 =	sadd.s32 s8, s14;
	[dreg:$0x9] =	wrdreg s6;
	s6 =	sadd.s32 $0x10000, s7  }
0x13: {  	s14 =	rddreg [dreg:$0x3];
	s7 =	sadd.s32 $0x12000, s7;
	s16 =	sadd.s32 s5, s6  }
0x14: {  	[dreg:$0xc] =	wrdreg s12;
	s21 =	sadd.s32 s5, s7;
	s17 =	sshrl.u32 s16, $0x3  }
0x15: {  	s12 =	rddreg [dreg:$0x2];
	s22 =	sshrl.u32 s21, $0x3;
	s20 =	sadd.s32 s8, s17  }
0x16: {  	s16 =	sadd.s32 s8, s22;
	[dreg:$0xd] =	wrdreg s20  }
0x17: {  	s9 =	sadd.s32 s9, s12;
	[dreg:$0xe] =	wrdreg s16  }
0x18: {  	s10 =	sadd.s32 s10, s12;
	_ =	strace $0x80000047;
	[dreg:$0x11] =	wrdreg s9  }
0x19: {  	s11 =	sadd.s32 s11, s12;
	[dreg:$0x12] =	wrdreg s10  }
0x1a: {  	s5 =	sshrl.u32 s5, $0x3;
	s16 =	sadd.s32 s13, s12;
	[dreg:$0x13] =	wrdreg s11  }
0x1b: {  	s18 =	sadd.s32 s18, s12;
	s5 =	sadd.s32 s8, s5;
	[dreg:$0x14] =	wrdreg s16  }
0x1c: {  	s22 =	sadd.s32 $0x24900, s5;
	[dreg:$0x16] =	wrdreg s18  }
0x1d: {  	s17 =	smul.u32 $0x4E40, s24;
	s13 =	sadd.s32 $0x26500, s5;
	[dreg:$0x18] =	wrdreg s22  }
0x1e: {  	s0 =	smax.u32 s0, $0x1;
	[dreg:$0x1f] =	wrdreg s13  }
0x1f: {  	s23 =	sshrl.u32 s17, $0x2;
	s17 =	sadd.s32 s15, s12;
	[smem:$0x7FA] =	sst s0  }
0x20: {  	s10 =	sadd.s32 $0x25D00, s5;
	[dreg:$0x15] =	wrdreg s17  }
0x21: {  	s11 =	sadd.s32 $0x26100, s5;
	[dreg:$0x1d] =	wrdreg s10  }
0x22: {  	s15 =	sadd.s32 $0x26900, s5;
	[dreg:$0x1e] =	wrdreg s11  }
0x23: {  	s9 =	sadd.s32 $0x124800, s12;
	[smem:$0x7E2] =	sst s15  }
0x24: {  	s13 =	sadd.s32 $0x128800, s12;
	[smem:$0x7EF] =	sst s9  }
0x25: {  	s8 =	sadd.s32 s23, s14;
	[smem:$0x7F2] =	sst s13  }
0x26: {  	s21 =	smul.u32 $0x4E000, s24;
	s23 =	sadd.s32 $0x24D00, s5;
	[dreg:$0xf] =	wrdreg s8  }
0x27: {  	s20 =	smul.u32 $0x1390, s24;
	s10 =	sadd.s32 $0x126800, s12;
	[dreg:$0x19] =	wrdreg s23  }
0x28: {  	s25 =	sshrl.u32 s21, $0x2;
	s11 =	sadd.s32 s6, s12;
	[smem:$0x7F0] =	sst s10  }
0x29: {  	s26 =	sshrl.u32 s20, $0x3;
	s15 =	sadd.s32 $0x12A800, s12;
	[smem:$0x7F1] =	sst s11  }
0x2a: {  	s8 =	sadd.s32 s25, s12;
	s25 =	sadd.s32 $0x25100, s5;
	[smem:$0x7F3] =	sst s15  }
0x2b: {  	s31 =	sadd.s32 s26, s4;
	s26 =	sadd.s32 $0x25500, s5;
	[dreg:$0x1a] =	wrdreg s25  }
0x2c: {  	[dreg:$0x1b] =	wrdreg s26  }
0x2d: {  	s21 =	sadd.s32 $0x139C00, s31;
	[dreg:$0x10] =	wrdreg s8  }
0x2e: {  	s31 =	sadd.s32 $0x25900, s5;
	[dreg:$0x17] =	wrdreg s21  }
0x2f: {  	s5 =	sadd.s32 $0x26D00, s5;
	[dreg:$0x1c] =	wrdreg s31  }
0x30: {  	s16 =	sadd.s32 $0x2000, s8;
	[smem:$0x7E3] =	sst s5  }
0x31: {  	s17 =	sadd.s32 $0x4000, s8;
	[smem:$0x7E5] =	sst s16  }
0x32: {  	s30 =	simm.s32 $0x1;
	s18 =	sadd.s32 $0x6000, s8;
	[smem:$0x7E6] =	sst s17  }
0x33: {  	s28 =	simm.s32 $0x3700;
	s22 =	sadd.s32 $0xA000, s8;
	[smem:$0x7E7] =	sst s18  }
0x34: {  	s29 =	simm.s32 $0x0;
	s25 =	sadd.s32 $0xC000, s8;
	[smem:$0x7E9] =	sst s22  }
0x35: {  	p1 =	seq.s32 s24, $0xF;
	s26 =	sadd.s32 $0xE000, s8;
	[smem:$0x7EA] =	sst s25  }
0x36: {  	s5 =	sadd.s32 $0x1400, s4;
	s4 =	sadd.s32 $0x13C0AE, s4;
	[smem:$0x7EB] =	sst s26  }
0x37: {  	p0 =	sne.s32 s3, $0x0;
	s21 =	sadd.s32 $0x8000, s8;
	[smem:$0x7E4] =	sst s4  }
0x38: {  	s3 =	sshll.u32 s3, $0x6;
	s31 =	sadd.s32 $0x10000, s8;
	[smem:$0x7E8] =	sst s21  }
0x39: {  	s0 =	smul.u32 $0x5000, s24;
	s16 =	sadd.s32 s7, s12;
	[smem:$0x7EC] =	sst s31  }
0x3a: {  	s24 =	simm.s32 $0x2;
	s17 =	sadd.s32 $0x12C800, s12;
	[smem:$0x7F4] =	sst s16  }
0x3b: {  	s9 =	simm.s32 $0x400;
	s18 =	sadd.s32 $0x12E800, s12;
	[smem:$0x7F5] =	sst s17  }
0x3c: {  	s6 =	simm.s32 $0x1700;
	s25 =	sadd.s32 $0x134800, s12;
	[smem:$0x7F6] =	sst s18  }
0x3d: {  	s23 =	sor.u32 $0x1800, s3;
	s26 =	sadd.s32 $0x136800, s12;
	[smem:$0x7FB] =	sst s25  }
0x3e: {  	s10 =	simm.s32 $0x1000;
	s4 =	sadd.s32 $0x12000, s8;
	[smem:$0x7FC] =	sst s26  }
0x3f: {  	s11 =	simm.s32 $0xC00;
	s8 =	sadd.s32 s19, s12;
	[smem:$0x7ED] =	sst s4  }
0x40: {  	s15 =	simm.s32 $0x1500;
	s19 =	sadd.s32 s20, s14;
	[smem:$0x7EE] =	sst s8  }
.Ltmp0:
0x41: {  	s20 =	sadd.s32 $0x130800, s12;
	[smem:$0x7F7] =	sst s19;
	(pc) =	sbr.rel .LBB2_1-.Ltmp0, $4  }
0x42: {  	s22 =	sadd.s32 $0x12570, s14;
	s21 =	sadd.s32 $0x132800, s12;
	[smem:$0x7F8] =	sst s20  }
0x43: {  	s31 =	sadd.s32 $0x138800, s12;
	s18 =	simm.s32 $0x1400;
	[smem:$0x7F9] =	sst s21  }
0x44: {  	s25 =	simm.s32 $0x1600;
	[smem:$0x7FD] =	sst s31;
	s8 =	simm.s32 $0x3  }
0x45: {  	v0 =	vimm.f32 $0.0e+00;
	v1 =	vimm.f32 $1.000000000e+00;
	s19 =	simm.s32 $0x40;
	s20 =	simm.s32 $0x1580;
	s21 =	simm.s32 $0x1680  }
.LBB2_24:
0x46: {  	s3 =	sld [smem:$0x7EF];
	_ =	sdelay $0x2  }
0x47: {  	[tilespmem:s28], [sflag:$0x3] =	stream.linear.gather [spmem:s3], $0x2000, $0x38;
	[tilespmem:$0x11AF0] =	vst v63  }
0x48: {  	_ =	swait.ge [sflag:s8], $0x2000  }
0x49: {  	[sflag:s8] =	ssyncset.done $0x0  }
0x4a: {  	s13 =	rddreg [dreg:$0x18];
	[sflag:s8] =	ssyncadd.s32 $0xFFFFE000  }
0x4b: {  	[hbm4b:s13+s2] =	stream.linear.scatter [tilespmem:s28], [sflag:$0x3], $0x2000, $0x38;
	[tilespmem:$0x11AF0] =	vst v63  }
0x4c: {  	_ =	swait.ge [sflag:s8], $0x2000  }
0x4d: {  	s16 =	sld [smem:$0x7F0]  }
0x4e: {  	[sflag:s8] =	ssyncset.done $0x0  }
0x4f: {  	[sflag:s8] =	ssyncadd.s32 $0xFFFFE000  }
0x50: {  	[tilespmem:s28], [sflag:$0x3] =	stream.linear.gather [spmem:s16], $0x2000, $0x38;
	[tilespmem:$0x11AF0] =	vst v63  }
0x51: {  	_ =	swait.ge [sflag:s8], $0x2000  }
0x52: {  	[sflag:s8] =	ssyncset.done $0x0  }
0x53: {  	s17 =	rddreg [dreg:$0x19];
	[sflag:s8] =	ssyncadd.s32 $0xFFFFE000  }
0x54: {  	[hbm4b:s17+s2] =	stream.linear.scatter [tilespmem:s28], [sflag:$0x3], $0x2000, $0x38;
	[tilespmem:$0x11AF0] =	vst v63  }
0x55: {  	_ =	swait.ge [sflag:s8], $0x2000  }
0x56: {  	s26 =	sld [smem:$0x7F2]  }
0x57: {  	[sflag:s8] =	ssyncset.done $0x0  }
0x58: {  	[sflag:s8] =	ssyncadd.s32 $0xFFFFE000  }
0x59: {  	[tilespmem:s28], [sflag:$0x3] =	stream.linear.gather [spmem:s26], $0x2000, $0x38;
	[tilespmem:$0x11AF0] =	vst v63  }
0x5a: {  	_ =	swait.ge [sflag:s8], $0x2000  }
0x5b: {  	[sflag:s8] =	ssyncset.done $0x0  }
0x5c: {  	s31 =	rddreg [dreg:$0x1a];
	[sflag:s8] =	ssyncadd.s32 $0xFFFFE000  }
0x5d: {  	[hbm4b:s31+s2] =	stream.linear.scatter [tilespmem:s28], [sflag:$0x3], $0x2000, $0x38;
	[tilespmem:$0x11AF0] =	vst v63  }
0x5e: {  	_ =	swait.ge [sflag:s8], $0x2000  }
0x5f: {  	s4 =	sld [smem:$0x7F3]  }
0x60: {  	[sflag:s8] =	ssyncset.done $0x0  }
0x61: {  	[sflag:s8] =	ssyncadd.s32 $0xFFFFE000  }
0x62: {  	[tilespmem:s28], [sflag:$0x3] =	stream.linear.gather [spmem:s4], $0x2000, $0x38;
	[tilespmem:$0x11AF0] =	vst v63  }
0x63: {  	_ =	swait.ge [sflag:s8], $0x2000  }
0x64: {  	[sflag:s8] =	ssyncset.done $0x0  }
0x65: {  	s7 =	rddreg [dreg:$0x1b];
	[sflag:s8] =	ssyncadd.s32 $0xFFFFE000  }
0x66: {  	[hbm4b:s7+s2] =	stream.linear.scatter [tilespmem:s28], [sflag:$0x3], $0x2000, $0x38;
	[tilespmem:$0x11AF0] =	vst v63  }
0x67: {  	_ =	swait.ge [sflag:s8], $0x2000  }
0x68: {  	s13 =	sld [smem:$0x7F5]  }
0x69: {  	[sflag:s8] =	ssyncset.done $0x0  }
0x6a: {  	[sflag:s8] =	ssyncadd.s32 $0xFFFFE000  }
0x6b: {  	[tilespmem:s28], [sflag:$0x3] =	stream.linear.gather [spmem:s13], $0x2000, $0x38;
	[tilespmem:$0x11AF0] =	vst v63  }
0x6c: {  	_ =	swait.ge [sflag:s8], $0x2000  }
0x6d: {  	[sflag:s8] =	ssyncset.done $0x0  }
0x6e: {  	s16 =	rddreg [dreg:$0x1c];
	[sflag:s8] =	ssyncadd.s32 $0xFFFFE000  }
0x6f: {  	[hbm4b:s16+s2] =	stream.linear.scatter [tilespmem:s28], [sflag:$0x3], $0x2000, $0x38;
	[tilespmem:$0x11AF0] =	vst v63  }
0x70: {  	_ =	swait.ge [sflag:s8], $0x2000  }
0x71: {  	s17 =	sld [smem:$0x7F6]  }
0x72: {  	[sflag:s8] =	ssyncset.done $0x0  }
0x73: {  	[sflag:s8] =	ssyncadd.s32 $0xFFFFE000  }
0x74: {  	[tilespmem:s28], [sflag:$0x3] =	stream.linear.gather [spmem:s17], $0x2000, $0x38;
	[tilespmem:$0x11AF0] =	vst v63  }
0x75: {  	_ =	swait.ge [sflag:s8], $0x2000  }
0x76: {  	[sflag:s8] =	ssyncset.done $0x0  }
0x77: {  	s26 =	rddreg [dreg:$0x1d];
	[sflag:s8] =	ssyncadd.s32 $0xFFFFE000  }
0x78: {  	[hbm4b:s26+s2] =	stream.linear.scatter [tilespmem:s28], [sflag:$0x3], $0x2000, $0x38;
	[tilespmem:$0x11AF0] =	vst v63  }
0x79: {  	_ =	swait.ge [sflag:s8], $0x2000  }
0x7a: {  	s31 =	sld [smem:$0x7F8]  }
0x7b: {  	[sflag:s8] =	ssyncset.done $0x0  }
0x7c: {  	[sflag:s8] =	ssyncadd.s32 $0xFFFFE000  }
0x7d: {  	[tilespmem:s28], [sflag:$0x3] =	stream.linear.gather [spmem:s31], $0x2000, $0x38;
	[tilespmem:$0x11AF0] =	vst v63  }
0x7e: {  	_ =	swait.ge [sflag:s8], $0x2000  }
0x7f: {  	[sflag:s8] =	ssyncset.done $0x0  }
0x80: {  	s4 =	rddreg [dreg:$0x1e];
	[sflag:s8] =	ssyncadd.s32 $0xFFFFE000  }
0x81: {  	[hbm4b:s4+s2] =	stream.linear.scatter [tilespmem:s28], [sflag:$0x3], $0x2000, $0x38;
	[tilespmem:$0x11AF0] =	vst v63  }
0x82: {  	_ =	swait.ge [sflag:s8], $0x2000  }
0x83: {  	s7 =	sld [smem:$0x7F9]  }
0x84: {  	[sflag:s8] =	ssyncset.done $0x0  }
0x85: {  	[sflag:s8] =	ssyncadd.s32 $0xFFFFE000  }
0x86: {  	[tilespmem:s28], [sflag:$0x3] =	stream.linear.gather [spmem:s7], $0x2000, $0x38;
	[tilespmem:$0x11AF0] =	vst v63  }
0x87: {  	_ =	swait.ge [sflag:s8], $0x2000  }
0x88: {  	[sflag:s8] =	ssyncset.done $0x0  }
0x89: {  	s13 =	rddreg [dreg:$0x1f];
	[sflag:s8] =	ssyncadd.s32 $0xFFFFE000  }
0x8a: {  	[hbm4b:s13+s2] =	stream.linear.scatter [tilespmem:s28], [sflag:$0x3], $0x2000, $0x38;
	[tilespmem:$0x11AF0] =	vst v63  }
0x8b: {  	_ =	swait.ge [sflag:s8], $0x2000  }
0x8c: {  	s16 =	sld [smem:$0x7FB]  }
0x8d: {  	[sflag:s8] =	ssyncset.done $0x0  }
0x8e: {  	[sflag:s8] =	ssyncadd.s32 $0xFFFFE000  }
0x8f: {  	[tilespmem:s28], [sflag:$0x3] =	stream.linear.gather [spmem:s16], $0x2000, $0x38;
	[tilespmem:$0x11AF0] =	vst v63  }
0x90: {  	_ =	swait.ge [sflag:s8], $0x2000  }
0x91: {  	s17 =	sld [smem:$0x7E2]  }
0x92: {  	[sflag:s8] =	ssyncset.done $0x0  }
0x93: {  	[sflag:s8] =	ssyncadd.s32 $0xFFFFE000  }
0x94: {  	[hbm4b:s17+s2] =	stream.linear.scatter [tilespmem:s28], [sflag:$0x3], $0x2000, $0x38;
	[tilespmem:$0x11AF0] =	vst v63  }
0x95: {  	_ =	swait.ge [sflag:s8], $0x2000  }
0x96: {  	s26 =	sld [smem:$0x7FC]  }
0x97: {  	[sflag:s8] =	ssyncset.done $0x0  }
0x98: {  	[sflag:s8] =	ssyncadd.s32 $0xFFFFE000  }
0x99: {  	[tilespmem:s28], [sflag:$0x3] =	stream.linear.gather [spmem:s26], $0x2000, $0x38;
	[tilespmem:$0x11AF0] =	vst v63  }
0x9a: {  	_ =	swait.ge [sflag:s8], $0x2000  }
0x9b: {  	s31 =	sld [smem:$0x7E3]  }
0x9c: {  	[sflag:s8] =	ssyncset.done $0x0  }
0x9d: {  	[sflag:s8] =	ssyncadd.s32 $0xFFFFE000  }
0x9e: {  	[hbm4b:s31+s2] =	stream.linear.scatter [tilespmem:s28], [sflag:$0x3], $0x2000, $0x38;
	[tilespmem:$0x11AF0] =	vst v63  }
0x9f: {  	_ =	swait.ge [sflag:s8], $0x2000  }
0xa0: {  	[sflag:s8] =	ssyncset.done $0x0  }
0xa1: {  	s3 =	simm.s32 @!p0 $0x5700;
	s4 =	simm.s32 @!p0 $0x3;
	[sflag:s8] =	ssyncadd.s32 $0xFFFFE000  }
0xa2: {  	[tilespmem:s3], [sflag:$0x3] =	stream.linear.gather @!p0 [spmem:s22], $0x1310, $0x38;
	[tilespmem:$0x11AF0] =	vst v63  }
0xa3: {  	_ =	swait.ge @!p0 [sflag:s4], $0x1310  }
0xa4: {  	s13 =	sld [smem:$0x7E4]  }
0xa5: {  	[sflag:s4] =	ssyncset.done @!p0 $0x0  }
0xa6: {  	s7 =	simm.s32 @!p0 $0x0;
	[sflag:s4] =	ssyncadd.s32 @!p0 $0xFFFFECF0  }
0xa7: {  	[hbm4b:s13+s7] =	stream.linear.scatter @!p0 [tilespmem:s3], [sflag:$0x3], $0x1310, $0x38;
	[tilespmem:$0x11AF0] =	vst v63  }
0xa8: {  	_ =	swait.ge @!p0 [sflag:s4], $0x1310  }
0xa9: {  	[sflag:s4] =	ssyncset.done @!p0 $0x0  }
0xaa: {  	[sflag:s4] =	ssyncadd.s32 @!p0 $0xFFFFECF0  }
.LBB2_25:
0xab: {  	s3 =	sld [smem:$0x7FA];
	_ =	sdelay $0x1  }
0xac: {  	s29 =	sadd.s32 $0x1, s29  }
0xad: {  	p2 =	sne.s32 s29, s3  }
.Ltmp1:
0xae: {  	_ = 	snop;
	(pc) =	sbr.rel @!p2 .LBB2_26-.Ltmp1, $1  }
0xaf: {  	_ =	sdelay $0x3  }
.LBB2_1:
0xb0: {  	s3 =	simm.s32 $0x40;
	s4 =	simm.s32 $0x0  }
.LBB2_2:
0xb1: {  	p2 =	sne.s32 s3, $0x4E00;
	[tilespmem:s4+$0x5700] =	vst v0;
	s4 =	smov.u32 s3;
	s3 =	sadd.s32 $0x40, s3  }
.Ltmp2:
0xb2: {  	(pc) =	sbr.rel @p2 .LBB2_2-.Ltmp2, $2  }
0xb3: {  	_ =	sdelay $0x2  }
0xb4: {  	s4 =	sshra.s32 s4, $0x2  }
0xb5: {  	[tilespmem:s4+$0x5700] =	vst v0;
	s4 =	simm.s32 $0x200;
	s3 =	simm.s32 $0x0  }
.LBB2_4:
0xb6: {  	p2 =	sne.s32 s4, $0x7E00;
	[tilespmem:s3+$0x3730] =	vst v0;
	s7 =	smov.u32 s4;
	s4 =	sadd.s32 $0x200, s4  }
.Ltmp3:
0xb7: {  	[tilespmem:s3+$0x3720] =	vst v0;
	(pc) =	sbr.rel @p2 .LBB2_4-.Ltmp3, $3  }
0xb8: {  	[tilespmem:s3+$0x3700] =	vst v0  }
0xb9: {  	[tilespmem:s3+$0x3710] =	vst v0;
	_ =	sdelay $0x1  }
0xba: {  	s3 =	sshra.s32 s7, $0x2  }
0xbb: {  	[tilespmem:s3+$0x3730] =	vst v0  }
0xbc: {  	[tilespmem:s3+$0x3720] =	vst v0  }
0xbd: {  	[tilespmem:s3+$0x3700] =	vst v0  }
0xbe: {  	[tilespmem:s3+$0x3710] =	vst v0;
	s3 =	simm.s32 $0x40;
	s4 =	simm.s32 $0x0  }
.LBB2_6:
0xbf: {  	p2 =	sne.s32 s3, $0xFC0;
	[tilespmem:s4+$0xC00] =	vst v1;
	s4 =	smov.u32 s3;
	s3 =	sadd.s32 $0x40, s3  }
.Ltmp4:
0xc0: {  	(pc) =	sbr.rel @p2 .LBB2_6-.Ltmp4, $2  }
0xc1: {  	_ =	sdelay $0x2  }
0xc2: {  	s4 =	sshra.s32 s4, $0x2  }
0xc3: {  	[tilespmem:s4+$0xC00] =	vst v1;
	s3 =	simm.s32 @p1 $0x5700  }
0xc4: {  	[spmem:s22] =	stream.linear.scatter @p1 [tilespmem:s3], [sflag:$0x3], $0x1320, $0x38;
	[tilespmem:$0x11AF0] =	vst v63  }
0xc5: {  	s3 =	simm.s32 @p1 $0x3  }
0xc6: {  	_ =	swait.ge @p1 [sflag:s3], $0x1320  }
0xc7: {  	s7 =	sld [smem:$0x7EF]  }
0xc8: {  	[sflag:s3] =	ssyncset.done @p1 $0x0  }
0xc9: {  	s4 =	simm.s32 @p1 $0x3700;
	[sflag:s3] =	ssyncadd.s32 @p1 $0xFFFFECE0  }
0xca: {  	[spmem:s7] =	stream.linear.scatter @p1 [tilespmem:s4], [sflag:$0x3], $0x2000, $0x38;
	[tilespmem:$0x11AF0] =	vst v63  }
0xcb: {  	_ =	swait.ge @p1 [sflag:s3], $0x2000  }
0xcc: {  	s7 =	sld [smem:$0x7F0]  }
0xcd: {  	[sflag:s3] =	ssyncset.done @p1 $0x0  }
0xce: {  	[sflag:s3] =	ssyncadd.s32 @p1 $0xFFFFE000  }
0xcf: {  	[spmem:s7] =	stream.linear.scatter @p1 [tilespmem:s4], [sflag:$0x3], $0x2000, $0x38;
	[tilespmem:$0x11AF0] =	vst v63  }
0xd0: {  	_ =	swait.ge @p1 [sflag:s3], $0x2000  }
0xd1: {  	s7 =	sld [smem:$0x7F2]  }
0xd2: {  	[sflag:s3] =	ssyncset.done @p1 $0x0  }
0xd3: {  	[sflag:s3] =	ssyncadd.s32 @p1 $0xFFFFE000  }
0xd4: {  	[spmem:s7] =	stream.linear.scatter @p1 [tilespmem:s4], [sflag:$0x3], $0x2000, $0x38;
	[tilespmem:$0x11AF0] =	vst v63  }
0xd5: {  	_ =	swait.ge @p1 [sflag:s3], $0x2000  }
0xd6: {  	s7 =	sld [smem:$0x7F3]  }
0xd7: {  	[sflag:s3] =	ssyncset.done @p1 $0x0  }
0xd8: {  	[sflag:s3] =	ssyncadd.s32 @p1 $0xFFFFE000  }
0xd9: {  	[spmem:s7] =	stream.linear.scatter @p1 [tilespmem:s4], [sflag:$0x3], $0x2000, $0x38;
	[tilespmem:$0x11AF0] =	vst v63  }
0xda: {  	_ =	swait.ge @p1 [sflag:s3], $0x2000  }
0xdb: {  	s7 =	sld [smem:$0x7F5]  }
0xdc: {  	[sflag:s3] =	ssyncset.done @p1 $0x0  }
0xdd: {  	[sflag:s3] =	ssyncadd.s32 @p1 $0xFFFFE000  }
0xde: {  	[spmem:s7] =	stream.linear.scatter @p1 [tilespmem:s4], [sflag:$0x3], $0x2000, $0x38;
	[tilespmem:$0x11AF0] =	vst v63  }
0xdf: {  	_ =	swait.ge @p1 [sflag:s3], $0x2000  }
0xe0: {  	s7 =	sld [smem:$0x7F6]  }
0xe1: {  	[sflag:s3] =	ssyncset.done @p1 $0x0  }
0xe2: {  	[sflag:s3] =	ssyncadd.s32 @p1 $0xFFFFE000  }
0xe3: {  	[spmem:s7] =	stream.linear.scatter @p1 [tilespmem:s4], [sflag:$0x3], $0x2000, $0x38;
	[tilespmem:$0x11AF0] =	vst v63  }
0xe4: {  	_ =	swait.ge @p1 [sflag:s3], $0x2000  }
0xe5: {  	s7 =	sld [smem:$0x7F8]  }
0xe6: {  	[sflag:s3] =	ssyncset.done @p1 $0x0  }
0xe7: {  	[sflag:s3] =	ssyncadd.s32 @p1 $0xFFFFE000  }
0xe8: {  	[spmem:s7] =	stream.linear.scatter @p1 [tilespmem:s4], [sflag:$0x3], $0x2000, $0x38;
	[tilespmem:$0x11AF0] =	vst v63  }
0xe9: {  	_ =	swait.ge @p1 [sflag:s3], $0x2000  }
0xea: {  	s7 =	sld [smem:$0x7F9]  }
0xeb: {  	[sflag:s3] =	ssyncset.done @p1 $0x0  }
0xec: {  	[sflag:s3] =	ssyncadd.s32 @p1 $0xFFFFE000  }
0xed: {  	[spmem:s7] =	stream.linear.scatter @p1 [tilespmem:s4], [sflag:$0x3], $0x2000, $0x38;
	[tilespmem:$0x11AF0] =	vst v63  }
0xee: {  	_ =	swait.ge @p1 [sflag:s3], $0x2000  }
0xef: {  	s7 =	sld [smem:$0x7FB]  }
0xf0: {  	[sflag:s3] =	ssyncset.done @p1 $0x0  }
0xf1: {  	[sflag:s3] =	ssyncadd.s32 @p1 $0xFFFFE000  }
0xf2: {  	[spmem:s7] =	stream.linear.scatter @p1 [tilespmem:s4], [sflag:$0x3], $0x2000, $0x38;
	[tilespmem:$0x11AF0] =	vst v63  }
0xf3: {  	_ =	swait.ge @p1 [sflag:s3], $0x2000  }
0xf4: {  	s7 =	sld [smem:$0x7FC]  }
0xf5: {  	[sflag:s3] =	ssyncset.done @p1 $0x0  }
0xf6: {  	[sflag:s3] =	ssyncadd.s32 @p1 $0xFFFFE000  }
0xf7: {  	[spmem:s7] =	stream.linear.scatter @p1 [tilespmem:s4], [sflag:$0x3], $0x2000, $0x38;
	[tilespmem:$0x11AF0] =	vst v63  }
0xf8: {  	_ =	swait.ge @p1 [sflag:s3], $0x2000  }
0xf9: {  	s7 =	sld [smem:$0x7FD]  }
0xfa: {  	[sflag:s3] =	ssyncset.done @p1 $0x0  }
0xfb: {  	[sflag:s3] =	ssyncadd.s32 @p1 $0xFFFFE000  }
0xfc: {  	[spmem:s7] =	stream.linear.scatter @p1 [tilespmem:s4], [sflag:$0x3], $0x400, $0x38;
	[tilespmem:$0x11AF0] =	vst v63  }
0xfd: {  	_ =	swait.ge @p1 [sflag:s3], $0x400  }
0xfe: {  	[sflag:s3] =	ssyncset.done @p1 $0x0  }
0xff: {  	s4 =	rddreg [dreg:$0xf];
	[sflag:s3] =	ssyncadd.s32 @p1 $0xFFFFFC00;
	s3 =	simm.s32 @!p1 $0x5700  }
0x100: {  	[spmem:s4] =	stream.linear.scatter @!p1 [tilespmem:s3], [sflag:$0x3], $0x1390, $0x38;
	[tilespmem:$0x11AF0] =	vst v63  }
0x101: {  	s3 =	simm.s32 @!p1 $0x3  }
0x102: {  	_ =	swait.ge @!p1 [sflag:s3], $0x1390  }
0x103: {  	[sflag:s3] =	ssyncset.done @!p1 $0x0  }
0x104: {  	s4 =	simm.s32 @!p1 $0x3700;
	s7 =	rddreg [dreg:$0x10];
	[sflag:s3] =	ssyncadd.s32 @!p1 $0xFFFFEC70  }
0x105: {  	[spmem:s7] =	stream.linear.scatter @!p1 [tilespmem:s4], [sflag:$0x3], $0x2000, $0x38;
	[tilespmem:$0x11AF0] =	vst v63  }
0x106: {  	_ =	swait.ge @!p1 [sflag:s3], $0x2000  }
0x107: {  	s7 =	sld [smem:$0x7E5]  }
0x108: {  	[sflag:s3] =	ssyncset.done @!p1 $0x0  }
0x109: {  	[sflag:s3] =	ssyncadd.s32 @!p1 $0xFFFFE000  }
0x10a: {  	[spmem:s7] =	stream.linear.scatter @!p1 [tilespmem:s4], [sflag:$0x3], $0x2000, $0x38;
	[tilespmem:$0x11AF0] =	vst v63  }
0x10b: {  	_ =	swait.ge @!p1 [sflag:s3], $0x2000  }
0x10c: {  	s7 =	sld [smem:$0x7E6]  }
0x10d: {  	[sflag:s3] =	ssyncset.done @!p1 $0x0  }
0x10e: {  	[sflag:s3] =	ssyncadd.s32 @!p1 $0xFFFFE000  }
0x10f: {  	[spmem:s7] =	stream.linear.scatter @!p1 [tilespmem:s4], [sflag:$0x3], $0x2000, $0x38;
	[tilespmem:$0x11AF0] =	vst v63  }
0x110: {  	_ =	swait.ge @!p1 [sflag:s3], $0x2000  }
0x111: {  	s7 =	sld [smem:$0x7E7]  }
0x112: {  	[sflag:s3] =	ssyncset.done @!p1 $0x0  }
0x113: {  	[sflag:s3] =	ssyncadd.s32 @!p1 $0xFFFFE000  }
0x114: {  	[spmem:s7] =	stream.linear.scatter @!p1 [tilespmem:s4], [sflag:$0x3], $0x2000, $0x38;
	[tilespmem:$0x11AF0] =	vst v63  }
0x115: {  	_ =	swait.ge @!p1 [sflag:s3], $0x2000  }
0x116: {  	s7 =	sld [smem:$0x7E8]  }
0x117: {  	[sflag:s3] =	ssyncset.done @!p1 $0x0  }
0x118: {  	[sflag:s3] =	ssyncadd.s32 @!p1 $0xFFFFE000  }
0x119: {  	[spmem:s7] =	stream.linear.scatter @!p1 [tilespmem:s4], [sflag:$0x3], $0x2000, $0x38;
	[tilespmem:$0x11AF0] =	vst v63  }
0x11a: {  	_ =	swait.ge @!p1 [sflag:s3], $0x2000  }
0x11b: {  	s7 =	sld [smem:$0x7E9]  }
0x11c: {  	[sflag:s3] =	ssyncset.done @!p1 $0x0  }
0x11d: {  	[sflag:s3] =	ssyncadd.s32 @!p1 $0xFFFFE000  }
0x11e: {  	[spmem:s7] =	stream.linear.scatter @!p1 [tilespmem:s4], [sflag:$0x3], $0x2000, $0x38;
	[tilespmem:$0x11AF0] =	vst v63  }
0x11f: {  	_ =	swait.ge @!p1 [sflag:s3], $0x2000  }
0x120: {  	s7 =	sld [smem:$0x7EA]  }
0x121: {  	[sflag:s3] =	ssyncset.done @!p1 $0x0  }
0x122: {  	[sflag:s3] =	ssyncadd.s32 @!p1 $0xFFFFE000  }
0x123: {  	[spmem:s7] =	stream.linear.scatter @!p1 [tilespmem:s4], [sflag:$0x3], $0x2000, $0x38;
	[tilespmem:$0x11AF0] =	vst v63  }
0x124: {  	_ =	swait.ge @!p1 [sflag:s3], $0x2000  }
0x125: {  	s7 =	sld [smem:$0x7EB]  }
0x126: {  	[sflag:s3] =	ssyncset.done @!p1 $0x0  }
0x127: {  	[sflag:s3] =	ssyncadd.s32 @!p1 $0xFFFFE000  }
0x128: {  	[spmem:s7] =	stream.linear.scatter @!p1 [tilespmem:s4], [sflag:$0x3], $0x2000, $0x38;
	[tilespmem:$0x11AF0] =	vst v63  }
0x129: {  	_ =	swait.ge @!p1 [sflag:s3], $0x2000  }
0x12a: {  	s7 =	sld [smem:$0x7EC]  }
0x12b: {  	[sflag:s3] =	ssyncset.done @!p1 $0x0  }
0x12c: {  	[sflag:s3] =	ssyncadd.s32 @!p1 $0xFFFFE000  }
0x12d: {  	[spmem:s7] =	stream.linear.scatter @!p1 [tilespmem:s4], [sflag:$0x3], $0x2000, $0x38;
	[tilespmem:$0x11AF0] =	vst v63  }
0x12e: {  	_ =	swait.ge @!p1 [sflag:s3], $0x2000  }
0x12f: {  	s7 =	sld [smem:$0x7ED]  }
0x130: {  	[sflag:s3] =	ssyncset.done @!p1 $0x0  }
0x131: {  	[sflag:s3] =	ssyncadd.s32 @!p1 $0xFFFFE000  }
0x132: {  	[spmem:s7] =	stream.linear.scatter @!p1 [tilespmem:s4], [sflag:$0x3], $0x1800, $0x38;
	[tilespmem:$0x11AF0] =	vst v63  }
0x133: {  	_ =	swait.ge @!p1 [sflag:s3], $0x1800  }
0x134: {  	[sflag:s3] =	ssyncset.done @!p1 $0x0  }
0x135: {  	[sflag:s3] =	ssyncadd.s32 @!p1 $0xFFFFE800  }
0x136: {  	s4 =	simm.s32 $0x0;
	s3 =	simm.s32 $0x0;
	[bflag:$0x0] =	sbarrier.arrive $0xFFFF  }
.LBB2_8:
0x137: {  	s7 =	sshll.u32 s4, $0xA  }
0x138: {  	s7 =	sadd.s32 s0, s7  }
0x139: {  	s7 =	smul.u32 $0x3, s7;
	_ =	sdelay $0x1  }
0x13a: {  	s7 =	sshrl.u32 s7, $0x3  }
0x13b: {  	s26 =	simm.s32 $0x0;
	s7 =	sadd.s32 s1, s7  }
0x13c: {  	[tilespmem:s3], [sflag:$0x3] =	stream.linear.gather [hbm4b:s7+s3], $0xC00, $0x38;
	[tilespmem:$0x11AF0] =	vst v63  }
0x13d: {  	s7 =	smul.u32 $0xC0, s26;
	_ =	swait.ge [sflag:s8], $0xC00  }
0x13e: {  	s13 =	sand.u32 $0x30, s3;
	[sflag:s8] =	ssyncset.done $0x0  }
0x13f: {  	s26 =	sor.u32 s13, s7;
	s7 =	sand.u32 $0xFC0, s7;
	[sflag:s8] =	ssyncadd.s32 $0xFFFFF400  }
0x140: {  	s7 =	sor.u32 s13, s7;
	v2 =	vld [tilespmem:s26+$0x40]  }
0x141: {  	v3 =	vld [tilespmem:s7+$0x80];
	_ =	sdelay $0x2  }
0x142: {  	s13 =	simm.s32 $0x0  }
0x143: {  	s16 =	smul.u32 $0xC0, s13;
	s13 =	simm.s32 $0x10;
	v2 =	vshll.u32 v2, $0x3  }
0x144: {  	s7 =	simm.s32 $0x1000;
	s31 =	sand.u32 $0x30, s13;
	v2 =	vadd.s32 v3, v2  }
0x145: {  	s17 =	sor.u32 s31, s16;
	s26 =	sand.u32 $0xFC0, s16;
	[tilespmem:s7+$0x0] =	vst v2  }
0x146: {  	s26 =	sor.u32 s31, s26;
	v3 =	vld [tilespmem:s17+$0x40]  }
0x147: {  	v2 =	vld [tilespmem:s26+$0x80];
	_ =	sdelay $0x2  }
0x148: {  	s31 =	simm.s32 $0x0;
	s26 =	simm.s32 $0x3  }
.LBB2_9:
0x149: {  	p2 =	sne.s32 s26, $0x3F;
	s17 =	smul.u32 $0xC0, s31;
	v3 =	vshll.u32 v3, $0x3;
	s13 =	sadd.s32 $0x10, s13  }
0x14a: {  	s7 =	sadd.s32 $0x10, s7;
	s31 =	sand.u32 $0x30, s13;
	v2 =	vadd.s32 v2, v3  }
0x14b: {  	s16 =	sor.u32 s31, s17;
	s17 =	sand.u32 $0xFC0, s17;
	[tilespmem:s7+$0x0] =	vst v2  }
.Ltmp5:
0x14c: {  	v3 =	vld [tilespmem:s16+$0x40];
	s16 =	sor.u32 s31, s17;
	(pc) =	sbr.rel @p2 .LBB2_9-.Ltmp5, $2  }
0x14d: {  	v2 =	vld [tilespmem:s16+$0x80];
	_ =	sdelay $0x2  }
0x14e: {  	s31 =	sshrl.u32 s26, $0x2;
	s26 =	sadd.s32 $0x1, s26  }
0x14f: {  	s16 =	smul.u32 $0xC0, s31;
	v3 =	vshll.u32 v3, $0x3;
	s13 =	sadd.s32 $0x10, s13  }
0x150: {  	s7 =	sadd.s32 $0x10, s7;
	s13 =	sand.u32 $0x30, s13;
	v2 =	vadd.s32 v2, v3  }
0x151: {  	s17 =	sor.u32 s13, s16;
	s16 =	sand.u32 $0xFC0, s16;
	[tilespmem:s7+$0x0] =	vst v2  }
0x152: {  	v2 =	vld [tilespmem:s17+$0x40];
	s13 =	sor.u32 s13, s16  }
0x153: {  	v3 =	vld [tilespmem:s13+$0x80];
	_ =	sdelay $0x3  }
0x154: {  	s4 =	sadd.s32 $0x1, s4;
	v2 =	vshll.u32 v2, $0x3  }
0x155: {  	p2 =	sne.s32 s4, $0x14;
	s7 =	sadd.s32 $0x10, s7;
	v2 =	vadd.s32 v3, v2  }
.Ltmp6:
0x156: {  	[tilespmem:s7+$0x0] =	vst v2;
	(pc) =	sbr.rel @p2 .LBB2_8-.Ltmp6, $4  }
0x157: {  	[spmem:s14] =	stream.indirect.scatter.add.f32 [tilespmem:s11], [sflag:$0x3], $0x1, s10, s9, $0xb8;
	[tilespmem:$0x11AF0] =	vst v63  }
0x158: {  	_ =	swait.ge [sflag:s8], $0x400  }
0x159: {  	[sflag:s8] =	ssyncset.done $0x0  }
0x15a: {  	[sflag:s8] =	ssyncadd.s32 $0xFFFFFC00  }
.Ltmp7:
0x15b: {  	(pc) =	sbr.rel @!p1 .LBB2_12-.Ltmp7, $2  }
0x15c: {  	_ =	sdelay $0x1  }
0x15d: {  	[bflag:$0x0] =	sbarrier.arrive $0xFFFF;
	_ =	sdelay $0x1  }
0x15e: {  	s7 =	simm.s32 $0x5700  }
0x15f: {  	[tilespmem:s7], [sflag:$0x3] =	stream.linear.gather [spmem:s22], $0x1320, $0x38;
	[tilespmem:$0x11AF0] =	vst v63  }
0x160: {  	_ =	swait.ge [sflag:s8], $0x1320  }
0x161: {  	[sflag:s8] =	ssyncset.done $0x0  }
0x162: {  	s3 =	simm.s32 $0x0;
	s4 =	simm.s32 $0x40;
	[sflag:s8] =	ssyncadd.s32 $0xFFFFECE0  }
.LBB2_16:
0x163: {  	p2 =	sne.s32 s4, $0x4C40;
	v2 =	vld [tilespmem:s3+$0x5700];
	_ =	sdelay $0x4  }
0x164: {  	(erf) = vrcp.f32 v2;
	_ =	sdelay $0x5  }
.Ltmp8:
0x165: {  	(pc) =	sbr.rel @p2 .LBB2_16-.Ltmp8, $3  }
0x166: {  	_ =	sdelay $0x1  }
0x167: {  	v2 =	vpop (erf)  }
0x168: {  	[tilespmem:s3+$0x5700] =	vst v2;
	s3 =	sshra.s32 s4, $0x2;
	s4 =	sadd.s32 $0x40, s4  }
0x169: {  	v2 =	vld [tilespmem:s3+$0x5700];
	_ =	sdelay $0x4  }
0x16a: {  	(erf) = vrcp.f32 v2;
	_ =	sdelay $0x8  }
0x16b: {  	v2 =	vpop (erf)  }
.Ltmp9:
0x16c: {  	[tilespmem:s3+$0x5700] =	vst v2;
	(pc) =	sbr.rel .LBB2_18-.Ltmp9, $4  }
0x16d: {  	[spmem:s22] =	stream.linear.scatter [tilespmem:s7], [sflag:$0x3], $0x1320, $0x38;
	[tilespmem:$0x11AF0] =	vst v63  }
0x16e: {  	_ =	swait.ge [sflag:s8], $0x1320  }
0x16f: {  	[sflag:s8] =	ssyncset.done $0x0  }
0x170: {  	[sflag:s8] =	ssyncadd.s32 $0xFFFFECE0  }
.LBB2_12:
0x171: {  	s3 =	rddreg [dreg:$0xf];
	s7 =	simm.s32 $0x5700  }
0x172: {  	[tilespmem:s7], [sflag:$0x3] =	stream.linear.gather [spmem:s3], $0x1390, $0x38;
	[tilespmem:$0x11AF0] =	vst v63  }
0x173: {  	_ =	swait.ge [sflag:s8], $0x1390  }
0x174: {  	[sflag:s8] =	ssyncset.done $0x0  }
0x175: {  	s4 =	simm.s32 $0x40;
	s3 =	simm.s32 $0x0;
	[sflag:s8] =	ssyncadd.s32 $0xFFFFEC70  }
.LBB2_13:
0x176: {  	p2 =	sne.s32 s4, $0x4E00;
	v2 =	vld [tilespmem:s3+$0x5700];
	_ =	sdelay $0x4  }
0x177: {  	(erf) = vrcp.f32 v2;
	_ =	sdelay $0x5  }
.Ltmp10:
0x178: {  	(pc) =	sbr.rel @p2 .LBB2_13-.Ltmp10, $3  }
0x179: {  	_ =	sdelay $0x1  }
0x17a: {  	v2 =	vpop (erf)  }
0x17b: {  	[tilespmem:s3+$0x5700] =	vst v2;
	s3 =	sshra.s32 s4, $0x2;
	s4 =	sadd.s32 $0x40, s4  }
0x17c: {  	v2 =	vld [tilespmem:s3+$0x5700];
	_ =	sdelay $0x4  }
0x17d: {  	(erf) = vrcp.f32 v2;
	_ =	sdelay $0x8  }
0x17e: {  	v2 =	vpop (erf)  }
0x17f: {  	s31 =	rddreg [dreg:$0xf];
	[tilespmem:s3+$0x5700] =	vst v2  }
0x180: {  	[spmem:s31] =	stream.linear.scatter [tilespmem:s7], [sflag:$0x3], $0x1390, $0x38;
	[tilespmem:$0x11AF0] =	vst v63  }
0x181: {  	_ =	swait.ge [sflag:s8], $0x1390  }
0x182: {  	[sflag:s8] =	ssyncset.done $0x0  }
0x183: {  	[sflag:s8] =	ssyncadd.s32 $0xFFFFEC70  }
.LBB2_18:
0x184: {  	[bflag:$0x0] =	sbarrier.arrive $0xFFFF;
	s31 =	simm.s32 $0x0;
	s13 =	simm.s32 $0x0  }
.LBB2_19:
0x185: {  	s3 =	sshll.u32 s13, $0x6  }
0x186: {  	s3 =	sadd.s32 s0, s3  }
0x187: {  	s3 =	smul.u32 $0x3, s3;
	_ =	sdelay $0x1  }
0x188: {  	s3 =	sshrl.u32 s3, $0x3  }
0x189: {  	s3 =	sadd.s32 s1, s3  }
0x18a: {  	[tilespmem:s18], [sflag:$0x3] =	stream.linear.gather [hbm4b:s3+s31], $0xC0, $0x38;
	[tilespmem:$0x11AF0] =	vst v63  }
0x18b: {  	_ =	swait.ge [sflag:s8], $0xC0  }
0x18c: {  	[sflag:s8] =	ssyncset.done $0x0  }
0x18d: {  	[sflag:s8] =	ssyncadd.s32 $0xFFFFFF40  }
0x18e: {  	v2 =	vld [tilespmem:$0x1480]  }
0x18f: {  	v3 =	vld [tilespmem:$0x1400]  }
0x190: {  	v4 =	vld [tilespmem:$0x1440]  }
0x191: {  	v5 =	vld [tilespmem:$0x1440]  }
0x192: {  	v6 =	vld [tilespmem:$0x1490]  }
0x193: {  	v7 =	vld [tilespmem:$0x1410]  }
0x194: {  	v8 =	vld [tilespmem:$0x1450]  }
0x195: {  	v9 =	vld [tilespmem:$0x1450]  }
0x196: {  	v11 =	vld [tilespmem:$0x14A0]  }
0x197: {  	v12 =	vld [tilespmem:$0x1420];
	v10 =	vmul.u32 $0x2710, v2  }
0x198: {  	v62 =	vld [tilespmem:$0x1460]  }
0x199: {  	v63 =	vld [tilespmem:$0x1470];
	v4 =	vshll.u32 v4, $0x3;
	[tilespmem:$0x1600] =	vst v5;
	v3 =	vadd.s32 v3, v10  }
0x19a: {  	v2 =	vadd.s32 v2, v4;
	v4 =	vld [tilespmem:$0x1460];
	[tilespmem:$0x1500] =	vst v3;
	v3 =	vmul.u32 $0x2710, v6  }
0x19b: {  	[tilespmem:$0x1580] =	vst v2;
	v2 =	vld [tilespmem:$0x14B0]  }
0x19c: {  	v5 =	vshll.u32 v8, $0x3;
	[tilespmem:$0x1610] =	vst v9;
	v3 =	vadd.s32 v7, v3;
	v7 =	vld [tilespmem:$0x1430]  }
0x19d: {  	[tilespmem:$0x1510] =	vst v3;
	v3 =	vadd.s32 v6, v5;
	v5 =	vmul.u32 $0x2710, v11;
	v6 =	vld [tilespmem:$0x1470]  }
0x19e: {  	[tilespmem:$0x1630] =	vst v63  }
0x19f: {  	[tilespmem:$0x1590] =	vst v3;
	v3 =	vadd.s32 v12, v5;
	v5 =	vshll.u32 v62, $0x3  }
0x1a0: {  	[tilespmem:$0x1520] =	vst v3;
	v3 =	vadd.s32 v11, v5;
	v5 =	vmul.u32 $0x2710, v2  }
0x1a1: {  	[tilespmem:$0x1620] =	vst v4  }
0x1a2: {  	[tilespmem:$0x15A0] =	vst v3;
	v3 =	vadd.s32 v7, v5;
	v4 =	vshll.u32 v6, $0x3  }
0x1a3: {  	[tilespmem:$0x1530] =	vst v3;
	v2 =	vadd.s32 v2, v4  }
0x1a4: {  	[tilespmem:$0x15B0] =	vst v2  }
0x1a5: {  	[tilespmem:s21], [sflag:$0x2] =	stream.indirect.gather [spmem:s14], $0x1, s20, s19, $0xb8;
	[tilespmem:$0x11AF0] =	vst v63  }
0x1a6: {  	v2 =	vmov s31  }
0x1a7: {  	v2 =	vand.u32 $0xFFFFFFFC, v2;
	[tilespmem:s6], [sflag:$0x1] =	stream.indirect.gather [hbm4b:s5+s19], $0x80, s15, s19, $0xb8;
	[tilespmem:$0x11AF0] =	vst v63  }
0x1a8: {  	v2 =	vbroadcast v2, $0x0;
	_ =	swait.ge [sflag:s30], $0x2000  }
0x1a9: {  	[sflag:s30] =	ssyncset.done $0x0  }
0x1aa: {  	[sflag:s30] =	ssyncadd.s32 $0xFFFFE000  }
0x1ab: {  	_ =	swait.ge [sflag:s24], $0x40  }
0x1ac: {  	[sflag:s24] =	ssyncset.done $0x0  }
0x1ad: {  	[sflag:s24] =	ssyncadd.s32 $0xFFFFFFC0  }
0x1ae: {  	v2 =	vld.idx.msk [tilespmem:v2+s21+$0x0], $0xffff  }
0x1af: {  	v3 =	vld [tilespmem:s23+$0xFFFFFF00];
	_ =	sdelay $0x4  }
0x1b0: {  	v3 =	vmul.f32 v3, v2  }
0x1b1: {  	s3 =	simm.s32 $0x3800  }
0x1b2: {  	[tilespmem:s3+$0xFFFFFF00] =	vst v3  }
0x1b3: {  	v3 =	vld [tilespmem:s23+$0xFFFFFF10];
	_ =	sdelay $0x4  }
0x1b4: {  	v3 =	vmul.f32 v3, v2;
	_ =	sdelay $0x1  }
0x1b5: {  	[tilespmem:s3+$0xFFFFFF10] =	vst v3  }
0x1b6: {  	v3 =	vld [tilespmem:s23+$0xFFFFFF20];
	_ =	sdelay $0x4  }
0x1b7: {  	v3 =	vmul.f32 v3, v2;
	_ =	sdelay $0x1  }
0x1b8: {  	s4 =	simm.s32 $0x1;
	[tilespmem:s3+$0xFFFFFF20] =	vst v3  }
0x1b9: {  	v4 =	vmov s4;
	v3 =	vld [tilespmem:s23+$0xFFFFFF30]  }
0x1ba: {  	v4 =	vand.u32 $0xFFFFFFFD, v4  }
0x1bb: {  	v4 =	vbroadcast v4, $0x0;
	_ =	sdelay $0x2  }
0x1bc: {  	v2 =	vmul.f32 v3, v2;
	_ =	sdelay $0x1  }
0x1bd: {  	[tilespmem:s3+$0xFFFFFF30] =	vst v2  }
0x1be: {  	v2 =	vld.idx.msk [tilespmem:v4+s21+$0x0], $0xffff  }
0x1bf: {  	v3 =	vld [tilespmem:s23+$0xFFFFFF80];
	_ =	sdelay $0x4  }
0x1c0: {  	v3 =	vmul.f32 v3, v2;
	_ =	sdelay $0x1  }
0x1c1: {  	[tilespmem:s3+$0xFFFFFF80] =	vst v3  }
0x1c2: {  	v3 =	vld [tilespmem:s23+$0xFFFFFF90];
	_ =	sdelay $0x4  }
0x1c3: {  	v3 =	vmul.f32 v3, v2;
	_ =	sdelay $0x1  }
0x1c4: {  	[tilespmem:s3+$0xFFFFFF90] =	vst v3  }
0x1c5: {  	v3 =	vld [tilespmem:s23+$0xFFFFFFA0];
	_ =	sdelay $0x4  }
0x1c6: {  	v3 =	vmul.f32 v3, v2;
	_ =	sdelay $0x1  }
0x1c7: {  	s17 =	simm.s32 $0x2;
	[tilespmem:s3+$0xFFFFFFA0] =	vst v3  }
0x1c8: {  	v4 =	vmov s17;
	v3 =	vld [tilespmem:s23+$0xFFFFFFB0]  }
0x1c9: {  	v4 =	vand.u32 $0xFFFFFFFE, v4  }
0x1ca: {  	v4 =	vbroadcast v4, $0x0;
	_ =	sdelay $0x2  }
0x1cb: {  	v2 =	vmul.f32 v3, v2;
	_ =	sdelay $0x1  }
0x1cc: {  	[tilespmem:s3+$0xFFFFFFB0] =	vst v2  }
0x1cd: {  	v2 =	vld.idx.msk [tilespmem:v4+s21+$0x0], $0xffff  }
0x1ce: {  	v3 =	vld [tilespmem:s23+$0x0];
	_ =	sdelay $0x4  }
0x1cf: {  	v3 =	vmul.f32 v3, v2;
	_ =	sdelay $0x1  }
0x1d0: {  	[tilespmem:s3+$0x0] =	vst v3  }
0x1d1: {  	v3 =	vld [tilespmem:s23+$0x10];
	_ =	sdelay $0x4  }
0x1d2: {  	v3 =	vmul.f32 v3, v2;
	_ =	sdelay $0x1  }
0x1d3: {  	[tilespmem:s3+$0x10] =	vst v3  }
0x1d4: {  	v3 =	vld [tilespmem:s23+$0x20];
	_ =	sdelay $0x4  }
0x1d5: {  	v3 =	vmul.f32 v3, v2;
	_ =	sdelay $0x1  }
0x1d6: {  	[tilespmem:s3+$0x20] =	vst v3  }
0x1d7: {  	v3 =	vld [tilespmem:s23+$0x30];
	_ =	sdelay $0x1  }
0x1d8: {  	s26 =	simm.s32 $0x3  }
0x1d9: {  	v4 =	vmov s26;
	_ =	sdelay $0x1  }
0x1da: {  	v2 =	vmul.f32 v3, v2;
	_ =	sdelay $0x1  }
0x1db: {  	[tilespmem:s3+$0x30] =	vst v2  }
0x1dc: {  	v2 =	vld.idx.msk [tilespmem:v4+s21+$0x0], $0xffff  }
0x1dd: {  	v3 =	vld [tilespmem:s23+$0x80];
	_ =	sdelay $0x4  }
0x1de: {  	v3 =	vmul.f32 v3, v2;
	_ =	sdelay $0x1  }
0x1df: {  	[tilespmem:s3+$0x80] =	vst v3  }
0x1e0: {  	v3 =	vld [tilespmem:s23+$0x90];
	_ =	sdelay $0x4  }
0x1e1: {  	v3 =	vmul.f32 v3, v2;
	_ =	sdelay $0x1  }
0x1e2: {  	[tilespmem:s3+$0x90] =	vst v3  }
0x1e3: {  	v3 =	vld [tilespmem:s23+$0xA0];
	_ =	sdelay $0x4  }
0x1e4: {  	v3 =	vmul.f32 v3, v2;
	_ =	sdelay $0x1  }
0x1e5: {  	s4 =	simm.s32 $0x4;
	[tilespmem:s3+$0xA0] =	vst v3  }
0x1e6: {  	s7 =	smov.u32 s23;
	s26 =	simm.s32 $0x8;
	v4 =	vmov s4;
	v3 =	vld [tilespmem:s23+$0xB0]  }
.LBB2_20:
0x1e7: {  	p2 =	slt.u32 s26, $0x3C;
	v4 =	vand.u32 $0xFFFFFFFC, v4  }
0x1e8: {  	v4 =	vbroadcast v4, $0x0;
	_ =	sdelay $0x2  }
0x1e9: {  	v2 =	vmul.f32 v3, v2;
	_ =	sdelay $0x1  }
0x1ea: {  	[tilespmem:s3+$0xB0] =	vst v2  }
0x1eb: {  	s7 =	sadd.s32 $0x200, s7;
	v2 =	vld.idx.msk [tilespmem:v4+s21+$0x0], $0xffff  }
0x1ec: {  	v3 =	vld [tilespmem:s7+$0xFFFFFF00];
	_ =	sdelay $0x4  }
0x1ed: {  	v3 =	vmul.f32 v3, v2  }
0x1ee: {  	s3 =	sadd.s32 $0x200, s3  }
0x1ef: {  	[tilespmem:s3+$0xFFFFFF00] =	vst v3  }
0x1f0: {  	v3 =	vld [tilespmem:s7+$0xFFFFFF10];
	_ =	sdelay $0x4  }
0x1f1: {  	v3 =	vmul.f32 v3, v2;
	_ =	sdelay $0x1  }
0x1f2: {  	[tilespmem:s3+$0xFFFFFF10] =	vst v3  }
0x1f3: {  	v3 =	vld [tilespmem:s7+$0xFFFFFF20];
	_ =	sdelay $0x4  }
0x1f4: {  	v3 =	vmul.f32 v3, v2;
	_ =	sdelay $0x1  }
0x1f5: {  	s16 =	sadd.s32 $0x1, s4;
	[tilespmem:s3+$0xFFFFFF20] =	vst v3  }
0x1f6: {  	v4 =	vmov s16;
	v3 =	vld [tilespmem:s7+$0xFFFFFF30]  }
0x1f7: {  	v4 =	vand.u32 $0xFFFFFFFD, v4  }
0x1f8: {  	v4 =	vbroadcast v4, $0x0;
	_ =	sdelay $0x2  }
0x1f9: {  	v2 =	vmul.f32 v3, v2;
	_ =	sdelay $0x1  }
0x1fa: {  	[tilespmem:s3+$0xFFFFFF30] =	vst v2  }
0x1fb: {  	v2 =	vld.idx.msk [tilespmem:v4+s21+$0x0], $0xffff  }
0x1fc: {  	v3 =	vld [tilespmem:s7+$0xFFFFFF80];
	_ =	sdelay $0x4  }
0x1fd: {  	v3 =	vmul.f32 v3, v2;
	_ =	sdelay $0x1  }
0x1fe: {  	[tilespmem:s3+$0xFFFFFF80] =	vst v3  }
0x1ff: {  	v3 =	vld [tilespmem:s7+$0xFFFFFF90];
	_ =	sdelay $0x4  }
0x200: {  	v3 =	vmul.f32 v3, v2;
	_ =	sdelay $0x1  }
0x201: {  	[tilespmem:s3+$0xFFFFFF90] =	vst v3  }
0x202: {  	v3 =	vld [tilespmem:s7+$0xFFFFFFA0];
	_ =	sdelay $0x4  }
0x203: {  	v3 =	vmul.f32 v3, v2;
	_ =	sdelay $0x1  }
0x204: {  	s16 =	sadd.s32 $0x2, s4;
	[tilespmem:s3+$0xFFFFFFA0] =	vst v3  }
0x205: {  	v4 =	vmov s16;
	v3 =	vld [tilespmem:s7+$0xFFFFFFB0]  }
0x206: {  	v4 =	vand.u32 $0xFFFFFFFE, v4  }
0x207: {  	v4 =	vbroadcast v4, $0x0;
	_ =	sdelay $0x2  }
0x208: {  	v2 =	vmul.f32 v3, v2;
	_ =	sdelay $0x1  }
0x209: {  	[tilespmem:s3+$0xFFFFFFB0] =	vst v2  }
0x20a: {  	v2 =	vld.idx.msk [tilespmem:v4+s21+$0x0], $0xffff  }
0x20b: {  	v3 =	vld [tilespmem:s7+$0x0];
	_ =	sdelay $0x4  }
0x20c: {  	v3 =	vmul.f32 v3, v2;
	_ =	sdelay $0x1  }
0x20d: {  	[tilespmem:s3+$0x0] =	vst v3  }
0x20e: {  	v3 =	vld [tilespmem:s7+$0x10];
	_ =	sdelay $0x4  }
0x20f: {  	v3 =	vmul.f32 v3, v2;
	_ =	sdelay $0x1  }
0x210: {  	[tilespmem:s3+$0x10] =	vst v3  }
0x211: {  	v3 =	vld [tilespmem:s7+$0x20];
	_ =	sdelay $0x4  }
0x212: {  	v3 =	vmul.f32 v3, v2;
	_ =	sdelay $0x1  }
0x213: {  	[tilespmem:s3+$0x20] =	vst v3  }
0x214: {  	v3 =	vld [tilespmem:s7+$0x30];
	_ =	sdelay $0x1  }
0x215: {  	s16 =	sadd.s32 $0x3, s4;
	s4 =	smov.u32 s26  }
0x216: {  	v4 =	vmov s16;
	_ =	sdelay $0x1  }
0x217: {  	v2 =	vmul.f32 v3, v2;
	_ =	sdelay $0x1  }
0x218: {  	[tilespmem:s3+$0x30] =	vst v2  }
0x219: {  	v2 =	vld.idx.msk [tilespmem:v4+s21+$0x0], $0xffff  }
0x21a: {  	v3 =	vld [tilespmem:s7+$0x80];
	_ =	sdelay $0x4  }
0x21b: {  	v3 =	vmul.f32 v3, v2;
	_ =	sdelay $0x1  }
0x21c: {  	[tilespmem:s3+$0x80] =	vst v3  }
0x21d: {  	v3 =	vld [tilespmem:s7+$0x90];
	_ =	sdelay $0x4  }
0x21e: {  	v3 =	vmul.f32 v3, v2;
	_ =	sdelay $0x1  }
0x21f: {  	[tilespmem:s3+$0x90] =	vst v3  }
0x220: {  	v3 =	vld [tilespmem:s7+$0xA0];
	_ =	sdelay $0x3  }
.Ltmp11:
0x221: {  	(pc) =	sbr.rel @p2 .LBB2_20-.Ltmp11, $3  }
0x222: {  	v3 =	vmul.f32 v3, v2;
	_ =	sdelay $0x1  }
0x223: {  	[tilespmem:s3+$0xA0] =	vst v3  }
0x224: {  	s26 =	sadd.s32 $0x4, s26;
	v4 =	vmov s4;
	v3 =	vld [tilespmem:s7+$0xB0]  }
0x225: {  	v4 =	vand.u32 $0xFFFFFFFC, v4  }
0x226: {  	v4 =	vbroadcast v4, $0x0;
	_ =	sdelay $0x2  }
0x227: {  	v2 =	vmul.f32 v3, v2;
	_ =	sdelay $0x1  }
0x228: {  	[tilespmem:s3+$0xB0] =	vst v2  }
0x229: {  	s7 =	sadd.s32 $0x200, s7;
	v2 =	vld.idx.msk [tilespmem:v4+s21+$0x0], $0xffff  }
0x22a: {  	v3 =	vld [tilespmem:s7+$0xFFFFFF00];
	_ =	sdelay $0x4  }
0x22b: {  	v3 =	vmul.f32 v3, v2  }
0x22c: {  	s3 =	sadd.s32 $0x200, s3  }
0x22d: {  	[tilespmem:s3+$0xFFFFFF00] =	vst v3  }
0x22e: {  	v3 =	vld [tilespmem:s7+$0xFFFFFF10];
	_ =	sdelay $0x4  }
0x22f: {  	v3 =	vmul.f32 v3, v2;
	_ =	sdelay $0x1  }
0x230: {  	[tilespmem:s3+$0xFFFFFF10] =	vst v3  }
0x231: {  	v3 =	vld [tilespmem:s7+$0xFFFFFF20];
	_ =	sdelay $0x4  }
0x232: {  	v3 =	vmul.f32 v3, v2;
	_ =	sdelay $0x1  }
0x233: {  	s16 =	sadd.s32 $0x1, s4;
	[tilespmem:s3+$0xFFFFFF20] =	vst v3  }
0x234: {  	v61 =	vmov s16;
	v3 =	vld [tilespmem:s7+$0xFFFFFF30]  }
0x235: {  	v4 =	vand.u32 $0xFFFFFFFD, v61  }
0x236: {  	v4 =	vbroadcast v4, $0x0;
	_ =	sdelay $0x2  }
0x237: {  	v2 =	vmul.f32 v3, v2;
	_ =	sdelay $0x1  }
0x238: {  	[tilespmem:s3+$0xFFFFFF30] =	vst v2  }
0x239: {  	v2 =	vld.idx.msk [tilespmem:v4+s21+$0x0], $0xffff  }
0x23a: {  	v3 =	vld [tilespmem:s7+$0xFFFFFF80];
	_ =	sdelay $0x4  }
0x23b: {  	v3 =	vmul.f32 v3, v2;
	_ =	sdelay $0x1  }
0x23c: {  	[tilespmem:s3+$0xFFFFFF80] =	vst v3  }
0x23d: {  	v3 =	vld [tilespmem:s7+$0xFFFFFF90];
	_ =	sdelay $0x4  }
0x23e: {  	v3 =	vmul.f32 v3, v2;
	_ =	sdelay $0x1  }
0x23f: {  	[tilespmem:s3+$0xFFFFFF90] =	vst v3  }
0x240: {  	v3 =	vld [tilespmem:s7+$0xFFFFFFA0];
	_ =	sdelay $0x4  }
0x241: {  	v3 =	vmul.f32 v3, v2;
	_ =	sdelay $0x1  }
0x242: {  	s17 =	sadd.s32 $0x2, s4;
	[tilespmem:s3+$0xFFFFFFA0] =	vst v3  }
0x243: {  	v62 =	vmov s17;
	v3 =	vld [tilespmem:s7+$0xFFFFFFB0]  }
0x244: {  	v4 =	vand.u32 $0xFFFFFFFE, v62  }
0x245: {  	v4 =	vbroadcast v4, $0x0;
	_ =	sdelay $0x2  }
0x246: {  	v2 =	vmul.f32 v3, v2;
	_ =	sdelay $0x1  }
0x247: {  	[tilespmem:s3+$0xFFFFFFB0] =	vst v2  }
0x248: {  	v2 =	vld.idx.msk [tilespmem:v4+s21+$0x0], $0xffff  }
0x249: {  	v3 =	vld [tilespmem:s7+$0x0];
	_ =	sdelay $0x4  }
0x24a: {  	v3 =	vmul.f32 v3, v2;
	_ =	sdelay $0x1  }
0x24b: {  	[tilespmem:s3+$0x0] =	vst v3  }
0x24c: {  	v3 =	vld [tilespmem:s7+$0x10];
	_ =	sdelay $0x4  }
0x24d: {  	v3 =	vmul.f32 v3, v2;
	_ =	sdelay $0x1  }
0x24e: {  	[tilespmem:s3+$0x10] =	vst v3  }
0x24f: {  	v3 =	vld [tilespmem:s7+$0x20];
	_ =	sdelay $0x4  }
0x250: {  	v3 =	vmul.f32 v3, v2;
	_ =	sdelay $0x1  }
0x251: {  	[tilespmem:s3+$0x20] =	vst v3  }
0x252: {  	v3 =	vld [tilespmem:s7+$0x30];
	_ =	sdelay $0x1  }
0x253: {  	s26 =	sadd.s32 $0x3, s4  }
0x254: {  	v63 =	vmov s26;
	_ =	sdelay $0x1  }
0x255: {  	v2 =	vmul.f32 v3, v2;
	_ =	sdelay $0x1  }
0x256: {  	[tilespmem:s3+$0x30] =	vst v2  }
0x257: {  	v2 =	vld.idx.msk [tilespmem:v63+s21+$0x0], $0xffff  }
0x258: {  	v3 =	vld [tilespmem:s7+$0x80];
	_ =	sdelay $0x4  }
0x259: {  	v3 =	vmul.f32 v3, v2;
	_ =	sdelay $0x1  }
0x25a: {  	[tilespmem:s3+$0x80] =	vst v3  }
0x25b: {  	v3 =	vld [tilespmem:s7+$0x90];
	_ =	sdelay $0x4  }
0x25c: {  	v3 =	vmul.f32 v3, v2;
	_ =	sdelay $0x1  }
0x25d: {  	[tilespmem:s3+$0x90] =	vst v3  }
0x25e: {  	v3 =	vld [tilespmem:s7+$0xA0];
	_ =	sdelay $0x4  }
0x25f: {  	v3 =	vmul.f32 v3, v2;
	_ =	sdelay $0x1  }
0x260: {  	[tilespmem:s3+$0xA0] =	vst v3  }
0x261: {  	v3 =	vld [tilespmem:s7+$0xB0];
	_ =	sdelay $0x4  }
0x262: {  	s13 =	sadd.s32 $0x1, s13;
	v2 =	vmul.f32 v3, v2  }
0x263: {  	p2 =	sne.s32 s13, $0x140  }
.Ltmp12:
0x264: {  	[tilespmem:s3+$0xB0] =	vst v2;
	(pc) =	sbr.rel @p2 .LBB2_19-.Ltmp12, $4  }
0x265: {  	[spmem:s12] =	stream.indirect.scatter.add.f32 [tilespmem:s28], [sflag:$0x3], $0x40, s25, s19, $0xb8;
	[tilespmem:$0x11AF0] =	vst v63  }
0x266: {  	_ =	swait.ge [sflag:s8], $0x1000  }
0x267: {  	[sflag:s8] =	ssyncset.done $0x0  }
0x268: {  	[sflag:s8] =	ssyncadd.s32 $0xFFFFF000  }
.Ltmp13:
0x269: {  	(pc) =	sbr.rel @p1 .LBB2_24-.Ltmp13, $2  }
0x26a: {  	_ =	sdelay $0x1  }
0x26b: {  	[bflag:$0x0] =	sbarrier.arrive $0xFFFF;
	_ =	sdelay $0x1  }
0x26c: {  	s3 =	rddreg [dreg:$0x10]  }
0x26d: {  	[tilespmem:s28], [sflag:$0x3] =	stream.linear.gather [spmem:s3], $0x2000, $0x38;
	[tilespmem:$0x11AF0] =	vst v63  }
0x26e: {  	_ =	swait.ge [sflag:s8], $0x2000  }
0x26f: {  	[sflag:s8] =	ssyncset.done $0x0  }
0x270: {  	s13 =	rddreg [dreg:$0x5];
	[sflag:s8] =	ssyncadd.s32 $0xFFFFE000  }
0x271: {  	[hbm4b:s13+s2] =	stream.linear.scatter [tilespmem:s28], [sflag:$0x3], $0x2000, $0x38;
	[tilespmem:$0x11AF0] =	vst v63  }
0x272: {  	_ =	swait.ge [sflag:s8], $0x2000  }
0x273: {  	[sflag:s8] =	ssyncset.done $0x0  }
0x274: {  	s16 =	rddreg [dreg:$0x11];
	[sflag:s8] =	ssyncadd.s32 $0xFFFFE000  }
0x275: {  	[tilespmem:s28], [sflag:$0x3] =	stream.linear.gather [spmem:s16], $0x2000, $0x38;
	[tilespmem:$0x11AF0] =	vst v63  }
0x276: {  	_ =	swait.ge [sflag:s8], $0x2000  }
0x277: {  	[sflag:s8] =	ssyncset.done $0x0  }
0x278: {  	s17 =	rddreg [dreg:$0x6];
	[sflag:s8] =	ssyncadd.s32 $0xFFFFE000  }
0x279: {  	[hbm4b:s17+s2] =	stream.linear.scatter [tilespmem:s28], [sflag:$0x3], $0x2000, $0x38;
	[tilespmem:$0x11AF0] =	vst v63  }
0x27a: {  	_ =	swait.ge [sflag:s8], $0x2000  }
0x27b: {  	[sflag:s8] =	ssyncset.done $0x0  }
0x27c: {  	s26 =	rddreg [dreg:$0x12];
	[sflag:s8] =	ssyncadd.s32 $0xFFFFE000  }
0x27d: {  	[tilespmem:s28], [sflag:$0x3] =	stream.linear.gather [spmem:s26], $0x2000, $0x38;
	[tilespmem:$0x11AF0] =	vst v63  }
0x27e: {  	_ =	swait.ge [sflag:s8], $0x2000  }
0x27f: {  	[sflag:s8] =	ssyncset.done $0x0  }
0x280: {  	s31 =	rddreg [dreg:$0x7];
	[sflag:s8] =	ssyncadd.s32 $0xFFFFE000  }
0x281: {  	[hbm4b:s31+s2] =	stream.linear.scatter [tilespmem:s28], [sflag:$0x3], $0x2000, $0x38;
	[tilespmem:$0x11AF0] =	vst v63  }
0x282: {  	_ =	swait.ge [sflag:s8], $0x2000  }
0x283: {  	[sflag:s8] =	ssyncset.done $0x0  }
0x284: {  	s4 =	rddreg [dreg:$0x13];
	[sflag:s8] =	ssyncadd.s32 $0xFFFFE000  }
0x285: {  	[tilespmem:s28], [sflag:$0x3] =	stream.linear.gather [spmem:s4], $0x2000, $0x38;
	[tilespmem:$0x11AF0] =	vst v63  }
0x286: {  	_ =	swait.ge [sflag:s8], $0x2000  }
0x287: {  	[sflag:s8] =	ssyncset.done $0x0  }
0x288: {  	s7 =	rddreg [dreg:$0x8];
	[sflag:s8] =	ssyncadd.s32 $0xFFFFE000  }
0x289: {  	[hbm4b:s7+s2] =	stream.linear.scatter [tilespmem:s28], [sflag:$0x3], $0x2000, $0x38;
	[tilespmem:$0x11AF0] =	vst v63  }
0x28a: {  	_ =	swait.ge [sflag:s8], $0x2000  }
0x28b: {  	[sflag:s8] =	ssyncset.done $0x0  }
0x28c: {  	s13 =	rddreg [dreg:$0x14];
	[sflag:s8] =	ssyncadd.s32 $0xFFFFE000  }
0x28d: {  	[tilespmem:s28], [sflag:$0x3] =	stream.linear.gather [spmem:s13], $0x2000, $0x38;
	[tilespmem:$0x11AF0] =	vst v63  }
0x28e: {  	_ =	swait.ge [sflag:s8], $0x2000  }
0x28f: {  	[sflag:s8] =	ssyncset.done $0x0  }
0x290: {  	s16 =	rddreg [dreg:$0x9];
	[sflag:s8] =	ssyncadd.s32 $0xFFFFE000  }
0x291: {  	[hbm4b:s16+s2] =	stream.linear.scatter [tilespmem:s28], [sflag:$0x3], $0x2000, $0x38;
	[tilespmem:$0x11AF0] =	vst v63  }
0x292: {  	_ =	swait.ge [sflag:s8], $0x2000  }
0x293: {  	[sflag:s8] =	ssyncset.done $0x0  }
0x294: {  	s17 =	rddreg [dreg:$0x15];
	[sflag:s8] =	ssyncadd.s32 $0xFFFFE000  }
0x295: {  	[tilespmem:s28], [sflag:$0x3] =	stream.linear.gather [spmem:s17], $0x2000, $0x38;
	[tilespmem:$0x11AF0] =	vst v63  }
0x296: {  	_ =	swait.ge [sflag:s8], $0x2000  }
0x297: {  	[sflag:s8] =	ssyncset.done $0x0  }
0x298: {  	s26 =	rddreg [dreg:$0xa];
	[sflag:s8] =	ssyncadd.s32 $0xFFFFE000  }
0x299: {  	[hbm4b:s26+s2] =	stream.linear.scatter [tilespmem:s28], [sflag:$0x3], $0x2000, $0x38;
	[tilespmem:$0x11AF0] =	vst v63  }
0x29a: {  	_ =	swait.ge [sflag:s8], $0x2000  }
0x29b: {  	[sflag:s8] =	ssyncset.done $0x0  }
0x29c: {  	s31 =	rddreg [dreg:$0x16];
	[sflag:s8] =	ssyncadd.s32 $0xFFFFE000  }
0x29d: {  	[tilespmem:s28], [sflag:$0x3] =	stream.linear.gather [spmem:s31], $0x2000, $0x38;
	[tilespmem:$0x11AF0] =	vst v63  }
0x29e: {  	_ =	swait.ge [sflag:s8], $0x2000  }
0x29f: {  	[sflag:s8] =	ssyncset.done $0x0  }
0x2a0: {  	s4 =	rddreg [dreg:$0xb];
	[sflag:s8] =	ssyncadd.s32 $0xFFFFE000  }
0x2a1: {  	[hbm4b:s4+s2] =	stream.linear.scatter [tilespmem:s28], [sflag:$0x3], $0x2000, $0x38;
	[tilespmem:$0x11AF0] =	vst v63  }
0x2a2: {  	_ =	swait.ge [sflag:s8], $0x2000  }
0x2a3: {  	s7 =	sld [smem:$0x7EE]  }
0x2a4: {  	[sflag:s8] =	ssyncset.done $0x0  }
0x2a5: {  	[sflag:s8] =	ssyncadd.s32 $0xFFFFE000  }
0x2a6: {  	[tilespmem:s28], [sflag:$0x3] =	stream.linear.gather [spmem:s7], $0x2000, $0x38;
	[tilespmem:$0x11AF0] =	vst v63  }
0x2a7: {  	_ =	swait.ge [sflag:s8], $0x2000  }
0x2a8: {  	[sflag:s8] =	ssyncset.done $0x0  }
0x2a9: {  	s13 =	rddreg [dreg:$0xc];
	[sflag:s8] =	ssyncadd.s32 $0xFFFFE000  }
0x2aa: {  	[hbm4b:s13+s2] =	stream.linear.scatter [tilespmem:s28], [sflag:$0x3], $0x2000, $0x38;
	[tilespmem:$0x11AF0] =	vst v63  }
0x2ab: {  	_ =	swait.ge [sflag:s8], $0x2000  }
0x2ac: {  	s16 =	sld [smem:$0x7F1]  }
0x2ad: {  	[sflag:s8] =	ssyncset.done $0x0  }
0x2ae: {  	[sflag:s8] =	ssyncadd.s32 $0xFFFFE000  }
0x2af: {  	[tilespmem:s28], [sflag:$0x3] =	stream.linear.gather [spmem:s16], $0x2000, $0x38;
	[tilespmem:$0x11AF0] =	vst v63  }
0x2b0: {  	_ =	swait.ge [sflag:s8], $0x2000  }
0x2b1: {  	[sflag:s8] =	ssyncset.done $0x0  }
0x2b2: {  	s17 =	rddreg [dreg:$0xd];
	[sflag:s8] =	ssyncadd.s32 $0xFFFFE000  }
0x2b3: {  	[hbm4b:s17+s2] =	stream.linear.scatter [tilespmem:s28], [sflag:$0x3], $0x2000, $0x38;
	[tilespmem:$0x11AF0] =	vst v63  }
0x2b4: {  	_ =	swait.ge [sflag:s8], $0x2000  }
0x2b5: {  	s26 =	sld [smem:$0x7F4]  }
0x2b6: {  	[sflag:s8] =	ssyncset.done $0x0  }
0x2b7: {  	[sflag:s8] =	ssyncadd.s32 $0xFFFFE000  }
0x2b8: {  	[tilespmem:s28], [sflag:$0x3] =	stream.linear.gather [spmem:s26], $0x1800, $0x38;
	[tilespmem:$0x11AF0] =	vst v63  }
0x2b9: {  	_ =	swait.ge [sflag:s8], $0x1800  }
0x2ba: {  	[sflag:s8] =	ssyncset.done $0x0  }
0x2bb: {  	s31 =	rddreg [dreg:$0xe];
	[sflag:s8] =	ssyncadd.s32 $0xFFFFE800  }
0x2bc: {  	[hbm4b:s31+s2] =	stream.linear.scatter [tilespmem:s28], [sflag:$0x3], $0x1800, $0x38;
	[tilespmem:$0x11AF0] =	vst v63  }
0x2bd: {  	_ =	swait.ge [sflag:s8], $0x1800  }
0x2be: {  	s4 =	sld [smem:$0x7F7]  }
0x2bf: {  	[sflag:s8] =	ssyncset.done $0x0  }
0x2c0: {  	s3 =	simm.s32 @!p0 $0x5700;
	[sflag:s8] =	ssyncadd.s32 $0xFFFFE800  }
0x2c1: {  	[tilespmem:s3], [sflag:$0x3] =	stream.linear.gather @!p0 [spmem:s4], $0x1390, $0x38;
	[tilespmem:$0x11AF0] =	vst v63  }
0x2c2: {  	s4 =	simm.s32 @!p0 $0x3  }
0x2c3: {  	_ =	swait.ge @!p0 [sflag:s4], $0x1390  }
0x2c4: {  	s7 =	simm.s32 @!p0 $0x0;
	[sflag:s4] =	ssyncset.done @!p0 $0x0  }
.Ltmp14:
0x2c5: {  	s13 =	rddreg [dreg:$0x17];
	[sflag:s4] =	ssyncadd.s32 @!p0 $0xFFFFEC70;
	(pc) =	sbr.rel .LBB2_25-.Ltmp14, $4  }
0x2c6: {  	[hbm4b:s13+s7] =	stream.linear.scatter @!p0 [tilespmem:s3], [sflag:$0x3], $0x1390, $0x38;
	[tilespmem:$0x11AF0] =	vst v63  }
0x2c7: {  	_ =	swait.ge @!p0 [sflag:s4], $0x1390  }
0x2c8: {  	[sflag:s4] =	ssyncset.done @!p0 $0x0  }
0x2c9: {  	[sflag:s4] =	ssyncadd.s32 @!p0 $0xFFFFEC70  }
.LBB2_26:
0x2ca: {  	_ =	sfence.sel $0x180000  }
0x2cb: {  	[bflag:$0x0] =	sbarrier.arrive $0xFFFF  }
0x2cc: {  	_ =	strace $0x90000047  }
0x2cd: {  	s0 =	stileid.u32;
	[bflag:$0x2] =	sbarrier.arrive $0xFFFF  }
0x2ce: {  	p0 =	sne.s32 s0, $0x0;
	s0 =	rddreg [dreg:$0x4]  }
0x2cf: {  	s0 =	sadd.s32 @!p0 $0x100000, s0  }
0x2d0: {  	[sflag:s0] =	ssyncadd.tile.s32 @!p0 $0x1;
	_ =	shalt  }
.Lfunc_end2:
_tile_overlayer_lowered:
.L_overlay_start_2:
0x2d1: {  	(tag) =	ssettag $0x2  }
0x2d2: {  	s0 =	rddreg [dreg:$0x0];
	s2 =	stileid.u32  }
0x2d3: {  	s1 =	rddreg [dreg:$0x1];
	p0 =	sne.s32 s2, $0x0  }
0x2d4: {  	s3 =	rddreg [dreg:$0x2];
	[bflag:$0x3] =	sbarrier.arrive $0xFFFF;
	s2 =	simm.s32 @!p0 $0x1C03  }
0x2d5: {  	[timem:s3], [sflag:s2] =	dma.local @!p0 [hbm:s0], s1  }
0x2d6: {  	s0 =	simm.s32 @!p0 $0x3  }
0x2d7: {  	_ =	swait.ge @!p0 [sflag:s0], s1  }
0x2d8: {  	s1 =	ssub.s32 @!p0 $0x0, s1;
	[sflag:s0] =	ssyncset.done @!p0 $0x0  }
0x2d9: {  	[sflag:s0] =	ssyncadd.s32 @!p0 s1  }
0x2da: {  	[bflag:$0x3] =	sbarrier.arrive $0xFFFF  }
0x2db: {  	_ =	shalt  }

</sc_bundles>
